<compile_context>
chip_gen: v7x
topology: tpu7x:2x2x1
jax: 0.10.2.dev20260603
libtpu: 0.0.44.dev20260713+nightly
codegen_flags: <defaults>
</compile_context>

<pallas_src>
import functools

import jax
import jax.numpy as jnp
from jax import lax
from jax.experimental import pallas as pl
from jax.experimental.pallas import tpu as pltpu
from jax.experimental.pallas import tpu_sc as plsc

N = 10000
E = 320000
D = 128
NC = 2
NS = 16
NW = NC * NS
EPT = E // NW
BT = 56
NB = 180
EPT_PAD = NB * BT
PAD_E = EPT_PAD - EPT
NPAD = N + 16
NACC = 2
RZ = NACC * NPAD // NS
RW = N // NS
NI = NB // 4


@functools.cache
def _make_sc_degrees():
    return functools.partial(
        pl.kernel,
        mesh=plsc.VectorSubcoreMesh(core_axis_name="c", subcore_axis_name="s"),
        out_type=[
            jax.ShapeDtypeStruct((NW, NPAD), jnp.float32),
            jax.ShapeDtypeStruct((NW, NPAD), jnp.float32),
        ],
        scratch_types=[
            pltpu.VMEM((EPT,), jnp.int32),
            pltpu.VMEM((EPT,), jnp.int32),
            pltpu.VMEM((NPAD,), jnp.float32),
            pltpu.VMEM((NPAD,), jnp.float32),
        ],
        compiler_params=pltpu.CompilerParams(needs_layout_passes=False),
    )(_sc_degrees_body)


def _sc_degrees_body(src_hbm, dst_hbm, dout_hbm, din_hbm, src_v, dst_v, do_v, di_v):
    c = lax.axis_index("c")
    s = lax.axis_index("s")
    w = c * NS + s
    pltpu.sync_copy(src_hbm.at[pl.ds(w * EPT, EPT)], src_v)
    pltpu.sync_copy(dst_hbm.at[pl.ds(w * EPT, EPT)], dst_v)

    zeros = jnp.zeros((16,), jnp.float32)

    def zbody(i, carry):
        do_v[pl.ds(i * 16, 16)] = zeros
        di_v[pl.ds(i * 16, 16)] = zeros
        return carry

    lax.fori_loop(0, NPAD // 16, zbody, 0)

    ones = jnp.ones((16,), jnp.float32)

    def body(i, carry):
        si = src_v[pl.ds(i * 16, 16)]
        di = dst_v[pl.ds(i * 16, 16)]
        plsc.addupdate_scatter(do_v, [si], ones)
        plsc.addupdate_scatter(di_v, [di], ones)
        return carry

    lax.fori_loop(0, EPT // 16, body, 0)

    pltpu.sync_copy(do_v, dout_hbm.at[w])
    pltpu.sync_copy(di_v, din_hbm.at[w])


@functools.cache
def _make_sc_aggregate():
    return functools.partial(
        pl.kernel,
        mesh=plsc.VectorSubcoreMesh(core_axis_name="c", subcore_axis_name="s"),
        out_type=jax.ShapeDtypeStruct((NC, NACC, N, D), jnp.bfloat16),
        scratch_types=[
            pltpu.VMEM((NB, BT), jnp.int32),
            pltpu.VMEM((NB, BT), jnp.int32),
            pltpu.VMEM((BT, D), jnp.bfloat16),
            pltpu.VMEM((BT, D), jnp.bfloat16),
            pltpu.VMEM((BT, D), jnp.bfloat16),
            pltpu.VMEM((BT, D), jnp.bfloat16),
            pltpu.VMEM((BT, D), jnp.bfloat16),
            pltpu.VMEM((BT, D), jnp.bfloat16),
            pltpu.VMEM_SHARED((NACC * NPAD, D), jnp.bfloat16),
        ] + [pltpu.SemaphoreType.DMA] * 12,
        compiler_params=pltpu.CompilerParams(
            needs_layout_passes=False, use_tc_tiling_on_sc=False
        ),
    )(_sc_aggregate_body)


def _sc_aggregate_body(tbl_hbm, srcp_hbm, dstp_hbm, out_hbm,
                       srcp_v, dstp_v, r0, r1, r2, r3, r4, r5, acc_sh,
                       *sems):
    c = lax.axis_index("c")
    s = lax.axis_index("s")
    w = c * NS + s
    tbl = tbl_hbm
    pltpu.sync_copy(srcp_hbm.at[w], srcp_v)
    pltpu.sync_copy(dstp_hbm.at[w], dstp_v)

    rows = [r0, r1, r2, r3, r4, r5]
    gsem = list(sems[:6])
    ssem = list(sems[6:])

    zeros = jnp.zeros((32,), jnp.bfloat16)

    def zbody(i, carry):
        r0[i // (D // 32), pl.ds((i % (D // 32)) * 32, 32)] = zeros
        return carry

    lax.fori_loop(0, BT * (D // 32), zbody, 0)

    base = s * RZ
    nfull = RZ // BT
    rem = RZ - nfull * BT

    def zcopy(k, carry):
        pltpu.sync_copy(r0, acc_sh.at[pl.ds(base + k * BT, BT)])
        return carry

    lax.fori_loop(0, nfull, zcopy, 0)
    pltpu.sync_copy(r0.at[pl.ds(0, rem)], acc_sh.at[pl.ds(base + nfull * BT, rem)])
    plsc.subcore_barrier()

    def gather(j, p):
        pltpu.async_copy(tbl.at[srcp_v.at[j]], rows[p], gsem[p])

    def gwait(j, p):
        pltpu.make_async_copy(tbl.at[srcp_v.at[j]], rows[p], gsem[p]).wait()

    def scat(j, p):
        pltpu.async_copy(rows[p], acc_sh.at[dstp_v.at[j]], ssem[p], add=True)

    def swait(j, p):
        pltpu.make_async_copy(rows[p], acc_sh.at[dstp_v.at[j]], ssem[p]).wait()

    gather(0, 0)
    gather(1, 1)
    gather(2, 2)

    def stage(i, j, p, head):
        gwait(j, p)
        scat(j, p)
        p3 = (p + 3) % 6

        def drain_and_refill():
            swait(j - 3, p3)

            @pl.when(j + 3 < NB)
            def _():
                gather(j + 3, p3)

        if head:
            @pl.when(i > 0)
            def _():
                drain_and_refill()

            @pl.when(i == 0)
            def _():
                gather(j + 3, p3)
        else:
            drain_and_refill()

    def body(i, carry):
        j0 = 6 * i
        for p in range(6):
            stage(i, j0 + p, p, p < 3)
        return carry

    lax.fori_loop(0, NB // 6, body, 0)
    for j in range(NB - 3, NB):
        swait(j, j % 6)
    plsc.subcore_barrier()
    for k in range(NACC):
        pltpu.sync_copy(
            acc_sh.at[pl.ds(k * NPAD + s * RW, RW)],
            out_hbm.at[c, k, pl.ds(s * RW, RW)],
        )


def _tc_norm_body(dop_ref, dip_ref, ns_ref, nd_ref):
    dsum_o = jnp.sum(dop_ref[...], axis=0, keepdims=True)
    dsum_i = jnp.sum(dip_ref[...], axis=0, keepdims=True)
    ns_ref[...] = jnp.where(dsum_o > 0.0, lax.rsqrt(jnp.maximum(dsum_o, 1.0)), 0.0)
    nd_ref[...] = jnp.where(dsum_i > 0.0, lax.rsqrt(jnp.maximum(dsum_i, 1.0)), 0.0)


_tc_norm = pl.pallas_call(
    _tc_norm_body,
    out_shape=[
        jax.ShapeDtypeStruct((1, NPAD), jnp.float32),
        jax.ShapeDtypeStruct((1, NPAD), jnp.float32),
    ],
)


def _tc_scale_body(x_ref, ns_ref, xs_ref):
    xs_ref[...] = (x_ref[...] * ns_ref[...]).astype(jnp.bfloat16)


_tc_scale = pl.pallas_call(
    _tc_scale_body,
    out_shape=jax.ShapeDtypeStruct((N, D), jnp.bfloat16),
)


def _sum_planes(p_ref):
    agg = p_ref[0, 0].astype(jnp.float32)
    for c in range(NC):
        for k in range(NACC):
            if c == 0 and k == 0:
                continue
            agg += p_ref[c, k].astype(jnp.float32)
    return agg


def _tc_mid_body(p_ref, nd_ref, ns_ref, w1_ref, b1_ref, hs_ref):
    agg = _sum_planes(p_ref) * nd_ref[...]
    h = jnp.dot(agg, w1_ref[...], preferred_element_type=jnp.float32) + b1_ref[...]
    hs_ref[...] = (h * ns_ref[...]).astype(jnp.bfloat16)


_tc_mid = pl.pallas_call(
    _tc_mid_body,
    out_shape=jax.ShapeDtypeStruct((N, D), jnp.bfloat16),
)


def _tc_final_body(p_ref, nd_ref, wm_ref, bm_ref, ws_ref, bs_ref, noise_ref, z_ref):
    agg = _sum_planes(p_ref) * nd_ref[...]
    mean = jnp.dot(agg, wm_ref[...], preferred_element_type=jnp.float32) + bm_ref[...]
    logstd = jnp.dot(agg, ws_ref[...], preferred_element_type=jnp.float32) + bs_ref[...]
    z_ref[...] = noise_ref[...] * jnp.exp(logstd) + mean


_tc_final = pl.pallas_call(
    _tc_final_body,
    out_shape=jax.ShapeDtypeStruct((N, D), jnp.float32),
)


def kernel(x, edge_index, W1, b1, Wm, bm, Ws, bs):
    src = edge_index[0].astype(jnp.int32)
    dst = edge_index[1].astype(jnp.int32)

    srcp = jnp.pad(src.reshape(NW, EPT), ((0, 0), (0, PAD_E))).reshape(NW, NB, BT)
    dpad = (jnp.arange(NW, dtype=jnp.int32) % 16 + N)[:, None]
    dstp = jnp.concatenate(
        [dst.reshape(NW, EPT), jnp.broadcast_to(dpad, (NW, PAD_E))], axis=1
    ).reshape(NW, NB, BT)
    plane = (jnp.arange(NB, dtype=jnp.int32) % NACC) * NPAD
    dstp = dstp + plane[None, :, None]

    degp_out, degp_in = _make_sc_degrees()(src, dst)
    ns_row, nd_row = _tc_norm(degp_out, degp_in)
    ns = ns_row.reshape(NPAD, 1)[:N]
    nd = nd_row.reshape(NPAD, 1)[:N]

    xs = _tc_scale(x, ns)
    sc_agg = _make_sc_aggregate()
    agg1 = sc_agg(xs, srcp, dstp)
    hs = _tc_mid(agg1, nd, ns, W1, b1.reshape(1, D))
    agg2 = sc_agg(hs, srcp, dstp)

    noise = jax.random.normal(jax.random.key(42), (N, D), dtype=jnp.float32)
    z = _tc_final(agg2, nd, Wm, bm.reshape(1, D), Ws, bs.reshape(1, D), noise)
    return z

# --- scband reference (transcript-rebuilt; emitter-appended) ---
"""Pipeline reference for scband-encoder-10797547782618 (READ-ONLY COPY).

The authoritative reference and input builder live on the scoring server;
editing this copy changes nothing except your own understanding.
"""

import jax, jax.numpy as jnp
import numpy as np

N_NODES = 10000
N_EDGES = 320000
D_IN = 128
D_OUT = 128

def setup_inputs(seed: int = 0) -> dict:
    key = jax.random.key(seed)
    ks = jax.random.split(key, 8)
    x = jax.random.normal(ks[0], (N_NODES, D_IN), dtype=jnp.float32)
    edge_index = jax.random.randint(ks[1], (2, N_EDGES), 0, N_NODES, dtype=jnp.int64)
    s1 = 1.0 / np.sqrt(D_IN)
    s2 = 1.0 / np.sqrt(D_OUT)
    W1 = jax.random.uniform(ks[2], (D_IN, D_OUT), dtype=jnp.float32, minval=-s1, maxval=s1)
    b1 = jnp.zeros((D_OUT,), dtype=jnp.float32)
    Wm = jax.random.uniform(ks[3], (D_OUT, D_OUT), dtype=jnp.float32, minval=-s2, maxval=s2)
    bm = jnp.zeros((D_OUT,), dtype=jnp.float32)
    Ws = jax.random.uniform(ks[4], (D_OUT, D_OUT), dtype=jnp.float32, minval=-s2, maxval=s2)
    bs = jnp.zeros((D_OUT,), dtype=jnp.float32)
    return {"x": x, "edge_index": edge_index, "W1": W1, "b1": b1, "Wm": Wm, "bm": bm, "Ws": Ws, "bs": bs}

def _graph_conv(h, src, dst, norm_src, norm_dst, W, b):
    # DGL GraphConv with symmetric normalization: D^{-1/2} A D^{-1/2} h W + b
    hs = h * norm_src[:, None]
    msgs = jnp.take(hs, src, axis=0)
    agg = jnp.zeros((h.shape[0], h.shape[1]), dtype=h.dtype).at[dst].add(msgs)
    agg = agg * norm_dst[:, None]
    return agg @ W + b

def reference(x, edge_index, W1, b1, Wm, bm, Ws, bs):
    src = edge_index[0]
    dst = edge_index[1]
    n = x.shape[0]
    ones = jnp.ones((src.shape[0],), dtype=jnp.float32)
    deg_out = jnp.zeros((n,), dtype=jnp.float32).at[src].add(ones)
    deg_in = jnp.zeros((n,), dtype=jnp.float32).at[dst].add(ones)
    norm_src = jnp.where(deg_out > 0, jax.lax.rsqrt(jnp.maximum(deg_out, 1.0)), 0.0)
    norm_dst = jnp.where(deg_in > 0, jax.lax.rsqrt(jnp.maximum(deg_in, 1.0)), 0.0)
    h = _graph_conv(x, src, dst, norm_src, norm_dst, W1, b1)
    mean = _graph_conv(h, src, dst, norm_src, norm_dst, Wm, bm)
    logstddev = _graph_conv(h, src, dst, norm_src, norm_dst, Ws, bs)
    gaussian_noise = jax.random.normal(jax.random.key(42), mean.shape, dtype=jnp.float32)
    sampled_z = gaussian_noise * jnp.exp(logstddev) + mean
    return sampled_z

if __name__ == "__main__":
    import jax
    _d = setup_inputs()
    print(jax.jit(kernel)(*tuple(_d.values())))

</pallas_src>

<mosaic_0001>
#map = affine_map<(d0, d1) -> (0, 0)>
#map1 = affine_map<(d0, d1) -> (0, 0, 0)>
#map2 = affine_map<(d0, d1) -> (0, 0, 0, 0)>
module attributes {stable_mosaic.version = 14 : i64} {
  func.func @_sc_aggregate_body(%arg0: i32, %arg1: i32, %arg2: memref<10000x128xbf16, #tpu.memory_space<hbm>>, %arg3: memref<32x180x56xi32, #tpu.memory_space<hbm>>, %arg4: memref<32x180x56xi32, #tpu.memory_space<hbm>>, %arg5: memref<2x2x10000x128xbf16, #tpu.memory_space<hbm>>, %arg6: memref<180x56xi32, #tpu.memory_space<vmem>>, %arg7: memref<180x56xi32, #tpu.memory_space<vmem>>, %arg8: memref<56x128xbf16, #tpu.memory_space<vmem>>, %arg9: memref<56x128xbf16, #tpu.memory_space<vmem>>, %arg10: memref<56x128xbf16, #tpu.memory_space<vmem>>, %arg11: memref<56x128xbf16, #tpu.memory_space<vmem>>, %arg12: memref<56x128xbf16, #tpu.memory_space<vmem>>, %arg13: memref<56x128xbf16, #tpu.memory_space<vmem>>, %arg14: memref<20032x128xbf16, #tpu.memory_space<vmem_shared>>, %arg15: memref<!tpu.dma_semaphore, #tpu.memory_space<semaphore_mem>>, %arg16: memref<!tpu.dma_semaphore, #tpu.memory_space<semaphore_mem>>, %arg17: memref<!tpu.dma_semaphore, #tpu.memory_space<semaphore_mem>>, %arg18: memref<!tpu.dma_semaphore, #tpu.memory_space<semaphore_mem>>, %arg19: memref<!tpu.dma_semaphore, #tpu.memory_space<semaphore_mem>>, %arg20: memref<!tpu.dma_semaphore, #tpu.memory_space<semaphore_mem>>, %arg21: memref<!tpu.dma_semaphore, #tpu.memory_space<semaphore_mem>>, %arg22: memref<!tpu.dma_semaphore, #tpu.memory_space<semaphore_mem>>, %arg23: memref<!tpu.dma_semaphore, #tpu.memory_space<semaphore_mem>>, %arg24: memref<!tpu.dma_semaphore, #tpu.memory_space<semaphore_mem>>, %arg25: memref<!tpu.dma_semaphore, #tpu.memory_space<semaphore_mem>>, %arg26: memref<!tpu.dma_semaphore, #tpu.memory_space<semaphore_mem>>) attributes {dimension_semantics = [#tpu.dimension_semantics<core_parallel>, #tpu.dimension_semantics<subcore_parallel>], iteration_bounds = array<i64: 2, 16>, scalar_prefetch = 0 : i64, scratch_operands = 21 : i64, tpu.core_type = #tpu.core_type<sc_vector_subcore>, window_params = [{transform_indices = #map}, {transform_indices = #map1}, {transform_indices = #map1}, {transform_indices = #map2}]} {
    %mul3A = arith.constant 16 : i32
    %mul3A_0 = arith.muli %arg0, %mul3A : i32
    %add3A = arith.addi %mul3A_0, %arg1 : i32
    "tpu.region"() ({
      %run_scoped3A_77 = tpu.sem_alloc : memref<!tpu.dma_semaphore, #tpu.memory_space<semaphore_mem>>
      %dma_start3A_78 = arith.constant 0 : i32
      %dma_start3A_79 = arith.constant 0 : i32
      %dma_start3A_80 = tpu.memref_slice %arg3[%add3A, %dma_start3A_78, %dma_start3A_79] : memref<32x180x56xi32, #tpu.memory_space<hbm>> -> memref<1x180x56xi32, #tpu.memory_space<hbm>>
      %dma_start3A_81 = tpu.memref_squeeze %dma_start3A_80 : memref<1x180x56xi32, #tpu.memory_space<hbm>> -> memref<180x56xi32, #tpu.memory_space<hbm>>
      %dma_start3A_82 = arith.constant 0 : i32
      %dma_start3A_83 = arith.constant 0 : i32
      %dma_start3A_84 = tpu.memref_slice %arg3[%add3A, %dma_start3A_82, %dma_start3A_83] : memref<32x180x56xi32, #tpu.memory_space<hbm>> -> memref<1x180x56xi32, #tpu.memory_space<hbm>>
      %dma_start3A_85 = tpu.memref_squeeze %dma_start3A_84 : memref<1x180x56xi32, #tpu.memory_space<hbm>> -> memref<180x56xi32, #tpu.memory_space<hbm>>
      tpu.enqueue_dma source(%dma_start3A_85 : memref<180x56xi32, #tpu.memory_space<hbm>>) target(%arg6 : memref<180x56xi32, #tpu.memory_space<vmem>>) target_semaphore(%run_scoped3A_77 : memref<!tpu.dma_semaphore, #tpu.memory_space<semaphore_mem>>)
      %dma_wait3A_86 = arith.constant 0 : i32
      %dma_wait3A_87 = arith.constant 0 : i32
      %dma_wait3A_88 = tpu.memref_slice %arg3[%add3A, %dma_wait3A_86, %dma_wait3A_87] : memref<32x180x56xi32, #tpu.memory_space<hbm>> -> memref<1x180x56xi32, #tpu.memory_space<hbm>>
      %dma_wait3A_89 = tpu.memref_squeeze %dma_wait3A_88 : memref<1x180x56xi32, #tpu.memory_space<hbm>> -> memref<180x56xi32, #tpu.memory_space<hbm>>
      %dma_wait3A_90 = arith.constant 0 : i32
      %dma_wait3A_91 = arith.constant 0 : i32
      %dma_wait3A_92 = tpu.memref_slice %arg3[%add3A, %dma_wait3A_90, %dma_wait3A_91] : memref<32x180x56xi32, #tpu.memory_space<hbm>> -> memref<1x180x56xi32, #tpu.memory_space<hbm>>
      %dma_wait3A_93 = tpu.memref_squeeze %dma_wait3A_92 : memref<1x180x56xi32, #tpu.memory_space<hbm>> -> memref<180x56xi32, #tpu.memory_space<hbm>>
      tpu.wait_dma2 semaphore(%run_scoped3A_77 : memref<!tpu.dma_semaphore, #tpu.memory_space<semaphore_mem>>) src(%dma_wait3A_93 : memref<180x56xi32, #tpu.memory_space<hbm>>) dst(%arg6 : memref<180x56xi32, #tpu.memory_space<vmem>>)
      tpu.yield
    }) : () -> ()
    "tpu.region"() ({
      %run_scoped3A_77 = tpu.sem_alloc : memref<!tpu.dma_semaphore, #tpu.memory_space<semaphore_mem>>
      %dma_start3A_78 = arith.constant 0 : i32
      %dma_start3A_79 = arith.constant 0 : i32
      %dma_start3A_80 = tpu.memref_slice %arg4[%add3A, %dma_start3A_78, %dma_start3A_79] : memref<32x180x56xi32, #tpu.memory_space<hbm>> -> memref<1x180x56xi32, #tpu.memory_space<hbm>>
      %dma_start3A_81 = tpu.memref_squeeze %dma_start3A_80 : memref<1x180x56xi32, #tpu.memory_space<hbm>> -> memref<180x56xi32, #tpu.memory_space<hbm>>
      %dma_start3A_82 = arith.constant 0 : i32
      %dma_start3A_83 = arith.constant 0 : i32
      %dma_start3A_84 = tpu.memref_slice %arg4[%add3A, %dma_start3A_82, %dma_start3A_83] : memref<32x180x56xi32, #tpu.memory_space<hbm>> -> memref<1x180x56xi32, #tpu.memory_space<hbm>>
      %dma_start3A_85 = tpu.memref_squeeze %dma_start3A_84 : memref<1x180x56xi32, #tpu.memory_space<hbm>> -> memref<180x56xi32, #tpu.memory_space<hbm>>
      tpu.enqueue_dma source(%dma_start3A_85 : memref<180x56xi32, #tpu.memory_space<hbm>>) target(%arg7 : memref<180x56xi32, #tpu.memory_space<vmem>>) target_semaphore(%run_scoped3A_77 : memref<!tpu.dma_semaphore, #tpu.memory_space<semaphore_mem>>)
      %dma_wait3A_86 = arith.constant 0 : i32
      %dma_wait3A_87 = arith.constant 0 : i32
      %dma_wait3A_88 = tpu.memref_slice %arg4[%add3A, %dma_wait3A_86, %dma_wait3A_87] : memref<32x180x56xi32, #tpu.memory_space<hbm>> -> memref<1x180x56xi32, #tpu.memory_space<hbm>>
      %dma_wait3A_89 = tpu.memref_squeeze %dma_wait3A_88 : memref<1x180x56xi32, #tpu.memory_space<hbm>> -> memref<180x56xi32, #tpu.memory_space<hbm>>
      %dma_wait3A_90 = arith.constant 0 : i32
      %dma_wait3A_91 = arith.constant 0 : i32
      %dma_wait3A_92 = tpu.memref_slice %arg4[%add3A, %dma_wait3A_90, %dma_wait3A_91] : memref<32x180x56xi32, #tpu.memory_space<hbm>> -> memref<1x180x56xi32, #tpu.memory_space<hbm>>
      %dma_wait3A_93 = tpu.memref_squeeze %dma_wait3A_92 : memref<1x180x56xi32, #tpu.memory_space<hbm>> -> memref<180x56xi32, #tpu.memory_space<hbm>>
      tpu.wait_dma2 semaphore(%run_scoped3A_77 : memref<!tpu.dma_semaphore, #tpu.memory_space<semaphore_mem>>) src(%dma_wait3A_93 : memref<180x56xi32, #tpu.memory_space<hbm>>) dst(%arg7 : memref<180x56xi32, #tpu.memory_space<vmem>>)
      tpu.yield
    }) : () -> ()
    %broadcast_in_dim3A = arith.constant 0.000000e+00 : bf16
    %broadcast_in_dim3A_1 = vector.broadcast %broadcast_in_dim3A : bf16 to vector<32xbf16>
    %scan3A = arith.constant 0 : i32
    %scan3A_2 = arith.constant 0 : i32
    %scan3A_3 = arith.constant 224 : i32
    %scan3A_4 = arith.addi %scan3A_2, %scan3A_3 : i32
    %scan3A_5 = arith.constant 1 : i32
    scf.for %scan3A_77 = %scan3A_2 to %scan3A_4 step %scan3A_5  : i32 {
      %jit3A = arith.constant 4 : i32
      %div3A = arith.divsi %scan3A_77, %jit3A : i32
      %sign3A = arith.constant 0 : i32
      %sign3A_78 = arith.cmpi sgt, %scan3A_77, %sign3A : i32
      %sign3A_79 = arith.extui %sign3A_78 : i1 to i32
      %sign3A_80 = arith.constant 0 : i32
      %sign3A_81 = arith.cmpi slt, %scan3A_77, %sign3A_80 : i32
      %sign3A_82 = arith.extui %sign3A_81 : i1 to i32
      %sign3A_83 = arith.subi %sign3A_79, %sign3A_82 : i32
      %sign3A_84 = arith.constant 0 : i32
      %sign3A_85 = arith.cmpi sgt, %jit3A, %sign3A_84 : i32
      %sign3A_86 = arith.extui %sign3A_85 : i1 to i32
      %sign3A_87 = arith.constant 0 : i32
      %sign3A_88 = arith.cmpi slt, %jit3A, %sign3A_87 : i32
      %sign3A_89 = arith.extui %sign3A_88 : i1 to i32
      %sign3A_90 = arith.subi %sign3A_86, %sign3A_89 : i32
      %ne3A = arith.cmpi ne, %sign3A_83, %sign3A_90 : i32
      %rem3A = arith.remsi %scan3A_77, %jit3A : i32
      %ne3A_91 = arith.constant 0 : i32
      %ne3A_92 = arith.cmpi ne, %rem3A, %ne3A_91 : i32
      %and3A = arith.andi %ne3A, %ne3A_92 : i1
      %sub3A = arith.constant 1 : i32
      %sub3A_93 = arith.subi %div3A, %sub3A : i32
      %select_n3A = arith.select %and3A, %sub3A_93, %div3A : i32
      %jit3A_94 = arith.constant 4 : i32
      %eq3A = arith.constant 0 : i32
      %eq3A_95 = arith.cmpi eq, %jit3A_94, %eq3A : i32
      %jit3A_96 = arith.constant 1 : i32
      %select_n3A_97 = arith.select %eq3A_95, %jit3A_96, %jit3A_94 : i32
      %rem3A_98 = arith.remsi %scan3A_77, %select_n3A_97 : i32
      %ne3A_99 = arith.constant 0 : i32
      %ne3A_100 = arith.cmpi ne, %rem3A_98, %ne3A_99 : i32
      %lt3A = arith.constant 0 : i32
      %lt3A_101 = arith.cmpi slt, %rem3A_98, %lt3A : i32
      %lt3A_102 = arith.constant 0 : i32
      %lt3A_103 = arith.cmpi slt, %select_n3A_97, %lt3A_102 : i32
      %ne3A_104 = arith.xori %lt3A_101, %lt3A_103 : i1
      %and3A_105 = arith.andi %ne3A_104, %ne3A_100 : i1
      %add3A_106 = arith.addi %rem3A_98, %select_n3A_97 : i32
      %select_n3A_107 = arith.select %and3A_105, %add3A_106, %rem3A_98 : i32
      %mul3A_108 = arith.constant 32 : i32
      %mul3A_109 = arith.muli %select_n3A_107, %mul3A_108 : i32
      %swap3A = arith.index_cast %select_n3A : i32 to index
      %swap3A_110 = arith.index_cast %mul3A_109 : i32 to index
      %swap3A_111 = tpu.vector_load %arg8[%swap3A, %swap3A_110] {strides = array<i32>} : memref<56x128xbf16, #tpu.memory_space<vmem>>, vector<32xbf16>,
      tpu.vector_store %arg8[%swap3A, %swap3A_110], %broadcast_in_dim3A_1 {strides = array<i32>} : memref<56x128xbf16, #tpu.memory_space<vmem>>, vector<32xbf16>,
    }
    %scan3A_6 = arith.constant 224 : i32
    %mul3A_7 = arith.constant 1252 : i32
    %mul3A_8 = arith.muli %arg1, %mul3A_7 : i32
    %scan3A_9 = arith.constant 0 : i32
    %scan3A_10 = arith.constant 0 : i32
    %scan3A_11 = arith.constant 22 : i32
    %scan3A_12 = arith.addi %scan3A_10, %scan3A_11 : i32
    %scan3A_13 = arith.constant 1 : i32
    scf.for %scan3A_77 = %scan3A_10 to %scan3A_12 step %scan3A_13  : i32 {
      %mul3A_78 = arith.constant 56 : i32
      %mul3A_79 = arith.muli %scan3A_77, %mul3A_78 : i32
      %add3A_80 = arith.addi %mul3A_8, %mul3A_79 : i32
      "tpu.region"() ({
        %run_scoped3A_81 = tpu.sem_alloc : memref<!tpu.dma_semaphore, #tpu.memory_space<semaphore_mem>>
        %dma_start3A_82 = arith.constant 0 : i32
        %dma_start3A_83 = tpu.memref_slice %arg14[%add3A_80, %dma_start3A_82] : memref<20032x128xbf16, #tpu.memory_space<vmem_shared>> -> memref<56x128xbf16, #tpu.memory_space<vmem_shared>>
        %dma_start3A_84 = arith.constant 0 : i32
        %dma_start3A_85 = tpu.memref_slice %arg14[%add3A_80, %dma_start3A_84] : memref<20032x128xbf16, #tpu.memory_space<vmem_shared>> -> memref<56x128xbf16, #tpu.memory_space<vmem_shared>>
        tpu.enqueue_dma source(%arg8 : memref<56x128xbf16, #tpu.memory_space<vmem>>) target(%dma_start3A_85 : memref<56x128xbf16, #tpu.memory_space<vmem_shared>>) target_semaphore(%run_scoped3A_81 : memref<!tpu.dma_semaphore, #tpu.memory_space<semaphore_mem>>)
        %dma_wait3A_86 = arith.constant 0 : i32
        %dma_wait3A_87 = tpu.memref_slice %arg14[%add3A_80, %dma_wait3A_86] : memref<20032x128xbf16, #tpu.memory_space<vmem_shared>> -> memref<56x128xbf16, #tpu.memory_space<vmem_shared>>
        %dma_wait3A_88 = arith.constant 0 : i32
        %dma_wait3A_89 = tpu.memref_slice %arg14[%add3A_80, %dma_wait3A_88] : memref<20032x128xbf16, #tpu.memory_space<vmem_shared>> -> memref<56x128xbf16, #tpu.memory_space<vmem_shared>>
        tpu.wait_dma2 semaphore(%run_scoped3A_81 : memref<!tpu.dma_semaphore, #tpu.memory_space<semaphore_mem>>) src(%arg8 : memref<56x128xbf16, #tpu.memory_space<vmem>>) dst(%dma_wait3A_89 : memref<56x128xbf16, #tpu.memory_space<vmem_shared>>)
        tpu.yield
      }) : () -> ()
    }
    %scan3A_14 = arith.constant 22 : i32
    %add3A_15 = arith.constant 1232 : i32
    %add3A_16 = arith.addi %mul3A_8, %add3A_15 : i32
    "tpu.region"() ({
      %run_scoped3A_77 = tpu.sem_alloc : memref<!tpu.dma_semaphore, #tpu.memory_space<semaphore_mem>>
      %dma_start3A_78 = arith.constant 0 : i32
      %dma_start3A_79 = arith.constant 0 : i32
      %dma_start3A_80 = tpu.memref_slice %arg8[%dma_start3A_78, %dma_start3A_79] : memref<56x128xbf16, #tpu.memory_space<vmem>> -> memref<20x128xbf16, #tpu.memory_space<vmem>>
      %dma_start3A_81 = arith.constant 0 : i32
      %dma_start3A_82 = tpu.memref_slice %arg14[%add3A_16, %dma_start3A_81] : memref<20032x128xbf16, #tpu.memory_space<vmem_shared>> -> memref<20x128xbf16, #tpu.memory_space<vmem_shared>>
      %dma_start3A_83 = arith.constant 0 : i32
      %dma_start3A_84 = tpu.memref_slice %arg14[%add3A_16, %dma_start3A_83] : memref<20032x128xbf16, #tpu.memory_space<vmem_shared>> -> memref<20x128xbf16, #tpu.memory_space<vmem_shared>>
      %dma_start3A_85 = arith.constant 0 : i32
      %dma_start3A_86 = arith.constant 0 : i32
      %dma_start3A_87 = tpu.memref_slice %arg8[%dma_start3A_85, %dma_start3A_86] : memref<56x128xbf16, #tpu.memory_space<vmem>> -> memref<20x128xbf16, #tpu.memory_space<vmem>>
      tpu.enqueue_dma source(%dma_start3A_87 : memref<20x128xbf16, #tpu.memory_space<vmem>>) target(%dma_start3A_84 : memref<20x128xbf16, #tpu.memory_space<vmem_shared>>) target_semaphore(%run_scoped3A_77 : memref<!tpu.dma_semaphore, #tpu.memory_space<semaphore_mem>>)
      %dma_wait3A_88 = arith.constant 0 : i32
      %dma_wait3A_89 = arith.constant 0 : i32
      %dma_wait3A_90 = tpu.memref_slice %arg8[%dma_wait3A_88, %dma_wait3A_89] : memref<56x128xbf16, #tpu.memory_space<vmem>> -> memref<20x128xbf16, #tpu.memory_space<vmem>>
      %dma_wait3A_91 = arith.constant 0 : i32
      %dma_wait3A_92 = tpu.memref_slice %arg14[%add3A_16, %dma_wait3A_91] : memref<20032x128xbf16, #tpu.memory_space<vmem_shared>> -> memref<20x128xbf16, #tpu.memory_space<vmem_shared>>
      %dma_wait3A_93 = arith.constant 0 : i32
      %dma_wait3A_94 = tpu.memref_slice %arg14[%add3A_16, %dma_wait3A_93] : memref<20032x128xbf16, #tpu.memory_space<vmem_shared>> -> memref<20x128xbf16, #tpu.memory_space<vmem_shared>>
      %dma_wait3A_95 = arith.constant 0 : i32
      %dma_wait3A_96 = arith.constant 0 : i32
      %dma_wait3A_97 = tpu.memref_slice %arg8[%dma_wait3A_95, %dma_wait3A_96] : memref<56x128xbf16, #tpu.memory_space<vmem>> -> memref<20x128xbf16, #tpu.memory_space<vmem>>
      tpu.wait_dma2 semaphore(%run_scoped3A_77 : memref<!tpu.dma_semaphore, #tpu.memory_space<semaphore_mem>>) src(%dma_wait3A_97 : memref<20x128xbf16, #tpu.memory_space<vmem>>) dst(%dma_wait3A_94 : memref<20x128xbf16, #tpu.memory_space<vmem_shared>>)
      tpu.yield
    }) : () -> ()
    %barrier3A = arith.constant 0 : index
    tpu.barrier barrier_id(%barrier3A)
    %dma_start3A = arith.constant 0 : i32
    %dma_start3A_17 = arith.constant 0 : i32
    %dma_start3A_18 = tpu.memref_slice %arg6[%dma_start3A, %dma_start3A_17] : memref<180x56xi32, #tpu.memory_space<vmem>> -> memref<1x56xi32, #tpu.memory_space<vmem>>
    %dma_start3A_19 = tpu.memref_squeeze %dma_start3A_18 : memref<1x56xi32, #tpu.memory_space<vmem>> -> memref<56xi32, #tpu.memory_space<vmem>>
    %dma_start3A_20 = arith.constant 0 : i32
    %dma_start3A_21 = arith.constant 0 : i32
    %dma_start3A_22 = tpu.memref_slice %arg2[%dma_start3A_20, %dma_start3A_21] : memref<10000x128xbf16, #tpu.memory_space<hbm>> -> memref<10000x128xbf16, #tpu.memory_space<hbm>>
    tpu.enqueue_indirect_dma source(%dma_start3A_22 : memref<10000x128xbf16, #tpu.memory_space<hbm>>) target(%arg8 : memref<56x128xbf16, #tpu.memory_space<vmem>>) offsets(%dma_start3A_19 : memref<56xi32, #tpu.memory_space<vmem>>) semaphore(%arg15 : memref<!tpu.dma_semaphore, #tpu.memory_space<semaphore_mem>>)
    %dma_start3A_23 = arith.constant 1 : i32
    %dma_start3A_24 = arith.constant 0 : i32
    %dma_start3A_25 = tpu.memref_slice %arg6[%dma_start3A_23, %dma_start3A_24] : memref<180x56xi32, #tpu.memory_space<vmem>> -> memref<1x56xi32, #tpu.memory_space<vmem>>
    %dma_start3A_26 = tpu.memref_squeeze %dma_start3A_25 : memref<1x56xi32, #tpu.memory_space<vmem>> -> memref<56xi32, #tpu.memory_space<vmem>>
    %dma_start3A_27 = arith.constant 0 : i32
    %dma_start3A_28 = arith.constant 0 : i32
    %dma_start3A_29 = tpu.memref_slice %arg2[%dma_start3A_27, %dma_start3A_28] : memref<10000x128xbf16, #tpu.memory_space<hbm>> -> memref<10000x128xbf16, #tpu.memory_space<hbm>>
    tpu.enqueue_indirect_dma source(%dma_start3A_29 : memref<10000x128xbf16, #tpu.memory_space<hbm>>) target(%arg9 : memref<56x128xbf16, #tpu.memory_space<vmem>>) offsets(%dma_start3A_26 : memref<56xi32, #tpu.memory_space<vmem>>) semaphore(%arg16 : memref<!tpu.dma_semaphore, #tpu.memory_space<semaphore_mem>>)
    %dma_start3A_30 = arith.constant 2 : i32
    %dma_start3A_31 = arith.constant 0 : i32
    %dma_start3A_32 = tpu.memref_slice %arg6[%dma_start3A_30, %dma_start3A_31] : memref<180x56xi32, #tpu.memory_space<vmem>> -> memref<1x56xi32, #tpu.memory_space<vmem>>
    %dma_start3A_33 = tpu.memref_squeeze %dma_start3A_32 : memref<1x56xi32, #tpu.memory_space<vmem>> -> memref<56xi32, #tpu.memory_space<vmem>>
    %dma_start3A_34 = arith.constant 0 : i32
    %dma_start3A_35 = arith.constant 0 : i32
    %dma_start3A_36 = tpu.memref_slice %arg2[%dma_start3A_34, %dma_start3A_35] : memref<10000x128xbf16, #tpu.memory_space<hbm>> -> memref<10000x128xbf16, #tpu.memory_space<hbm>>
    tpu.enqueue_indirect_dma source(%dma_start3A_36 : memref<10000x128xbf16, #tpu.memory_space<hbm>>) target(%arg10 : memref<56x128xbf16, #tpu.memory_space<vmem>>) offsets(%dma_start3A_33 : memref<56xi32, #tpu.memory_space<vmem>>) semaphore(%arg17 : memref<!tpu.dma_semaphore, #tpu.memory_space<semaphore_mem>>)
    %scan3A_37 = arith.constant 0 : i32
    %scan3A_38 = arith.constant 0 : i32
    %scan3A_39 = arith.constant 30 : i32
    %scan3A_40 = arith.addi %scan3A_38, %scan3A_39 : i32
    %scan3A_41 = arith.constant 1 : i32
    scf.for %scan3A_77 = %scan3A_38 to %scan3A_40 step %scan3A_41  : i32 {
      %mul3A_78 = arith.constant 6 : i32
      %mul3A_79 = arith.muli %mul3A_78, %scan3A_77 : i32
      %add3A_80 = arith.constant 0 : i32
      %add3A_81 = arith.addi %mul3A_79, %add3A_80 : i32
      %dma_wait3A_82 = arith.constant 0 : i32
      %dma_wait3A_83 = tpu.memref_slice %arg6[%add3A_81, %dma_wait3A_82] : memref<180x56xi32, #tpu.memory_space<vmem>> -> memref<1x56xi32, #tpu.memory_space<vmem>>
      %dma_wait3A_84 = tpu.memref_squeeze %dma_wait3A_83 : memref<1x56xi32, #tpu.memory_space<vmem>> -> memref<56xi32, #tpu.memory_space<vmem>>
      %dma_wait3A_85 = arith.constant 0 : i32
      %dma_wait3A_86 = arith.constant 0 : i32
      %dma_wait3A_87 = tpu.memref_slice %arg2[%dma_wait3A_85, %dma_wait3A_86] : memref<10000x128xbf16, #tpu.memory_space<hbm>> -> memref<10000x128xbf16, #tpu.memory_space<hbm>>
      tpu.wait_indirect_dma semaphore(%arg15 : memref<!tpu.dma_semaphore, #tpu.memory_space<semaphore_mem>>) src(%dma_wait3A_87 : memref<10000x128xbf16, #tpu.memory_space<hbm>>) dst(%arg8 : memref<56x128xbf16, #tpu.memory_space<vmem>>)
      %dma_start3A_88 = arith.constant 0 : i32
      %dma_start3A_89 = tpu.memref_slice %arg7[%add3A_81, %dma_start3A_88] : memref<180x56xi32, #tpu.memory_space<vmem>> -> memref<1x56xi32, #tpu.memory_space<vmem>>
      %dma_start3A_90 = tpu.memref_squeeze %dma_start3A_89 : memref<1x56xi32, #tpu.memory_space<vmem>> -> memref<56xi32, #tpu.memory_space<vmem>>
      %dma_start3A_91 = arith.constant 0 : i32
      %dma_start3A_92 = arith.constant 0 : i32
      %dma_start3A_93 = tpu.memref_slice %arg14[%dma_start3A_91, %dma_start3A_92] : memref<20032x128xbf16, #tpu.memory_space<vmem_shared>> -> memref<20032x128xbf16, #tpu.memory_space<vmem_shared>>
      tpu.enqueue_indirect_dma source(%arg8 : memref<56x128xbf16, #tpu.memory_space<vmem>>) target(%dma_start3A_93 : memref<20032x128xbf16, #tpu.memory_space<vmem_shared>>) offsets(%dma_start3A_90 : memref<56xi32, #tpu.memory_space<vmem>>) semaphore(%arg21 : memref<!tpu.dma_semaphore, #tpu.memory_space<semaphore_mem>>) {add = true}
      %gt3A = arith.constant 0 : i32
      %gt3A_94 = arith.cmpi sgt, %scan3A_77, %gt3A : i32
      %convert_element_type3A = arith.extui %gt3A_94 : i1 to i32
      %cond3A = arith.constant 0 : i32
      %cond3A_95 = arith.cmpi ne, %convert_element_type3A, %cond3A : i32
      scf.if %cond3A_95 {
        %sub3A_233 = arith.constant 3 : i32
        %sub3A_234 = arith.subi %add3A_81, %sub3A_233 : i32
        %dma_wait3A_235 = arith.constant 0 : i32
        %dma_wait3A_236 = tpu.memref_slice %arg7[%sub3A_234, %dma_wait3A_235] : memref<180x56xi32, #tpu.memory_space<vmem>> -> memref<1x56xi32, #tpu.memory_space<vmem>>
        %dma_wait3A_237 = tpu.memref_squeeze %dma_wait3A_236 : memref<1x56xi32, #tpu.memory_space<vmem>> -> memref<56xi32, #tpu.memory_space<vmem>>
        %dma_wait3A_238 = arith.constant 0 : i32
        %dma_wait3A_239 = arith.constant 0 : i32
        %dma_wait3A_240 = tpu.memref_slice %arg14[%dma_wait3A_238, %dma_wait3A_239] : memref<20032x128xbf16, #tpu.memory_space<vmem_shared>> -> memref<20032x128xbf16, #tpu.memory_space<vmem_shared>>
        tpu.wait_indirect_dma semaphore(%arg24 : memref<!tpu.dma_semaphore, #tpu.memory_space<semaphore_mem>>) src(%arg11 : memref<56x128xbf16, #tpu.memory_space<vmem>>) dst(%dma_wait3A_240 : memref<20032x128xbf16, #tpu.memory_space<vmem_shared>>)
        %add3A_241 = arith.constant 3 : i32
        %add3A_242 = arith.addi %add3A_81, %add3A_241 : i32
        %lt3A_243 = arith.constant 180 : i32
        %lt3A_244 = arith.cmpi slt, %add3A_242, %lt3A_243 : i32
        %convert_element_type3A_245 = arith.extui %lt3A_244 : i1 to i32
        %cond3A_246 = arith.constant 0 : i32
        %cond3A_247 = arith.cmpi ne, %convert_element_type3A_245, %cond3A_246 : i32
        scf.if %cond3A_247 {
          %add3A_248 = arith.constant 3 : i32
          %add3A_249 = arith.addi %add3A_81, %add3A_248 : i32
          %dma_start3A_250 = arith.constant 0 : i32
          %dma_start3A_251 = tpu.memref_slice %arg6[%add3A_249, %dma_start3A_250] : memref<180x56xi32, #tpu.memory_space<vmem>> -> memref<1x56xi32, #tpu.memory_space<vmem>>
          %dma_start3A_252 = tpu.memref_squeeze %dma_start3A_251 : memref<1x56xi32, #tpu.memory_space<vmem>> -> memref<56xi32, #tpu.memory_space<vmem>>
          %dma_start3A_253 = arith.constant 0 : i32
          %dma_start3A_254 = arith.constant 0 : i32
          %dma_start3A_255 = tpu.memref_slice %arg2[%dma_start3A_253, %dma_start3A_254] : memref<10000x128xbf16, #tpu.memory_space<hbm>> -> memref<10000x128xbf16, #tpu.memory_space<hbm>>
          tpu.enqueue_indirect_dma source(%dma_start3A_255 : memref<10000x128xbf16, #tpu.memory_space<hbm>>) target(%arg11 : memref<56x128xbf16, #tpu.memory_space<vmem>>) offsets(%dma_start3A_252 : memref<56xi32, #tpu.memory_space<vmem>>) semaphore(%arg18 : memref<!tpu.dma_semaphore, #tpu.memory_space<semaphore_mem>>)
        } else {
        }
      } else {
      }
      %eq3A = arith.constant 0 : i32
      %eq3A_96 = arith.cmpi eq, %scan3A_77, %eq3A : i32
      %convert_element_type3A_97 = arith.extui %eq3A_96 : i1 to i32
      %cond3A_98 = arith.constant 0 : i32
      %cond3A_99 = arith.cmpi ne, %convert_element_type3A_97, %cond3A_98 : i32
      scf.if %cond3A_99 {
        %add3A_233 = arith.constant 3 : i32
        %add3A_234 = arith.addi %add3A_81, %add3A_233 : i32
        %dma_start3A_235 = arith.constant 0 : i32
        %dma_start3A_236 = tpu.memref_slice %arg6[%add3A_234, %dma_start3A_235] : memref<180x56xi32, #tpu.memory_space<vmem>> -> memref<1x56xi32, #tpu.memory_space<vmem>>
        %dma_start3A_237 = tpu.memref_squeeze %dma_start3A_236 : memref<1x56xi32, #tpu.memory_space<vmem>> -> memref<56xi32, #tpu.memory_space<vmem>>
        %dma_start3A_238 = arith.constant 0 : i32
        %dma_start3A_239 = arith.constant 0 : i32
        %dma_start3A_240 = tpu.memref_slice %arg2[%dma_start3A_238, %dma_start3A_239] : memref<10000x128xbf16, #tpu.memory_space<hbm>> -> memref<10000x128xbf16, #tpu.memory_space<hbm>>
        tpu.enqueue_indirect_dma source(%dma_start3A_240 : memref<10000x128xbf16, #tpu.memory_space<hbm>>) target(%arg11 : memref<56x128xbf16, #tpu.memory_space<vmem>>) offsets(%dma_start3A_237 : memref<56xi32, #tpu.memory_space<vmem>>) semaphore(%arg18 : memref<!tpu.dma_semaphore, #tpu.memory_space<semaphore_mem>>)
      } else {
      }
      %add3A_100 = arith.constant 1 : i32
      %add3A_101 = arith.addi %mul3A_79, %add3A_100 : i32
      %dma_wait3A_102 = arith.constant 0 : i32
      %dma_wait3A_103 = tpu.memref_slice %arg6[%add3A_101, %dma_wait3A_102] : memref<180x56xi32, #tpu.memory_space<vmem>> -> memref<1x56xi32, #tpu.memory_space<vmem>>
      %dma_wait3A_104 = tpu.memref_squeeze %dma_wait3A_103 : memref<1x56xi32, #tpu.memory_space<vmem>> -> memref<56xi32, #tpu.memory_space<vmem>>
      %dma_wait3A_105 = arith.constant 0 : i32
      %dma_wait3A_106 = arith.constant 0 : i32
      %dma_wait3A_107 = tpu.memref_slice %arg2[%dma_wait3A_105, %dma_wait3A_106] : memref<10000x128xbf16, #tpu.memory_space<hbm>> -> memref<10000x128xbf16, #tpu.memory_space<hbm>>
      tpu.wait_indirect_dma semaphore(%arg16 : memref<!tpu.dma_semaphore, #tpu.memory_space<semaphore_mem>>) src(%dma_wait3A_107 : memref<10000x128xbf16, #tpu.memory_space<hbm>>) dst(%arg9 : memref<56x128xbf16, #tpu.memory_space<vmem>>)
      %dma_start3A_108 = arith.constant 0 : i32
      %dma_start3A_109 = tpu.memref_slice %arg7[%add3A_101, %dma_start3A_108] : memref<180x56xi32, #tpu.memory_space<vmem>> -> memref<1x56xi32, #tpu.memory_space<vmem>>
      %dma_start3A_110 = tpu.memref_squeeze %dma_start3A_109 : memref<1x56xi32, #tpu.memory_space<vmem>> -> memref<56xi32, #tpu.memory_space<vmem>>
      %dma_start3A_111 = arith.constant 0 : i32
      %dma_start3A_112 = arith.constant 0 : i32
      %dma_start3A_113 = tpu.memref_slice %arg14[%dma_start3A_111, %dma_start3A_112] : memref<20032x128xbf16, #tpu.memory_space<vmem_shared>> -> memref<20032x128xbf16, #tpu.memory_space<vmem_shared>>
      tpu.enqueue_indirect_dma source(%arg9 : memref<56x128xbf16, #tpu.memory_space<vmem>>) target(%dma_start3A_113 : memref<20032x128xbf16, #tpu.memory_space<vmem_shared>>) offsets(%dma_start3A_110 : memref<56xi32, #tpu.memory_space<vmem>>) semaphore(%arg22 : memref<!tpu.dma_semaphore, #tpu.memory_space<semaphore_mem>>) {add = true}
      %gt3A_114 = arith.constant 0 : i32
      %gt3A_115 = arith.cmpi sgt, %scan3A_77, %gt3A_114 : i32
      %convert_element_type3A_116 = arith.extui %gt3A_115 : i1 to i32
      %cond3A_117 = arith.constant 0 : i32
      %cond3A_118 = arith.cmpi ne, %convert_element_type3A_116, %cond3A_117 : i32
      scf.if %cond3A_118 {
        %sub3A_233 = arith.constant 3 : i32
        %sub3A_234 = arith.subi %add3A_101, %sub3A_233 : i32
        %dma_wait3A_235 = arith.constant 0 : i32
        %dma_wait3A_236 = tpu.memref_slice %arg7[%sub3A_234, %dma_wait3A_235] : memref<180x56xi32, #tpu.memory_space<vmem>> -> memref<1x56xi32, #tpu.memory_space<vmem>>
        %dma_wait3A_237 = tpu.memref_squeeze %dma_wait3A_236 : memref<1x56xi32, #tpu.memory_space<vmem>> -> memref<56xi32, #tpu.memory_space<vmem>>
        %dma_wait3A_238 = arith.constant 0 : i32
        %dma_wait3A_239 = arith.constant 0 : i32
        %dma_wait3A_240 = tpu.memref_slice %arg14[%dma_wait3A_238, %dma_wait3A_239] : memref<20032x128xbf16, #tpu.memory_space<vmem_shared>> -> memref<20032x128xbf16, #tpu.memory_space<vmem_shared>>
        tpu.wait_indirect_dma semaphore(%arg25 : memref<!tpu.dma_semaphore, #tpu.memory_space<semaphore_mem>>) src(%arg12 : memref<56x128xbf16, #tpu.memory_space<vmem>>) dst(%dma_wait3A_240 : memref<20032x128xbf16, #tpu.memory_space<vmem_shared>>)
        %add3A_241 = arith.constant 3 : i32
        %add3A_242 = arith.addi %add3A_101, %add3A_241 : i32
        %lt3A_243 = arith.constant 180 : i32
        %lt3A_244 = arith.cmpi slt, %add3A_242, %lt3A_243 : i32
        %convert_element_type3A_245 = arith.extui %lt3A_244 : i1 to i32
        %cond3A_246 = arith.constant 0 : i32
        %cond3A_247 = arith.cmpi ne, %convert_element_type3A_245, %cond3A_246 : i32
        scf.if %cond3A_247 {
          %add3A_248 = arith.constant 3 : i32
          %add3A_249 = arith.addi %add3A_101, %add3A_248 : i32
          %dma_start3A_250 = arith.constant 0 : i32
          %dma_start3A_251 = tpu.memref_slice %arg6[%add3A_249, %dma_start3A_250] : memref<180x56xi32, #tpu.memory_space<vmem>> -> memref<1x56xi32, #tpu.memory_space<vmem>>
          %dma_start3A_252 = tpu.memref_squeeze %dma_start3A_251 : memref<1x56xi32, #tpu.memory_space<vmem>> -> memref<56xi32, #tpu.memory_space<vmem>>
          %dma_start3A_253 = arith.constant 0 : i32
          %dma_start3A_254 = arith.constant 0 : i32
          %dma_start3A_255 = tpu.memref_slice %arg2[%dma_start3A_253, %dma_start3A_254] : memref<10000x128xbf16, #tpu.memory_space<hbm>> -> memref<10000x128xbf16, #tpu.memory_space<hbm>>
          tpu.enqueue_indirect_dma source(%dma_start3A_255 : memref<10000x128xbf16, #tpu.memory_space<hbm>>) target(%arg12 : memref<56x128xbf16, #tpu.memory_space<vmem>>) offsets(%dma_start3A_252 : memref<56xi32, #tpu.memory_space<vmem>>) semaphore(%arg19 : memref<!tpu.dma_semaphore, #tpu.memory_space<semaphore_mem>>)
        } else {
        }
      } else {
      }
      %eq3A_119 = arith.constant 0 : i32
      %eq3A_120 = arith.cmpi eq, %scan3A_77, %eq3A_119 : i32
      %convert_element_type3A_121 = arith.extui %eq3A_120 : i1 to i32
      %cond3A_122 = arith.constant 0 : i32
      %cond3A_123 = arith.cmpi ne, %convert_element_type3A_121, %cond3A_122 : i32
      scf.if %cond3A_123 {
        %add3A_233 = arith.constant 3 : i32
        %add3A_234 = arith.addi %add3A_101, %add3A_233 : i32
        %dma_start3A_235 = arith.constant 0 : i32
        %dma_start3A_236 = tpu.memref_slice %arg6[%add3A_234, %dma_start3A_235] : memref<180x56xi32, #tpu.memory_space<vmem>> -> memref<1x56xi32, #tpu.memory_space<vmem>>
        %dma_start3A_237 = tpu.memref_squeeze %dma_start3A_236 : memref<1x56xi32, #tpu.memory_space<vmem>> -> memref<56xi32, #tpu.memory_space<vmem>>
        %dma_start3A_238 = arith.constant 0 : i32
        %dma_start3A_239 = arith.constant 0 : i32
        %dma_start3A_240 = tpu.memref_slice %arg2[%dma_start3A_238, %dma_start3A_239] : memref<10000x128xbf16, #tpu.memory_space<hbm>> -> memref<10000x128xbf16, #tpu.memory_space<hbm>>
        tpu.enqueue_indirect_dma source(%dma_start3A_240 : memref<10000x128xbf16, #tpu.memory_space<hbm>>) target(%arg12 : memref<56x128xbf16, #tpu.memory_space<vmem>>) offsets(%dma_start3A_237 : memref<56xi32, #tpu.memory_space<vmem>>) semaphore(%arg19 : memref<!tpu.dma_semaphore, #tpu.memory_space<semaphore_mem>>)
      } else {
      }
      %add3A_124 = arith.constant 2 : i32
      %add3A_125 = arith.addi %mul3A_79, %add3A_124 : i32
      %dma_wait3A_126 = arith.constant 0 : i32
      %dma_wait3A_127 = tpu.memref_slice %arg6[%add3A_125, %dma_wait3A_126] : memref<180x56xi32, #tpu.memory_space<vmem>> -> memref<1x56xi32, #tpu.memory_space<vmem>>
      %dma_wait3A_128 = tpu.memref_squeeze %dma_wait3A_127 : memref<1x56xi32, #tpu.memory_space<vmem>> -> memref<56xi32, #tpu.memory_space<vmem>>
      %dma_wait3A_129 = arith.constant 0 : i32
      %dma_wait3A_130 = arith.constant 0 : i32
      %dma_wait3A_131 = tpu.memref_slice %arg2[%dma_wait3A_129, %dma_wait3A_130] : memref<10000x128xbf16, #tpu.memory_space<hbm>> -> memref<10000x128xbf16, #tpu.memory_space<hbm>>
      tpu.wait_indirect_dma semaphore(%arg17 : memref<!tpu.dma_semaphore, #tpu.memory_space<semaphore_mem>>) src(%dma_wait3A_131 : memref<10000x128xbf16, #tpu.memory_space<hbm>>) dst(%arg10 : memref<56x128xbf16, #tpu.memory_space<vmem>>)
      %dma_start3A_132 = arith.constant 0 : i32
      %dma_start3A_133 = tpu.memref_slice %arg7[%add3A_125, %dma_start3A_132] : memref<180x56xi32, #tpu.memory_space<vmem>> -> memref<1x56xi32, #tpu.memory_space<vmem>>
      %dma_start3A_134 = tpu.memref_squeeze %dma_start3A_133 : memref<1x56xi32, #tpu.memory_space<vmem>> -> memref<56xi32, #tpu.memory_space<vmem>>
      %dma_start3A_135 = arith.constant 0 : i32
      %dma_start3A_136 = arith.constant 0 : i32
      %dma_start3A_137 = tpu.memref_slice %arg14[%dma_start3A_135, %dma_start3A_136] : memref<20032x128xbf16, #tpu.memory_space<vmem_shared>> -> memref<20032x128xbf16, #tpu.memory_space<vmem_shared>>
      tpu.enqueue_indirect_dma source(%arg10 : memref<56x128xbf16, #tpu.memory_space<vmem>>) target(%dma_start3A_137 : memref<20032x128xbf16, #tpu.memory_space<vmem_shared>>) offsets(%dma_start3A_134 : memref<56xi32, #tpu.memory_space<vmem>>) semaphore(%arg23 : memref<!tpu.dma_semaphore, #tpu.memory_space<semaphore_mem>>) {add = true}
      %gt3A_138 = arith.constant 0 : i32
      %gt3A_139 = arith.cmpi sgt, %scan3A_77, %gt3A_138 : i32
      %convert_element_type3A_140 = arith.extui %gt3A_139 : i1 to i32
      %cond3A_141 = arith.constant 0 : i32
      %cond3A_142 = arith.cmpi ne, %convert_element_type3A_140, %cond3A_141 : i32
      scf.if %cond3A_142 {
        %sub3A_233 = arith.constant 3 : i32
        %sub3A_234 = arith.subi %add3A_125, %sub3A_233 : i32
        %dma_wait3A_235 = arith.constant 0 : i32
        %dma_wait3A_236 = tpu.memref_slice %arg7[%sub3A_234, %dma_wait3A_235] : memref<180x56xi32, #tpu.memory_space<vmem>> -> memref<1x56xi32, #tpu.memory_space<vmem>>
        %dma_wait3A_237 = tpu.memref_squeeze %dma_wait3A_236 : memref<1x56xi32, #tpu.memory_space<vmem>> -> memref<56xi32, #tpu.memory_space<vmem>>
        %dma_wait3A_238 = arith.constant 0 : i32
        %dma_wait3A_239 = arith.constant 0 : i32
        %dma_wait3A_240 = tpu.memref_slice %arg14[%dma_wait3A_238, %dma_wait3A_239] : memref<20032x128xbf16, #tpu.memory_space<vmem_shared>> -> memref<20032x128xbf16, #tpu.memory_space<vmem_shared>>
        tpu.wait_indirect_dma semaphore(%arg26 : memref<!tpu.dma_semaphore, #tpu.memory_space<semaphore_mem>>) src(%arg13 : memref<56x128xbf16, #tpu.memory_space<vmem>>) dst(%dma_wait3A_240 : memref<20032x128xbf16, #tpu.memory_space<vmem_shared>>)
        %add3A_241 = arith.constant 3 : i32
        %add3A_242 = arith.addi %add3A_125, %add3A_241 : i32
        %lt3A_243 = arith.constant 180 : i32
        %lt3A_244 = arith.cmpi slt, %add3A_242, %lt3A_243 : i32
        %convert_element_type3A_245 = arith.extui %lt3A_244 : i1 to i32
        %cond3A_246 = arith.constant 0 : i32
        %cond3A_247 = arith.cmpi ne, %convert_element_type3A_245, %cond3A_246 : i32
        scf.if %cond3A_247 {
          %add3A_248 = arith.constant 3 : i32
          %add3A_249 = arith.addi %add3A_125, %add3A_248 : i32
          %dma_start3A_250 = arith.constant 0 : i32
          %dma_start3A_251 = tpu.memref_slice %arg6[%add3A_249, %dma_start3A_250] : memref<180x56xi32, #tpu.memory_space<vmem>> -> memref<1x56xi32, #tpu.memory_space<vmem>>
          %dma_start3A_252 = tpu.memref_squeeze %dma_start3A_251 : memref<1x56xi32, #tpu.memory_space<vmem>> -> memref<56xi32, #tpu.memory_space<vmem>>
          %dma_start3A_253 = arith.constant 0 : i32
          %dma_start3A_254 = arith.constant 0 : i32
          %dma_start3A_255 = tpu.memref_slice %arg2[%dma_start3A_253, %dma_start3A_254] : memref<10000x128xbf16, #tpu.memory_space<hbm>> -> memref<10000x128xbf16, #tpu.memory_space<hbm>>
          tpu.enqueue_indirect_dma source(%dma_start3A_255 : memref<10000x128xbf16, #tpu.memory_space<hbm>>) target(%arg13 : memref<56x128xbf16, #tpu.memory_space<vmem>>) offsets(%dma_start3A_252 : memref<56xi32, #tpu.memory_space<vmem>>) semaphore(%arg20 : memref<!tpu.dma_semaphore, #tpu.memory_space<semaphore_mem>>)
        } else {
        }
      } else {
      }
      %eq3A_143 = arith.constant 0 : i32
      %eq3A_144 = arith.cmpi eq, %scan3A_77, %eq3A_143 : i32
      %convert_element_type3A_145 = arith.extui %eq3A_144 : i1 to i32
      %cond3A_146 = arith.constant 0 : i32
      %cond3A_147 = arith.cmpi ne, %convert_element_type3A_145, %cond3A_146 : i32
      scf.if %cond3A_147 {
        %add3A_233 = arith.constant 3 : i32
        %add3A_234 = arith.addi %add3A_125, %add3A_233 : i32
        %dma_start3A_235 = arith.constant 0 : i32
        %dma_start3A_236 = tpu.memref_slice %arg6[%add3A_234, %dma_start3A_235] : memref<180x56xi32, #tpu.memory_space<vmem>> -> memref<1x56xi32, #tpu.memory_space<vmem>>
        %dma_start3A_237 = tpu.memref_squeeze %dma_start3A_236 : memref<1x56xi32, #tpu.memory_space<vmem>> -> memref<56xi32, #tpu.memory_space<vmem>>
        %dma_start3A_238 = arith.constant 0 : i32
        %dma_start3A_239 = arith.constant 0 : i32
        %dma_start3A_240 = tpu.memref_slice %arg2[%dma_start3A_238, %dma_start3A_239] : memref<10000x128xbf16, #tpu.memory_space<hbm>> -> memref<10000x128xbf16, #tpu.memory_space<hbm>>
        tpu.enqueue_indirect_dma source(%dma_start3A_240 : memref<10000x128xbf16, #tpu.memory_space<hbm>>) target(%arg13 : memref<56x128xbf16, #tpu.memory_space<vmem>>) offsets(%dma_start3A_237 : memref<56xi32, #tpu.memory_space<vmem>>) semaphore(%arg20 : memref<!tpu.dma_semaphore, #tpu.memory_space<semaphore_mem>>)
      } else {
      }
      %add3A_148 = arith.constant 3 : i32
      %add3A_149 = arith.addi %mul3A_79, %add3A_148 : i32
      %dma_wait3A_150 = arith.constant 0 : i32
      %dma_wait3A_151 = tpu.memref_slice %arg6[%add3A_149, %dma_wait3A_150] : memref<180x56xi32, #tpu.memory_space<vmem>> -> memref<1x56xi32, #tpu.memory_space<vmem>>
      %dma_wait3A_152 = tpu.memref_squeeze %dma_wait3A_151 : memref<1x56xi32, #tpu.memory_space<vmem>> -> memref<56xi32, #tpu.memory_space<vmem>>
      %dma_wait3A_153 = arith.constant 0 : i32
      %dma_wait3A_154 = arith.constant 0 : i32
      %dma_wait3A_155 = tpu.memref_slice %arg2[%dma_wait3A_153, %dma_wait3A_154] : memref<10000x128xbf16, #tpu.memory_space<hbm>> -> memref<10000x128xbf16, #tpu.memory_space<hbm>>
      tpu.wait_indirect_dma semaphore(%arg18 : memref<!tpu.dma_semaphore, #tpu.memory_space<semaphore_mem>>) src(%dma_wait3A_155 : memref<10000x128xbf16, #tpu.memory_space<hbm>>) dst(%arg11 : memref<56x128xbf16, #tpu.memory_space<vmem>>)
      %dma_start3A_156 = arith.constant 0 : i32
      %dma_start3A_157 = tpu.memref_slice %arg7[%add3A_149, %dma_start3A_156] : memref<180x56xi32, #tpu.memory_space<vmem>> -> memref<1x56xi32, #tpu.memory_space<vmem>>
      %dma_start3A_158 = tpu.memref_squeeze %dma_start3A_157 : memref<1x56xi32, #tpu.memory_space<vmem>> -> memref<56xi32, #tpu.memory_space<vmem>>
      %dma_start3A_159 = arith.constant 0 : i32
      %dma_start3A_160 = arith.constant 0 : i32
      %dma_start3A_161 = tpu.memref_slice %arg14[%dma_start3A_159, %dma_start3A_160] : memref<20032x128xbf16, #tpu.memory_space<vmem_shared>> -> memref<20032x128xbf16, #tpu.memory_space<vmem_shared>>
      tpu.enqueue_indirect_dma source(%arg11 : memref<56x128xbf16, #tpu.memory_space<vmem>>) target(%dma_start3A_161 : memref<20032x128xbf16, #tpu.memory_space<vmem_shared>>) offsets(%dma_start3A_158 : memref<56xi32, #tpu.memory_space<vmem>>) semaphore(%arg24 : memref<!tpu.dma_semaphore, #tpu.memory_space<semaphore_mem>>) {add = true}
      %sub3A = arith.constant 3 : i32
      %sub3A_162 = arith.subi %add3A_149, %sub3A : i32
      %dma_wait3A_163 = arith.constant 0 : i32
      %dma_wait3A_164 = tpu.memref_slice %arg7[%sub3A_162, %dma_wait3A_163] : memref<180x56xi32, #tpu.memory_space<vmem>> -> memref<1x56xi32, #tpu.memory_space<vmem>>
      %dma_wait3A_165 = tpu.memref_squeeze %dma_wait3A_164 : memref<1x56xi32, #tpu.memory_space<vmem>> -> memref<56xi32, #tpu.memory_space<vmem>>
      %dma_wait3A_166 = arith.constant 0 : i32
      %dma_wait3A_167 = arith.constant 0 : i32
      %dma_wait3A_168 = tpu.memref_slice %arg14[%dma_wait3A_166, %dma_wait3A_167] : memref<20032x128xbf16, #tpu.memory_space<vmem_shared>> -> memref<20032x128xbf16, #tpu.memory_space<vmem_shared>>
      tpu.wait_indirect_dma semaphore(%arg21 : memref<!tpu.dma_semaphore, #tpu.memory_space<semaphore_mem>>) src(%arg8 : memref<56x128xbf16, #tpu.memory_space<vmem>>) dst(%dma_wait3A_168 : memref<20032x128xbf16, #tpu.memory_space<vmem_shared>>)
      %add3A_169 = arith.constant 3 : i32
      %add3A_170 = arith.addi %add3A_149, %add3A_169 : i32
      %lt3A = arith.constant 180 : i32
      %lt3A_171 = arith.cmpi slt, %add3A_170, %lt3A : i32
      %convert_element_type3A_172 = arith.extui %lt3A_171 : i1 to i32
      %cond3A_173 = arith.constant 0 : i32
      %cond3A_174 = arith.cmpi ne, %convert_element_type3A_172, %cond3A_173 : i32
      scf.if %cond3A_174 {
        %add3A_233 = arith.constant 3 : i32
        %add3A_234 = arith.addi %add3A_149, %add3A_233 : i32
        %dma_start3A_235 = arith.constant 0 : i32
        %dma_start3A_236 = tpu.memref_slice %arg6[%add3A_234, %dma_start3A_235] : memref<180x56xi32, #tpu.memory_space<vmem>> -> memref<1x56xi32, #tpu.memory_space<vmem>>
        %dma_start3A_237 = tpu.memref_squeeze %dma_start3A_236 : memref<1x56xi32, #tpu.memory_space<vmem>> -> memref<56xi32, #tpu.memory_space<vmem>>
        %dma_start3A_238 = arith.constant 0 : i32
        %dma_start3A_239 = arith.constant 0 : i32
        %dma_start3A_240 = tpu.memref_slice %arg2[%dma_start3A_238, %dma_start3A_239] : memref<10000x128xbf16, #tpu.memory_space<hbm>> -> memref<10000x128xbf16, #tpu.memory_space<hbm>>
        tpu.enqueue_indirect_dma source(%dma_start3A_240 : memref<10000x128xbf16, #tpu.memory_space<hbm>>) target(%arg8 : memref<56x128xbf16, #tpu.memory_space<vmem>>) offsets(%dma_start3A_237 : memref<56xi32, #tpu.memory_space<vmem>>) semaphore(%arg15 : memref<!tpu.dma_semaphore, #tpu.memory_space<semaphore_mem>>)
      } else {
      }
      %add3A_175 = arith.constant 4 : i32
      %add3A_176 = arith.addi %mul3A_79, %add3A_175 : i32
      %dma_wait3A_177 = arith.constant 0 : i32
      %dma_wait3A_178 = tpu.memref_slice %arg6[%add3A_176, %dma_wait3A_177] : memref<180x56xi32, #tpu.memory_space<vmem>> -> memref<1x56xi32, #tpu.memory_space<vmem>>
      %dma_wait3A_179 = tpu.memref_squeeze %dma_wait3A_178 : memref<1x56xi32, #tpu.memory_space<vmem>> -> memref<56xi32, #tpu.memory_space<vmem>>
      %dma_wait3A_180 = arith.constant 0 : i32
      %dma_wait3A_181 = arith.constant 0 : i32
      %dma_wait3A_182 = tpu.memref_slice %arg2[%dma_wait3A_180, %dma_wait3A_181] : memref<10000x128xbf16, #tpu.memory_space<hbm>> -> memref<10000x128xbf16, #tpu.memory_space<hbm>>
      tpu.wait_indirect_dma semaphore(%arg19 : memref<!tpu.dma_semaphore, #tpu.memory_space<semaphore_mem>>) src(%dma_wait3A_182 : memref<10000x128xbf16, #tpu.memory_space<hbm>>) dst(%arg12 : memref<56x128xbf16, #tpu.memory_space<vmem>>)
      %dma_start3A_183 = arith.constant 0 : i32
      %dma_start3A_184 = tpu.memref_slice %arg7[%add3A_176, %dma_start3A_183] : memref<180x56xi32, #tpu.memory_space<vmem>> -> memref<1x56xi32, #tpu.memory_space<vmem>>
      %dma_start3A_185 = tpu.memref_squeeze %dma_start3A_184 : memref<1x56xi32, #tpu.memory_space<vmem>> -> memref<56xi32, #tpu.memory_space<vmem>>
      %dma_start3A_186 = arith.constant 0 : i32
      %dma_start3A_187 = arith.constant 0 : i32
      %dma_start3A_188 = tpu.memref_slice %arg14[%dma_start3A_186, %dma_start3A_187] : memref<20032x128xbf16, #tpu.memory_space<vmem_shared>> -> memref<20032x128xbf16, #tpu.memory_space<vmem_shared>>
      tpu.enqueue_indirect_dma source(%arg12 : memref<56x128xbf16, #tpu.memory_space<vmem>>) target(%dma_start3A_188 : memref<20032x128xbf16, #tpu.memory_space<vmem_shared>>) offsets(%dma_start3A_185 : memref<56xi32, #tpu.memory_space<vmem>>) semaphore(%arg25 : memref<!tpu.dma_semaphore, #tpu.memory_space<semaphore_mem>>) {add = true}
      %sub3A_189 = arith.constant 3 : i32
      %sub3A_190 = arith.subi %add3A_176, %sub3A_189 : i32
      %dma_wait3A_191 = arith.constant 0 : i32
      %dma_wait3A_192 = tpu.memref_slice %arg7[%sub3A_190, %dma_wait3A_191] : memref<180x56xi32, #tpu.memory_space<vmem>> -> memref<1x56xi32, #tpu.memory_space<vmem>>
      %dma_wait3A_193 = tpu.memref_squeeze %dma_wait3A_192 : memref<1x56xi32, #tpu.memory_space<vmem>> -> memref<56xi32, #tpu.memory_space<vmem>>
      %dma_wait3A_194 = arith.constant 0 : i32
      %dma_wait3A_195 = arith.constant 0 : i32
      %dma_wait3A_196 = tpu.memref_slice %arg14[%dma_wait3A_194, %dma_wait3A_195] : memref<20032x128xbf16, #tpu.memory_space<vmem_shared>> -> memref<20032x128xbf16, #tpu.memory_space<vmem_shared>>
      tpu.wait_indirect_dma semaphore(%arg22 : memref<!tpu.dma_semaphore, #tpu.memory_space<semaphore_mem>>) src(%arg9 : memref<56x128xbf16, #tpu.memory_space<vmem>>) dst(%dma_wait3A_196 : memref<20032x128xbf16, #tpu.memory_space<vmem_shared>>)
      %add3A_197 = arith.constant 3 : i32
      %add3A_198 = arith.addi %add3A_176, %add3A_197 : i32
      %lt3A_199 = arith.constant 180 : i32
      %lt3A_200 = arith.cmpi slt, %add3A_198, %lt3A_199 : i32
      %convert_element_type3A_201 = arith.extui %lt3A_200 : i1 to i32
      %cond3A_202 = arith.constant 0 : i32
      %cond3A_203 = arith.cmpi ne, %convert_element_type3A_201, %cond3A_202 : i32
      scf.if %cond3A_203 {
        %add3A_233 = arith.constant 3 : i32
        %add3A_234 = arith.addi %add3A_176, %add3A_233 : i32
        %dma_start3A_235 = arith.constant 0 : i32
        %dma_start3A_236 = tpu.memref_slice %arg6[%add3A_234, %dma_start3A_235] : memref<180x56xi32, #tpu.memory_space<vmem>> -> memref<1x56xi32, #tpu.memory_space<vmem>>
        %dma_start3A_237 = tpu.memref_squeeze %dma_start3A_236 : memref<1x56xi32, #tpu.memory_space<vmem>> -> memref<56xi32, #tpu.memory_space<vmem>>
        %dma_start3A_238 = arith.constant 0 : i32
        %dma_start3A_239 = arith.constant 0 : i32
        %dma_start3A_240 = tpu.memref_slice %arg2[%dma_start3A_238, %dma_start3A_239] : memref<10000x128xbf16, #tpu.memory_space<hbm>> -> memref<10000x128xbf16, #tpu.memory_space<hbm>>
        tpu.enqueue_indirect_dma source(%dma_start3A_240 : memref<10000x128xbf16, #tpu.memory_space<hbm>>) target(%arg9 : memref<56x128xbf16, #tpu.memory_space<vmem>>) offsets(%dma_start3A_237 : memref<56xi32, #tpu.memory_space<vmem>>) semaphore(%arg16 : memref<!tpu.dma_semaphore, #tpu.memory_space<semaphore_mem>>)
      } else {
      }
      %add3A_204 = arith.constant 5 : i32
      %add3A_205 = arith.addi %mul3A_79, %add3A_204 : i32
      %dma_wait3A_206 = arith.constant 0 : i32
      %dma_wait3A_207 = tpu.memref_slice %arg6[%add3A_205, %dma_wait3A_206] : memref<180x56xi32, #tpu.memory_space<vmem>> -> memref<1x56xi32, #tpu.memory_space<vmem>>
      %dma_wait3A_208 = tpu.memref_squeeze %dma_wait3A_207 : memref<1x56xi32, #tpu.memory_space<vmem>> -> memref<56xi32, #tpu.memory_space<vmem>>
      %dma_wait3A_209 = arith.constant 0 : i32
      %dma_wait3A_210 = arith.constant 0 : i32
      %dma_wait3A_211 = tpu.memref_slice %arg2[%dma_wait3A_209, %dma_wait3A_210] : memref<10000x128xbf16, #tpu.memory_space<hbm>> -> memref<10000x128xbf16, #tpu.memory_space<hbm>>
      tpu.wait_indirect_dma semaphore(%arg20 : memref<!tpu.dma_semaphore, #tpu.memory_space<semaphore_mem>>) src(%dma_wait3A_211 : memref<10000x128xbf16, #tpu.memory_space<hbm>>) dst(%arg13 : memref<56x128xbf16, #tpu.memory_space<vmem>>)
      %dma_start3A_212 = arith.constant 0 : i32
      %dma_start3A_213 = tpu.memref_slice %arg7[%add3A_205, %dma_start3A_212] : memref<180x56xi32, #tpu.memory_space<vmem>> -> memref<1x56xi32, #tpu.memory_space<vmem>>
      %dma_start3A_214 = tpu.memref_squeeze %dma_start3A_213 : memref<1x56xi32, #tpu.memory_space<vmem>> -> memref<56xi32, #tpu.memory_space<vmem>>
      %dma_start3A_215 = arith.constant 0 : i32
      %dma_start3A_216 = arith.constant 0 : i32
      %dma_start3A_217 = tpu.memref_slice %arg14[%dma_start3A_215, %dma_start3A_216] : memref<20032x128xbf16, #tpu.memory_space<vmem_shared>> -> memref<20032x128xbf16, #tpu.memory_space<vmem_shared>>
      tpu.enqueue_indirect_dma source(%arg13 : memref<56x128xbf16, #tpu.memory_space<vmem>>) target(%dma_start3A_217 : memref<20032x128xbf16, #tpu.memory_space<vmem_shared>>) offsets(%dma_start3A_214 : memref<56xi32, #tpu.memory_space<vmem>>) semaphore(%arg26 : memref<!tpu.dma_semaphore, #tpu.memory_space<semaphore_mem>>) {add = true}
      %sub3A_218 = arith.constant 3 : i32
      %sub3A_219 = arith.subi %add3A_205, %sub3A_218 : i32
      %dma_wait3A_220 = arith.constant 0 : i32
      %dma_wait3A_221 = tpu.memref_slice %arg7[%sub3A_219, %dma_wait3A_220] : memref<180x56xi32, #tpu.memory_space<vmem>> -> memref<1x56xi32, #tpu.memory_space<vmem>>
      %dma_wait3A_222 = tpu.memref_squeeze %dma_wait3A_221 : memref<1x56xi32, #tpu.memory_space<vmem>> -> memref<56xi32, #tpu.memory_space<vmem>>
      %dma_wait3A_223 = arith.constant 0 : i32
      %dma_wait3A_224 = arith.constant 0 : i32
      %dma_wait3A_225 = tpu.memref_slice %arg14[%dma_wait3A_223, %dma_wait3A_224] : memref<20032x128xbf16, #tpu.memory_space<vmem_shared>> -> memref<20032x128xbf16, #tpu.memory_space<vmem_shared>>
      tpu.wait_indirect_dma semaphore(%arg23 : memref<!tpu.dma_semaphore, #tpu.memory_space<semaphore_mem>>) src(%arg10 : memref<56x128xbf16, #tpu.memory_space<vmem>>) dst(%dma_wait3A_225 : memref<20032x128xbf16, #tpu.memory_space<vmem_shared>>)
      %add3A_226 = arith.constant 3 : i32
      %add3A_227 = arith.addi %add3A_205, %add3A_226 : i32
      %lt3A_228 = arith.constant 180 : i32
      %lt3A_229 = arith.cmpi slt, %add3A_227, %lt3A_228 : i32
      %convert_element_type3A_230 = arith.extui %lt3A_229 : i1 to i32
      %cond3A_231 = arith.constant 0 : i32
      %cond3A_232 = arith.cmpi ne, %convert_element_type3A_230, %cond3A_231 : i32
      scf.if %cond3A_232 {
        %add3A_233 = arith.constant 3 : i32
        %add3A_234 = arith.addi %add3A_205, %add3A_233 : i32
        %dma_start3A_235 = arith.constant 0 : i32
        %dma_start3A_236 = tpu.memref_slice %arg6[%add3A_234, %dma_start3A_235] : memref<180x56xi32, #tpu.memory_space<vmem>> -> memref<1x56xi32, #tpu.memory_space<vmem>>
        %dma_start3A_237 = tpu.memref_squeeze %dma_start3A_236 : memref<1x56xi32, #tpu.memory_space<vmem>> -> memref<56xi32, #tpu.memory_space<vmem>>
        %dma_start3A_238 = arith.constant 0 : i32
        %dma_start3A_239 = arith.constant 0 : i32
        %dma_start3A_240 = tpu.memref_slice %arg2[%dma_start3A_238, %dma_start3A_239] : memref<10000x128xbf16, #tpu.memory_space<hbm>> -> memref<10000x128xbf16, #tpu.memory_space<hbm>>
        tpu.enqueue_indirect_dma source(%dma_start3A_240 : memref<10000x128xbf16, #tpu.memory_space<hbm>>) target(%arg10 : memref<56x128xbf16, #tpu.memory_space<vmem>>) offsets(%dma_start3A_237 : memref<56xi32, #tpu.memory_space<vmem>>) semaphore(%arg17 : memref<!tpu.dma_semaphore, #tpu.memory_space<semaphore_mem>>)
      } else {
      }
    }
    %scan3A_42 = arith.constant 30 : i32
    %dma_wait3A = arith.constant 177 : i32
    %dma_wait3A_43 = arith.constant 0 : i32
    %dma_wait3A_44 = tpu.memref_slice %arg7[%dma_wait3A, %dma_wait3A_43] : memref<180x56xi32, #tpu.memory_space<vmem>> -> memref<1x56xi32, #tpu.memory_space<vmem>>
    %dma_wait3A_45 = tpu.memref_squeeze %dma_wait3A_44 : memref<1x56xi32, #tpu.memory_space<vmem>> -> memref<56xi32, #tpu.memory_space<vmem>>
    %dma_wait3A_46 = arith.constant 0 : i32
    %dma_wait3A_47 = arith.constant 0 : i32
    %dma_wait3A_48 = tpu.memref_slice %arg14[%dma_wait3A_46, %dma_wait3A_47] : memref<20032x128xbf16, #tpu.memory_space<vmem_shared>> -> memref<20032x128xbf16, #tpu.memory_space<vmem_shared>>
    tpu.wait_indirect_dma semaphore(%arg24 : memref<!tpu.dma_semaphore, #tpu.memory_space<semaphore_mem>>) src(%arg11 : memref<56x128xbf16, #tpu.memory_space<vmem>>) dst(%dma_wait3A_48 : memref<20032x128xbf16, #tpu.memory_space<vmem_shared>>)
    %dma_wait3A_49 = arith.constant 178 : i32
    %dma_wait3A_50 = arith.constant 0 : i32
    %dma_wait3A_51 = tpu.memref_slice %arg7[%dma_wait3A_49, %dma_wait3A_50] : memref<180x56xi32, #tpu.memory_space<vmem>> -> memref<1x56xi32, #tpu.memory_space<vmem>>
    %dma_wait3A_52 = tpu.memref_squeeze %dma_wait3A_51 : memref<1x56xi32, #tpu.memory_space<vmem>> -> memref<56xi32, #tpu.memory_space<vmem>>
    %dma_wait3A_53 = arith.constant 0 : i32
    %dma_wait3A_54 = arith.constant 0 : i32
    %dma_wait3A_55 = tpu.memref_slice %arg14[%dma_wait3A_53, %dma_wait3A_54] : memref<20032x128xbf16, #tpu.memory_space<vmem_shared>> -> memref<20032x128xbf16, #tpu.memory_space<vmem_shared>>
    tpu.wait_indirect_dma semaphore(%arg25 : memref<!tpu.dma_semaphore, #tpu.memory_space<semaphore_mem>>) src(%arg12 : memref<56x128xbf16, #tpu.memory_space<vmem>>) dst(%dma_wait3A_55 : memref<20032x128xbf16, #tpu.memory_space<vmem_shared>>)
    %dma_wait3A_56 = arith.constant 179 : i32
    %dma_wait3A_57 = arith.constant 0 : i32
    %dma_wait3A_58 = tpu.memref_slice %arg7[%dma_wait3A_56, %dma_wait3A_57] : memref<180x56xi32, #tpu.memory_space<vmem>> -> memref<1x56xi32, #tpu.memory_space<vmem>>
    %dma_wait3A_59 = tpu.memref_squeeze %dma_wait3A_58 : memref<1x56xi32, #tpu.memory_space<vmem>> -> memref<56xi32, #tpu.memory_space<vmem>>
    %dma_wait3A_60 = arith.constant 0 : i32
    %dma_wait3A_61 = arith.constant 0 : i32
    %dma_wait3A_62 = tpu.memref_slice %arg14[%dma_wait3A_60, %dma_wait3A_61] : memref<20032x128xbf16, #tpu.memory_space<vmem_shared>> -> memref<20032x128xbf16, #tpu.memory_space<vmem_shared>>
    tpu.wait_indirect_dma semaphore(%arg26 : memref<!tpu.dma_semaphore, #tpu.memory_space<semaphore_mem>>) src(%arg13 : memref<56x128xbf16, #tpu.memory_space<vmem>>) dst(%dma_wait3A_62 : memref<20032x128xbf16, #tpu.memory_space<vmem_shared>>)
    %barrier3A_63 = arith.constant 0 : index
    tpu.barrier barrier_id(%barrier3A_63)
    %mul3A_64 = arith.constant 625 : i32
    %mul3A_65 = arith.muli %arg1, %mul3A_64 : i32
    %add3A_66 = arith.constant 0 : i32
    %add3A_67 = arith.addi %add3A_66, %mul3A_65 : i32
    %mul3A_68 = arith.constant 625 : i32
    %mul3A_69 = arith.muli %arg1, %mul3A_68 : i32
    %run_scoped3A = arith.constant 0 : i32
    "tpu.region"() ({
      %run_scoped3A_77 = tpu.sem_alloc : memref<!tpu.dma_semaphore, #tpu.memory_space<semaphore_mem>>
      %dma_start3A_78 = arith.constant 0 : i32
      %dma_start3A_79 = tpu.memref_slice %arg5[%arg0, %run_scoped3A, %mul3A_69, %dma_start3A_78] : memref<2x2x10000x128xbf16, #tpu.memory_space<hbm>> -> memref<1x1x625x128xbf16, #tpu.memory_space<hbm>>
      %dma_start3A_80 = tpu.memref_squeeze %dma_start3A_79 : memref<1x1x625x128xbf16, #tpu.memory_space<hbm>> -> memref<625x128xbf16, #tpu.memory_space<hbm>>
      %dma_start3A_81 = arith.constant 0 : i32
      %dma_start3A_82 = tpu.memref_slice %arg14[%add3A_67, %dma_start3A_81] : memref<20032x128xbf16, #tpu.memory_space<vmem_shared>> -> memref<625x128xbf16, #tpu.memory_space<vmem_shared>>
      tpu.enqueue_dma source(%dma_start3A_82 : memref<625x128xbf16, #tpu.memory_space<vmem_shared>>) target(%dma_start3A_80 : memref<625x128xbf16, #tpu.memory_space<hbm>>) target_semaphore(%run_scoped3A_77 : memref<!tpu.dma_semaphore, #tpu.memory_space<semaphore_mem>>)
      %dma_wait3A_83 = arith.constant 0 : i32
      %dma_wait3A_84 = tpu.memref_slice %arg5[%arg0, %run_scoped3A, %mul3A_69, %dma_wait3A_83] : memref<2x2x10000x128xbf16, #tpu.memory_space<hbm>> -> memref<1x1x625x128xbf16, #tpu.memory_space<hbm>>
      %dma_wait3A_85 = tpu.memref_squeeze %dma_wait3A_84 : memref<1x1x625x128xbf16, #tpu.memory_space<hbm>> -> memref<625x128xbf16, #tpu.memory_space<hbm>>
      %dma_wait3A_86 = arith.constant 0 : i32
      %dma_wait3A_87 = tpu.memref_slice %arg14[%add3A_67, %dma_wait3A_86] : memref<20032x128xbf16, #tpu.memory_space<vmem_shared>> -> memref<625x128xbf16, #tpu.memory_space<vmem_shared>>
      tpu.wait_dma2 semaphore(%run_scoped3A_77 : memref<!tpu.dma_semaphore, #tpu.memory_space<semaphore_mem>>) src(%dma_wait3A_87 : memref<625x128xbf16, #tpu.memory_space<vmem_shared>>) dst(%dma_wait3A_85 : memref<625x128xbf16, #tpu.memory_space<hbm>>)
      tpu.yield
    }) : () -> ()
    %mul3A_70 = arith.constant 625 : i32
    %mul3A_71 = arith.muli %arg1, %mul3A_70 : i32
    %add3A_72 = arith.constant 10016 : i32
    %add3A_73 = arith.addi %add3A_72, %mul3A_71 : i32
    %mul3A_74 = arith.constant 625 : i32
    %mul3A_75 = arith.muli %arg1, %mul3A_74 : i32
    %run_scoped3A_76 = arith.constant 1 : i32
    "tpu.region"() ({
      %run_scoped3A_77 = tpu.sem_alloc : memref<!tpu.dma_semaphore, #tpu.memory_space<semaphore_mem>>
      %dma_start3A_78 = arith.constant 0 : i32
      %dma_start3A_79 = tpu.memref_slice %arg5[%arg0, %run_scoped3A_76, %mul3A_75, %dma_start3A_78] : memref<2x2x10000x128xbf16, #tpu.memory_space<hbm>> -> memref<1x1x625x128xbf16, #tpu.memory_space<hbm>>
      %dma_start3A_80 = tpu.memref_squeeze %dma_start3A_79 : memref<1x1x625x128xbf16, #tpu.memory_space<hbm>> -> memref<625x128xbf16, #tpu.memory_space<hbm>>
      %dma_start3A_81 = arith.constant 0 : i32
      %dma_start3A_82 = tpu.memref_slice %arg14[%add3A_73, %dma_start3A_81] : memref<20032x128xbf16, #tpu.memory_space<vmem_shared>> -> memref<625x128xbf16, #tpu.memory_space<vmem_shared>>
      tpu.enqueue_dma source(%dma_start3A_82 : memref<625x128xbf16, #tpu.memory_space<vmem_shared>>) target(%dma_start3A_80 : memref<625x128xbf16, #tpu.memory_space<hbm>>) target_semaphore(%run_scoped3A_77 : memref<!tpu.dma_semaphore, #tpu.memory_space<semaphore_mem>>)
      %dma_wait3A_83 = arith.constant 0 : i32
      %dma_wait3A_84 = tpu.memref_slice %arg5[%arg0, %run_scoped3A_76, %mul3A_75, %dma_wait3A_83] : memref<2x2x10000x128xbf16, #tpu.memory_space<hbm>> -> memref<1x1x625x128xbf16, #tpu.memory_space<hbm>>
      %dma_wait3A_85 = tpu.memref_squeeze %dma_wait3A_84 : memref<1x1x625x128xbf16, #tpu.memory_space<hbm>> -> memref<625x128xbf16, #tpu.memory_space<hbm>>
      %dma_wait3A_86 = arith.constant 0 : i32
      %dma_wait3A_87 = tpu.memref_slice %arg14[%add3A_73, %dma_wait3A_86] : memref<20032x128xbf16, #tpu.memory_space<vmem_shared>> -> memref<625x128xbf16, #tpu.memory_space<vmem_shared>>
      tpu.wait_dma2 semaphore(%run_scoped3A_77 : memref<!tpu.dma_semaphore, #tpu.memory_space<semaphore_mem>>) src(%dma_wait3A_87 : memref<625x128xbf16, #tpu.memory_space<vmem_shared>>) dst(%dma_wait3A_85 : memref<625x128xbf16, #tpu.memory_space<hbm>>)
      tpu.yield
    }) : () -> ()
    return
  }
}

#map = affine_map<(d0, d1) -> (0, 0)>
#map1 = affine_map<(d0, d1) -> (0, 0, 0)>
#map2 = affine_map<(d0, d1) -> (0, 0, 0, 0)>
module attributes {stable_mosaic.version = 14 : i64} {
  func.func @_sc_aggregate_body(%arg0: i32, %arg1: i32, %arg2: memref<10000x128xbf16, #tpu.memory_space<hbm>>, %arg3: memref<32x180x56xi32, #tpu.memory_space<hbm>>, %arg4: memref<32x180x56xi32, #tpu.memory_space<hbm>>, %arg5: memref<2x2x10000x128xbf16, #tpu.memory_space<hbm>>, %arg6: memref<180x56xi32, #tpu.memory_space<vmem>>, %arg7: memref<180x56xi32, #tpu.memory_space<vmem>>, %arg8: memref<56x128xbf16, #tpu.memory_space<vmem>>, %arg9: memref<56x128xbf16, #tpu.memory_space<vmem>>, %arg10: memref<56x128xbf16, #tpu.memory_space<vmem>>, %arg11: memref<56x128xbf16, #tpu.memory_space<vmem>>, %arg12: memref<56x128xbf16, #tpu.memory_space<vmem>>, %arg13: memref<56x128xbf16, #tpu.memory_space<vmem>>, %arg14: memref<20032x128xbf16, #tpu.memory_space<vmem_shared>>, %arg15: memref<!tpu.dma_semaphore, #tpu.memory_space<semaphore_mem>>, %arg16: memref<!tpu.dma_semaphore, #tpu.memory_space<semaphore_mem>>, %arg17: memref<!tpu.dma_semaphore, #tpu.memory_space<semaphore_mem>>, %arg18: memref<!tpu.dma_semaphore, #tpu.memory_space<semaphore_mem>>, %arg19: memref<!tpu.dma_semaphore, #tpu.memory_space<semaphore_mem>>, %arg20: memref<!tpu.dma_semaphore, #tpu.memory_space<semaphore_mem>>, %arg21: memref<!tpu.dma_semaphore, #tpu.memory_space<semaphore_mem>>, %arg22: memref<!tpu.dma_semaphore, #tpu.memory_space<semaphore_mem>>, %arg23: memref<!tpu.dma_semaphore, #tpu.memory_space<semaphore_mem>>, %arg24: memref<!tpu.dma_semaphore, #tpu.memory_space<semaphore_mem>>, %arg25: memref<!tpu.dma_semaphore, #tpu.memory_space<semaphore_mem>>, %arg26: memref<!tpu.dma_semaphore, #tpu.memory_space<semaphore_mem>>) attributes {dimension_semantics = [#tpu.dimension_semantics<core_parallel>, #tpu.dimension_semantics<subcore_parallel>], iteration_bounds = array<i64: 2, 16>, scalar_prefetch = 0 : i64, scratch_operands = 21 : i64, tpu.core_type = #tpu.core_type<sc_vector_subcore>, window_params = [{transform_indices = #map}, {transform_indices = #map1}, {transform_indices = #map1}, {transform_indices = #map2}]} {
    %mul3A = arith.constant 16 : i32
    %mul3A_0 = arith.muli %arg0, %mul3A : i32
    %add3A = arith.addi %mul3A_0, %arg1 : i32
    "tpu.region"() ({
      %run_scoped3A_77 = tpu.sem_alloc : memref<!tpu.dma_semaphore, #tpu.memory_space<semaphore_mem>>
      %dma_start3A_78 = arith.constant 0 : i32
      %dma_start3A_79 = arith.constant 0 : i32
      %dma_start3A_80 = tpu.memref_slice %arg3[%add3A, %dma_start3A_78, %dma_start3A_79] : memref<32x180x56xi32, #tpu.memory_space<hbm>> -> memref<1x180x56xi32, #tpu.memory_space<hbm>>
      %dma_start3A_81 = tpu.memref_squeeze %dma_start3A_80 : memref<1x180x56xi32, #tpu.memory_space<hbm>> -> memref<180x56xi32, #tpu.memory_space<hbm>>
      %dma_start3A_82 = arith.constant 0 : i32
      %dma_start3A_83 = arith.constant 0 : i32
      %dma_start3A_84 = tpu.memref_slice %arg3[%add3A, %dma_start3A_82, %dma_start3A_83] : memref<32x180x56xi32, #tpu.memory_space<hbm>> -> memref<1x180x56xi32, #tpu.memory_space<hbm>>
      %dma_start3A_85 = tpu.memref_squeeze %dma_start3A_84 : memref<1x180x56xi32, #tpu.memory_space<hbm>> -> memref<180x56xi32, #tpu.memory_space<hbm>>
      tpu.enqueue_dma source(%dma_start3A_85 : memref<180x56xi32, #tpu.memory_space<hbm>>) target(%arg6 : memref<180x56xi32, #tpu.memory_space<vmem>>) target_semaphore(%run_scoped3A_77 : memref<!tpu.dma_semaphore, #tpu.memory_space<semaphore_mem>>)
      %dma_wait3A_86 = arith.constant 0 : i32
      %dma_wait3A_87 = arith.constant 0 : i32
      %dma_wait3A_88 = tpu.memref_slice %arg3[%add3A, %dma_wait3A_86, %dma_wait3A_87] : memref<32x180x56xi32, #tpu.memory_space<hbm>> -> memref<1x180x56xi32, #tpu.memory_space<hbm>>
      %dma_wait3A_89 = tpu.memref_squeeze %dma_wait3A_88 : memref<1x180x56xi32, #tpu.memory_space<hbm>> -> memref<180x56xi32, #tpu.memory_space<hbm>>
      %dma_wait3A_90 = arith.constant 0 : i32
      %dma_wait3A_91 = arith.constant 0 : i32
      %dma_wait3A_92 = tpu.memref_slice %arg3[%add3A, %dma_wait3A_90, %dma_wait3A_91] : memref<32x180x56xi32, #tpu.memory_space<hbm>> -> memref<1x180x56xi32, #tpu.memory_space<hbm>>
      %dma_wait3A_93 = tpu.memref_squeeze %dma_wait3A_92 : memref<1x180x56xi32, #tpu.memory_space<hbm>> -> memref<180x56xi32, #tpu.memory_space<hbm>>
      tpu.wait_dma2 semaphore(%run_scoped3A_77 : memref<!tpu.dma_semaphore, #tpu.memory_space<semaphore_mem>>) src(%dma_wait3A_93 : memref<180x56xi32, #tpu.memory_space<hbm>>) dst(%arg6 : memref<180x56xi32, #tpu.memory_space<vmem>>)
      tpu.yield
    }) : () -> ()
    "tpu.region"() ({
      %run_scoped3A_77 = tpu.sem_alloc : memref<!tpu.dma_semaphore, #tpu.memory_space<semaphore_mem>>
      %dma_start3A_78 = arith.constant 0 : i32
      %dma_start3A_79 = arith.constant 0 : i32
      %dma_start3A_80 = tpu.memref_slice %arg4[%add3A, %dma_start3A_78, %dma_start3A_79] : memref<32x180x56xi32, #tpu.memory_space<hbm>> -> memref<1x180x56xi32, #tpu.memory_space<hbm>>
      %dma_start3A_81 = tpu.memref_squeeze %dma_start3A_80 : memref<1x180x56xi32, #tpu.memory_space<hbm>> -> memref<180x56xi32, #tpu.memory_space<hbm>>
      %dma_start3A_82 = arith.constant 0 : i32
      %dma_start3A_83 = arith.constant 0 : i32
      %dma_start3A_84 = tpu.memref_slice %arg4[%add3A, %dma_start3A_82, %dma_start3A_83] : memref<32x180x56xi32, #tpu.memory_space<hbm>> -> memref<1x180x56xi32, #tpu.memory_space<hbm>>
      %dma_start3A_85 = tpu.memref_squeeze %dma_start3A_84 : memref<1x180x56xi32, #tpu.memory_space<hbm>> -> memref<180x56xi32, #tpu.memory_space<hbm>>
      tpu.enqueue_dma source(%dma_start3A_85 : memref<180x56xi32, #tpu.memory_space<hbm>>) target(%arg7 : memref<180x56xi32, #tpu.memory_space<vmem>>) target_semaphore(%run_scoped3A_77 : memref<!tpu.dma_semaphore, #tpu.memory_space<semaphore_mem>>)
      %dma_wait3A_86 = arith.constant 0 : i32
      %dma_wait3A_87 = arith.constant 0 : i32
      %dma_wait3A_88 = tpu.memref_slice %arg4[%add3A, %dma_wait3A_86, %dma_wait3A_87] : memref<32x180x56xi32, #tpu.memory_space<hbm>> -> memref<1x180x56xi32, #tpu.memory_space<hbm>>
      %dma_wait3A_89 = tpu.memref_squeeze %dma_wait3A_88 : memref<1x180x56xi32, #tpu.memory_space<hbm>> -> memref<180x56xi32, #tpu.memory_space<hbm>>
      %dma_wait3A_90 = arith.constant 0 : i32
      %dma_wait3A_91 = arith.constant 0 : i32
      %dma_wait3A_92 = tpu.memref_slice %arg4[%add3A, %dma_wait3A_90, %dma_wait3A_91] : memref<32x180x56xi32, #tpu.memory_space<hbm>> -> memref<1x180x56xi32, #tpu.memory_space<hbm>>
      %dma_wait3A_93 = tpu.memref_squeeze %dma_wait3A_92 : memref<1x180x56xi32, #tpu.memory_space<hbm>> -> memref<180x56xi32, #tpu.memory_space<hbm>>
      tpu.wait_dma2 semaphore(%run_scoped3A_77 : memref<!tpu.dma_semaphore, #tpu.memory_space<semaphore_mem>>) src(%dma_wait3A_93 : memref<180x56xi32, #tpu.memory_space<hbm>>) dst(%arg7 : memref<180x56xi32, #tpu.memory_space<vmem>>)
      tpu.yield
    }) : () -> ()
    %broadcast_in_dim3A = arith.constant 0.000000e+00 : bf16
    %broadcast_in_dim3A_1 = vector.broadcast %broadcast_in_dim3A : bf16 to vector<32xbf16>
    %scan3A = arith.constant 0 : i32
    %scan3A_2 = arith.constant 0 : i32
    %scan3A_3 = arith.constant 224 : i32
    %scan3A_4 = arith.addi %scan3A_2, %scan3A_3 : i32
    %scan3A_5 = arith.constant 1 : i32
    scf.for %scan3A_77 = %scan3A_2 to %scan3A_4 step %scan3A_5  : i32 {
      %jit3A = arith.constant 4 : i32
      %div3A = arith.divsi %scan3A_77, %jit3A : i32
      %sign3A = arith.constant 0 : i32
      %sign3A_78 = arith.cmpi sgt, %scan3A_77, %sign3A : i32
      %sign3A_79 = arith.extui %sign3A_78 : i1 to i32
      %sign3A_80 = arith.constant 0 : i32
      %sign3A_81 = arith.cmpi slt, %scan3A_77, %sign3A_80 : i32
      %sign3A_82 = arith.extui %sign3A_81 : i1 to i32
      %sign3A_83 = arith.subi %sign3A_79, %sign3A_82 : i32
      %sign3A_84 = arith.constant 0 : i32
      %sign3A_85 = arith.cmpi sgt, %jit3A, %sign3A_84 : i32
      %sign3A_86 = arith.extui %sign3A_85 : i1 to i32
      %sign3A_87 = arith.constant 0 : i32
      %sign3A_88 = arith.cmpi slt, %jit3A, %sign3A_87 : i32
      %sign3A_89 = arith.extui %sign3A_88 : i1 to i32
      %sign3A_90 = arith.subi %sign3A_86, %sign3A_89 : i32
      %ne3A = arith.cmpi ne, %sign3A_83, %sign3A_90 : i32
      %rem3A = arith.remsi %scan3A_77, %jit3A : i32
      %ne3A_91 = arith.constant 0 : i32
      %ne3A_92 = arith.cmpi ne, %rem3A, %ne3A_91 : i32
      %and3A = arith.andi %ne3A, %ne3A_92 : i1
      %sub3A = arith.constant 1 : i32
      %sub3A_93 = arith.subi %div3A, %sub3A : i32
      %select_n3A = arith.select %and3A, %sub3A_93, %div3A : i32
      %jit3A_94 = arith.constant 4 : i32
      %eq3A = arith.constant 0 : i32
      %eq3A_95 = arith.cmpi eq, %jit3A_94, %eq3A : i32
      %jit3A_96 = arith.constant 1 : i32
      %select_n3A_97 = arith.select %eq3A_95, %jit3A_96, %jit3A_94 : i32
      %rem3A_98 = arith.remsi %scan3A_77, %select_n3A_97 : i32
      %ne3A_99 = arith.constant 0 : i32
      %ne3A_100 = arith.cmpi ne, %rem3A_98, %ne3A_99 : i32
      %lt3A = arith.constant 0 : i32
      %lt3A_101 = arith.cmpi slt, %rem3A_98, %lt3A : i32
      %lt3A_102 = arith.constant 0 : i32
      %lt3A_103 = arith.cmpi slt, %select_n3A_97, %lt3A_102 : i32
      %ne3A_104 = arith.xori %lt3A_101, %lt3A_103 : i1
      %and3A_105 = arith.andi %ne3A_104, %ne3A_100 : i1
      %add3A_106 = arith.addi %rem3A_98, %select_n3A_97 : i32
      %select_n3A_107 = arith.select %and3A_105, %add3A_106, %rem3A_98 : i32
      %mul3A_108 = arith.constant 32 : i32
      %mul3A_109 = arith.muli %select_n3A_107, %mul3A_108 : i32
      %swap3A = arith.index_cast %select_n3A : i32 to index
      %swap3A_110 = arith.index_cast %mul3A_109 : i32 to index
      %swap3A_111 = tpu.vector_load %arg8[%swap3A, %swap3A_110] {strides = array<i32>} : memref<56x128xbf16, #tpu.memory_space<vmem>>, vector<32xbf16>,
      tpu.vector_store %arg8[%swap3A, %swap3A_110], %broadcast_in_dim3A_1 {strides = array<i32>} : memref<56x128xbf16, #tpu.memory_space<vmem>>, vector<32xbf16>,
    }
    %scan3A_6 = arith.constant 224 : i32
    %mul3A_7 = arith.constant 1252 : i32
    %mul3A_8 = arith.muli %arg1, %mul3A_7 : i32
    %scan3A_9 = arith.constant 0 : i32
    %scan3A_10 = arith.constant 0 : i32
    %scan3A_11 = arith.constant 22 : i32
    %scan3A_12 = arith.addi %scan3A_10, %scan3A_11 : i32
    %scan3A_13 = arith.constant 1 : i32
    scf.for %scan3A_77 = %scan3A_10 to %scan3A_12 step %scan3A_13  : i32 {
      %mul3A_78 = arith.constant 56 : i32
      %mul3A_79 = arith.muli %scan3A_77, %mul3A_78 : i32
      %add3A_80 = arith.addi %mul3A_8, %mul3A_79 : i32
      "tpu.region"() ({
        %run_scoped3A_81 = tpu.sem_alloc : memref<!tpu.dma_semaphore, #tpu.memory_space<semaphore_mem>>
        %dma_start3A_82 = arith.constant 0 : i32
        %dma_start3A_83 = tpu.memref_slice %arg14[%add3A_80, %dma_start3A_82] : memref<20032x128xbf16, #tpu.memory_space<vmem_shared>> -> memref<56x128xbf16, #tpu.memory_space<vmem_shared>>
        %dma_start3A_84 = arith.constant 0 : i32
        %dma_start3A_85 = tpu.memref_slice %arg14[%add3A_80, %dma_start3A_84] : memref<20032x128xbf16, #tpu.memory_space<vmem_shared>> -> memref<56x128xbf16, #tpu.memory_space<vmem_shared>>
        tpu.enqueue_dma source(%arg8 : memref<56x128xbf16, #tpu.memory_space<vmem>>) target(%dma_start3A_85 : memref<56x128xbf16, #tpu.memory_space<vmem_shared>>) target_semaphore(%run_scoped3A_81 : memref<!tpu.dma_semaphore, #tpu.memory_space<semaphore_mem>>)
        %dma_wait3A_86 = arith.constant 0 : i32
        %dma_wait3A_87 = tpu.memref_slice %arg14[%add3A_80, %dma_wait3A_86] : memref<20032x128xbf16, #tpu.memory_space<vmem_shared>> -> memref<56x128xbf16, #tpu.memory_space<vmem_shared>>
        %dma_wait3A_88 = arith.constant 0 : i32
        %dma_wait3A_89 = tpu.memref_slice %arg14[%add3A_80, %dma_wait3A_88] : memref<20032x128xbf16, #tpu.memory_space<vmem_shared>> -> memref<56x128xbf16, #tpu.memory_space<vmem_shared>>
        tpu.wait_dma2 semaphore(%run_scoped3A_81 : memref<!tpu.dma_semaphore, #tpu.memory_space<semaphore_mem>>) src(%arg8 : memref<56x128xbf16, #tpu.memory_space<vmem>>) dst(%dma_wait3A_89 : memref<56x128xbf16, #tpu.memory_space<vmem_shared>>)
        tpu.yield
      }) : () -> ()
    }
    %scan3A_14 = arith.constant 22 : i32
    %add3A_15 = arith.constant 1232 : i32
    %add3A_16 = arith.addi %mul3A_8, %add3A_15 : i32
    "tpu.region"() ({
      %run_scoped3A_77 = tpu.sem_alloc : memref<!tpu.dma_semaphore, #tpu.memory_space<semaphore_mem>>
      %dma_start3A_78 = arith.constant 0 : i32
      %dma_start3A_79 = arith.constant 0 : i32
      %dma_start3A_80 = tpu.memref_slice %arg8[%dma_start3A_78, %dma_start3A_79] : memref<56x128xbf16, #tpu.memory_space<vmem>> -> memref<20x128xbf16, #tpu.memory_space<vmem>>
      %dma_start3A_81 = arith.constant 0 : i32
      %dma_start3A_82 = tpu.memref_slice %arg14[%add3A_16, %dma_start3A_81] : memref<20032x128xbf16, #tpu.memory_space<vmem_shared>> -> memref<20x128xbf16, #tpu.memory_space<vmem_shared>>
      %dma_start3A_83 = arith.constant 0 : i32
      %dma_start3A_84 = tpu.memref_slice %arg14[%add3A_16, %dma_start3A_83] : memref<20032x128xbf16, #tpu.memory_space<vmem_shared>> -> memref<20x128xbf16, #tpu.memory_space<vmem_shared>>
      %dma_start3A_85 = arith.constant 0 : i32
      %dma_start3A_86 = arith.constant 0 : i32
      %dma_start3A_87 = tpu.memref_slice %arg8[%dma_start3A_85, %dma_start3A_86] : memref<56x128xbf16, #tpu.memory_space<vmem>> -> memref<20x128xbf16, #tpu.memory_space<vmem>>
      tpu.enqueue_dma source(%dma_start3A_87 : memref<20x128xbf16, #tpu.memory_space<vmem>>) target(%dma_start3A_84 : memref<20x128xbf16, #tpu.memory_space<vmem_shared>>) target_semaphore(%run_scoped3A_77 : memref<!tpu.dma_semaphore, #tpu.memory_space<semaphore_mem>>)
      %dma_wait3A_88 = arith.constant 0 : i32
      %dma_wait3A_89 = arith.constant 0 : i32
      %dma_wait3A_90 = tpu.memref_slice %arg8[%dma_wait3A_88, %dma_wait3A_89] : memref<56x128xbf16, #tpu.memory_space<vmem>> -> memref<20x128xbf16, #tpu.memory_space<vmem>>
      %dma_wait3A_91 = arith.constant 0 : i32
      %dma_wait3A_92 = tpu.memref_slice %arg14[%add3A_16, %dma_wait3A_91] : memref<20032x128xbf16, #tpu.memory_space<vmem_shared>> -> memref<20x128xbf16, #tpu.memory_space<vmem_shared>>
      %dma_wait3A_93 = arith.constant 0 : i32
      %dma_wait3A_94 = tpu.memref_slice %arg14[%add3A_16, %dma_wait3A_93] : memref<20032x128xbf16, #tpu.memory_space<vmem_shared>> -> memref<20x128xbf16, #tpu.memory_space<vmem_shared>>
      %dma_wait3A_95 = arith.constant 0 : i32
      %dma_wait3A_96 = arith.constant 0 : i32
      %dma_wait3A_97 = tpu.memref_slice %arg8[%dma_wait3A_95, %dma_wait3A_96] : memref<56x128xbf16, #tpu.memory_space<vmem>> -> memref<20x128xbf16, #tpu.memory_space<vmem>>
      tpu.wait_dma2 semaphore(%run_scoped3A_77 : memref<!tpu.dma_semaphore, #tpu.memory_space<semaphore_mem>>) src(%dma_wait3A_97 : memref<20x128xbf16, #tpu.memory_space<vmem>>) dst(%dma_wait3A_94 : memref<20x128xbf16, #tpu.memory_space<vmem_shared>>)
      tpu.yield
    }) : () -> ()
    %barrier3A = arith.constant 0 : index
    tpu.barrier barrier_id(%barrier3A)
    %dma_start3A = arith.constant 0 : i32
    %dma_start3A_17 = arith.constant 0 : i32
    %dma_start3A_18 = tpu.memref_slice %arg6[%dma_start3A, %dma_start3A_17] : memref<180x56xi32, #tpu.memory_space<vmem>> -> memref<1x56xi32, #tpu.memory_space<vmem>>
    %dma_start3A_19 = tpu.memref_squeeze %dma_start3A_18 : memref<1x56xi32, #tpu.memory_space<vmem>> -> memref<56xi32, #tpu.memory_space<vmem>>
    %dma_start3A_20 = arith.constant 0 : i32
    %dma_start3A_21 = arith.constant 0 : i32
    %dma_start3A_22 = tpu.memref_slice %arg2[%dma_start3A_20, %dma_start3A_21] : memref<10000x128xbf16, #tpu.memory_space<hbm>> -> memref<10000x128xbf16, #tpu.memory_space<hbm>>
    tpu.enqueue_indirect_dma source(%dma_start3A_22 : memref<10000x128xbf16, #tpu.memory_space<hbm>>) target(%arg8 : memref<56x128xbf16, #tpu.memory_space<vmem>>) offsets(%dma_start3A_19 : memref<56xi32, #tpu.memory_space<vmem>>) semaphore(%arg15 : memref<!tpu.dma_semaphore, #tpu.memory_space<semaphore_mem>>)
    %dma_start3A_23 = arith.constant 1 : i32
    %dma_start3A_24 = arith.constant 0 : i32
    %dma_start3A_25 = tpu.memref_slice %arg6[%dma_start3A_23, %dma_start3A_24] : memref<180x56xi32, #tpu.memory_space<vmem>> -> memref<1x56xi32, #tpu.memory_space<vmem>>
    %dma_start3A_26 = tpu.memref_squeeze %dma_start3A_25 : memref<1x56xi32, #tpu.memory_space<vmem>> -> memref<56xi32, #tpu.memory_space<vmem>>
    %dma_start3A_27 = arith.constant 0 : i32
    %dma_start3A_28 = arith.constant 0 : i32
    %dma_start3A_29 = tpu.memref_slice %arg2[%dma_start3A_27, %dma_start3A_28] : memref<10000x128xbf16, #tpu.memory_space<hbm>> -> memref<10000x128xbf16, #tpu.memory_space<hbm>>
    tpu.enqueue_indirect_dma source(%dma_start3A_29 : memref<10000x128xbf16, #tpu.memory_space<hbm>>) target(%arg9 : memref<56x128xbf16, #tpu.memory_space<vmem>>) offsets(%dma_start3A_26 : memref<56xi32, #tpu.memory_space<vmem>>) semaphore(%arg16 : memref<!tpu.dma_semaphore, #tpu.memory_space<semaphore_mem>>)
    %dma_start3A_30 = arith.constant 2 : i32
    %dma_start3A_31 = arith.constant 0 : i32
    %dma_start3A_32 = tpu.memref_slice %arg6[%dma_start3A_30, %dma_start3A_31] : memref<180x56xi32, #tpu.memory_space<vmem>> -> memref<1x56xi32, #tpu.memory_space<vmem>>
    %dma_start3A_33 = tpu.memref_squeeze %dma_start3A_32 : memref<1x56xi32, #tpu.memory_space<vmem>> -> memref<56xi32, #tpu.memory_space<vmem>>
    %dma_start3A_34 = arith.constant 0 : i32
    %dma_start3A_35 = arith.constant 0 : i32
    %dma_start3A_36 = tpu.memref_slice %arg2[%dma_start3A_34, %dma_start3A_35] : memref<10000x128xbf16, #tpu.memory_space<hbm>> -> memref<10000x128xbf16, #tpu.memory_space<hbm>>
    tpu.enqueue_indirect_dma source(%dma_start3A_36 : memref<10000x128xbf16, #tpu.memory_space<hbm>>) target(%arg10 : memref<56x128xbf16, #tpu.memory_space<vmem>>) offsets(%dma_start3A_33 : memref<56xi32, #tpu.memory_space<vmem>>) semaphore(%arg17 : memref<!tpu.dma_semaphore, #tpu.memory_space<semaphore_mem>>)
    %scan3A_37 = arith.constant 0 : i32
    %scan3A_38 = arith.constant 0 : i32
    %scan3A_39 = arith.constant 30 : i32
    %scan3A_40 = arith.addi %scan3A_38, %scan3A_39 : i32
    %scan3A_41 = arith.constant 1 : i32
    scf.for %scan3A_77 = %scan3A_38 to %scan3A_40 step %scan3A_41  : i32 {
      %mul3A_78 = arith.constant 6 : i32
      %mul3A_79 = arith.muli %mul3A_78, %scan3A_77 : i32
      %add3A_80 = arith.constant 0 : i32
      %add3A_81 = arith.addi %mul3A_79, %add3A_80 : i32
      %dma_wait3A_82 = arith.constant 0 : i32
      %dma_wait3A_83 = tpu.memref_slice %arg6[%add3A_81, %dma_wait3A_82] : memref<180x56xi32, #tpu.memory_space<vmem>> -> memref<1x56xi32, #tpu.memory_space<vmem>>
      %dma_wait3A_84 = tpu.memref_squeeze %dma_wait3A_83 : memref<1x56xi32, #tpu.memory_space<vmem>> -> memref<56xi32, #tpu.memory_space<vmem>>
      %dma_wait3A_85 = arith.constant 0 : i32
      %dma_wait3A_86 = arith.constant 0 : i32
      %dma_wait3A_87 = tpu.memref_slice %arg2[%dma_wait3A_85, %dma_wait3A_86] : memref<10000x128xbf16, #tpu.memory_space<hbm>> -> memref<10000x128xbf16, #tpu.memory_space<hbm>>
      tpu.wait_indirect_dma semaphore(%arg15 : memref<!tpu.dma_semaphore, #tpu.memory_space<semaphore_mem>>) src(%dma_wait3A_87 : memref<10000x128xbf16, #tpu.memory_space<hbm>>) dst(%arg8 : memref<56x128xbf16, #tpu.memory_space<vmem>>)
      %dma_start3A_88 = arith.constant 0 : i32
      %dma_start3A_89 = tpu.memref_slice %arg7[%add3A_81, %dma_start3A_88] : memref<180x56xi32, #tpu.memory_space<vmem>> -> memref<1x56xi32, #tpu.memory_space<vmem>>
      %dma_start3A_90 = tpu.memref_squeeze %dma_start3A_89 : memref<1x56xi32, #tpu.memory_space<vmem>> -> memref<56xi32, #tpu.memory_space<vmem>>
      %dma_start3A_91 = arith.constant 0 : i32
      %dma_start3A_92 = arith.constant 0 : i32
      %dma_start3A_93 = tpu.memref_slice %arg14[%dma_start3A_91, %dma_start3A_92] : memref<20032x128xbf16, #tpu.memory_space<vmem_shared>> -> memref<20032x128xbf16, #tpu.memory_space<vmem_shared>>
      tpu.enqueue_indirect_dma source(%arg8 : memref<56x128xbf16, #tpu.memory_space<vmem>>) target(%dma_start3A_93 : memref<20032x128xbf16, #tpu.memory_space<vmem_shared>>) offsets(%dma_start3A_90 : memref<56xi32, #tpu.memory_space<vmem>>) semaphore(%arg21 : memref<!tpu.dma_semaphore, #tpu.memory_space<semaphore_mem>>) {add = true}
      %gt3A = arith.constant 0 : i32
      %gt3A_94 = arith.cmpi sgt, %scan3A_77, %gt3A : i32
      %convert_element_type3A = arith.extui %gt3A_94 : i1 to i32
      %cond3A = arith.constant 0 : i32
      %cond3A_95 = arith.cmpi ne, %convert_element_type3A, %cond3A : i32
      scf.if %cond3A_95 {
        %sub3A_233 = arith.constant 3 : i32
        %sub3A_234 = arith.subi %add3A_81, %sub3A_233 : i32
        %dma_wait3A_235 = arith.constant 0 : i32
        %dma_wait3A_236 = tpu.memref_slice %arg7[%sub3A_234, %dma_wait3A_235] : memref<180x56xi32, #tpu.memory_space<vmem>> -> memref<1x56xi32, #tpu.memory_space<vmem>>
        %dma_wait3A_237 = tpu.memref_squeeze %dma_wait3A_236 : memref<1x56xi32, #tpu.memory_space<vmem>> -> memref<56xi32, #tpu.memory_space<vmem>>
        %dma_wait3A_238 = arith.constant 0 : i32
        %dma_wait3A_239 = arith.constant 0 : i32
        %dma_wait3A_240 = tpu.memref_slice %arg14[%dma_wait3A_238, %dma_wait3A_239] : memref<20032x128xbf16, #tpu.memory_space<vmem_shared>> -> memref<20032x128xbf16, #tpu.memory_space<vmem_shared>>
        tpu.wait_indirect_dma semaphore(%arg24 : memref<!tpu.dma_semaphore, #tpu.memory_space<semaphore_mem>>) src(%arg11 : memref<56x128xbf16, #tpu.memory_space<vmem>>) dst(%dma_wait3A_240 : memref<20032x128xbf16, #tpu.memory_space<vmem_shared>>)
        %add3A_241 = arith.constant 3 : i32
        %add3A_242 = arith.addi %add3A_81, %add3A_241 : i32
        %lt3A_243 = arith.constant 180 : i32
        %lt3A_244 = arith.cmpi slt, %add3A_242, %lt3A_243 : i32
        %convert_element_type3A_245 = arith.extui %lt3A_244 : i1 to i32
        %cond3A_246 = arith.constant 0 : i32
        %cond3A_247 = arith.cmpi ne, %convert_element_type3A_245, %cond3A_246 : i32
        scf.if %cond3A_247 {
          %add3A_248 = arith.constant 3 : i32
          %add3A_249 = arith.addi %add3A_81, %add3A_248 : i32
          %dma_start3A_250 = arith.constant 0 : i32
          %dma_start3A_251 = tpu.memref_slice %arg6[%add3A_249, %dma_start3A_250] : memref<180x56xi32, #tpu.memory_space<vmem>> -> memref<1x56xi32, #tpu.memory_space<vmem>>
          %dma_start3A_252 = tpu.memref_squeeze %dma_start3A_251 : memref<1x56xi32, #tpu.memory_space<vmem>> -> memref<56xi32, #tpu.memory_space<vmem>>
          %dma_start3A_253 = arith.constant 0 : i32
          %dma_start3A_254 = arith.constant 0 : i32
          %dma_start3A_255 = tpu.memref_slice %arg2[%dma_start3A_253, %dma_start3A_254] : memref<10000x128xbf16, #tpu.memory_space<hbm>> -> memref<10000x128xbf16, #tpu.memory_space<hbm>>
          tpu.enqueue_indirect_dma source(%dma_start3A_255 : memref<10000x128xbf16, #tpu.memory_space<hbm>>) target(%arg11 : memref<56x128xbf16, #tpu.memory_space<vmem>>) offsets(%dma_start3A_252 : memref<56xi32, #tpu.memory_space<vmem>>) semaphore(%arg18 : memref<!tpu.dma_semaphore, #tpu.memory_space<semaphore_mem>>)
        } else {
        }
      } else {
      }
      %eq3A = arith.constant 0 : i32
      %eq3A_96 = arith.cmpi eq, %scan3A_77, %eq3A : i32
      %convert_element_type3A_97 = arith.extui %eq3A_96 : i1 to i32
      %cond3A_98 = arith.constant 0 : i32
      %cond3A_99 = arith.cmpi ne, %convert_element_type3A_97, %cond3A_98 : i32
      scf.if %cond3A_99 {
        %add3A_233 = arith.constant 3 : i32
        %add3A_234 = arith.addi %add3A_81, %add3A_233 : i32
        %dma_start3A_235 = arith.constant 0 : i32
        %dma_start3A_236 = tpu.memref_slice %arg6[%add3A_234, %dma_start3A_235] : memref<180x56xi32, #tpu.memory_space<vmem>> -> memref<1x56xi32, #tpu.memory_space<vmem>>
        %dma_start3A_237 = tpu.memref_squeeze %dma_start3A_236 : memref<1x56xi32, #tpu.memory_space<vmem>> -> memref<56xi32, #tpu.memory_space<vmem>>
        %dma_start3A_238 = arith.constant 0 : i32
        %dma_start3A_239 = arith.constant 0 : i32
        %dma_start3A_240 = tpu.memref_slice %arg2[%dma_start3A_238, %dma_start3A_239] : memref<10000x128xbf16, #tpu.memory_space<hbm>> -> memref<10000x128xbf16, #tpu.memory_space<hbm>>
        tpu.enqueue_indirect_dma source(%dma_start3A_240 : memref<10000x128xbf16, #tpu.memory_space<hbm>>) target(%arg11 : memref<56x128xbf16, #tpu.memory_space<vmem>>) offsets(%dma_start3A_237 : memref<56xi32, #tpu.memory_space<vmem>>) semaphore(%arg18 : memref<!tpu.dma_semaphore, #tpu.memory_space<semaphore_mem>>)
      } else {
      }
      %add3A_100 = arith.constant 1 : i32
      %add3A_101 = arith.addi %mul3A_79, %add3A_100 : i32
      %dma_wait3A_102 = arith.constant 0 : i32
      %dma_wait3A_103 = tpu.memref_slice %arg6[%add3A_101, %dma_wait3A_102] : memref<180x56xi32, #tpu.memory_space<vmem>> -> memref<1x56xi32, #tpu.memory_space<vmem>>
      %dma_wait3A_104 = tpu.memref_squeeze %dma_wait3A_103 : memref<1x56xi32, #tpu.memory_space<vmem>> -> memref<56xi32, #tpu.memory_space<vmem>>
      %dma_wait3A_105 = arith.constant 0 : i32
      %dma_wait3A_106 = arith.constant 0 : i32
      %dma_wait3A_107 = tpu.memref_slice %arg2[%dma_wait3A_105, %dma_wait3A_106] : memref<10000x128xbf16, #tpu.memory_space<hbm>> -> memref<10000x128xbf16, #tpu.memory_space<hbm>>
      tpu.wait_indirect_dma semaphore(%arg16 : memref<!tpu.dma_semaphore, #tpu.memory_space<semaphore_mem>>) src(%dma_wait3A_107 : memref<10000x128xbf16, #tpu.memory_space<hbm>>) dst(%arg9 : memref<56x128xbf16, #tpu.memory_space<vmem>>)
      %dma_start3A_108 = arith.constant 0 : i32
      %dma_start3A_109 = tpu.memref_slice %arg7[%add3A_101, %dma_start3A_108] : memref<180x56xi32, #tpu.memory_space<vmem>> -> memref<1x56xi32, #tpu.memory_space<vmem>>
      %dma_start3A_110 = tpu.memref_squeeze %dma_start3A_109 : memref<1x56xi32, #tpu.memory_space<vmem>> -> memref<56xi32, #tpu.memory_space<vmem>>
      %dma_start3A_111 = arith.constant 0 : i32
      %dma_start3A_112 = arith.constant 0 : i32
      %dma_start3A_113 = tpu.memref_slice %arg14[%dma_start3A_111, %dma_start3A_112] : memref<20032x128xbf16, #tpu.memory_space<vmem_shared>> -> memref<20032x128xbf16, #tpu.memory_space<vmem_shared>>
      tpu.enqueue_indirect_dma source(%arg9 : memref<56x128xbf16, #tpu.memory_space<vmem>>) target(%dma_start3A_113 : memref<20032x128xbf16, #tpu.memory_space<vmem_shared>>) offsets(%dma_start3A_110 : memref<56xi32, #tpu.memory_space<vmem>>) semaphore(%arg22 : memref<!tpu.dma_semaphore, #tpu.memory_space<semaphore_mem>>) {add = true}
      %gt3A_114 = arith.constant 0 : i32
      %gt3A_115 = arith.cmpi sgt, %scan3A_77, %gt3A_114 : i32
      %convert_element_type3A_116 = arith.extui %gt3A_115 : i1 to i32
      %cond3A_117 = arith.constant 0 : i32
      %cond3A_118 = arith.cmpi ne, %convert_element_type3A_116, %cond3A_117 : i32
      scf.if %cond3A_118 {
        %sub3A_233 = arith.constant 3 : i32
        %sub3A_234 = arith.subi %add3A_101, %sub3A_233 : i32
        %dma_wait3A_235 = arith.constant 0 : i32
        %dma_wait3A_236 = tpu.memref_slice %arg7[%sub3A_234, %dma_wait3A_235] : memref<180x56xi32, #tpu.memory_space<vmem>> -> memref<1x56xi32, #tpu.memory_space<vmem>>
        %dma_wait3A_237 = tpu.memref_squeeze %dma_wait3A_236 : memref<1x56xi32, #tpu.memory_space<vmem>> -> memref<56xi32, #tpu.memory_space<vmem>>
        %dma_wait3A_238 = arith.constant 0 : i32
        %dma_wait3A_239 = arith.constant 0 : i32
        %dma_wait3A_240 = tpu.memref_slice %arg14[%dma_wait3A_238, %dma_wait3A_239] : memref<20032x128xbf16, #tpu.memory_space<vmem_shared>> -> memref<20032x128xbf16, #tpu.memory_space<vmem_shared>>
        tpu.wait_indirect_dma semaphore(%arg25 : memref<!tpu.dma_semaphore, #tpu.memory_space<semaphore_mem>>) src(%arg12 : memref<56x128xbf16, #tpu.memory_space<vmem>>) dst(%dma_wait3A_240 : memref<20032x128xbf16, #tpu.memory_space<vmem_shared>>)
        %add3A_241 = arith.constant 3 : i32
        %add3A_242 = arith.addi %add3A_101, %add3A_241 : i32
        %lt3A_243 = arith.constant 180 : i32
        %lt3A_244 = arith.cmpi slt, %add3A_242, %lt3A_243 : i32
        %convert_element_type3A_245 = arith.extui %lt3A_244 : i1 to i32
        %cond3A_246 = arith.constant 0 : i32
        %cond3A_247 = arith.cmpi ne, %convert_element_type3A_245, %cond3A_246 : i32
        scf.if %cond3A_247 {
          %add3A_248 = arith.constant 3 : i32
          %add3A_249 = arith.addi %add3A_101, %add3A_248 : i32
          %dma_start3A_250 = arith.constant 0 : i32
          %dma_start3A_251 = tpu.memref_slice %arg6[%add3A_249, %dma_start3A_250] : memref<180x56xi32, #tpu.memory_space<vmem>> -> memref<1x56xi32, #tpu.memory_space<vmem>>
          %dma_start3A_252 = tpu.memref_squeeze %dma_start3A_251 : memref<1x56xi32, #tpu.memory_space<vmem>> -> memref<56xi32, #tpu.memory_space<vmem>>
          %dma_start3A_253 = arith.constant 0 : i32
          %dma_start3A_254 = arith.constant 0 : i32
          %dma_start3A_255 = tpu.memref_slice %arg2[%dma_start3A_253, %dma_start3A_254] : memref<10000x128xbf16, #tpu.memory_space<hbm>> -> memref<10000x128xbf16, #tpu.memory_space<hbm>>
          tpu.enqueue_indirect_dma source(%dma_start3A_255 : memref<10000x128xbf16, #tpu.memory_space<hbm>>) target(%arg12 : memref<56x128xbf16, #tpu.memory_space<vmem>>) offsets(%dma_start3A_252 : memref<56xi32, #tpu.memory_space<vmem>>) semaphore(%arg19 : memref<!tpu.dma_semaphore, #tpu.memory_space<semaphore_mem>>)
        } else {
        }
      } else {
      }
      %eq3A_119 = arith.constant 0 : i32
      %eq3A_120 = arith.cmpi eq, %scan3A_77, %eq3A_119 : i32
      %convert_element_type3A_121 = arith.extui %eq3A_120 : i1 to i32
      %cond3A_122 = arith.constant 0 : i32
      %cond3A_123 = arith.cmpi ne, %convert_element_type3A_121, %cond3A_122 : i32
      scf.if %cond3A_123 {
        %add3A_233 = arith.constant 3 : i32
        %add3A_234 = arith.addi %add3A_101, %add3A_233 : i32
        %dma_start3A_235 = arith.constant 0 : i32
        %dma_start3A_236 = tpu.memref_slice %arg6[%add3A_234, %dma_start3A_235] : memref<180x56xi32, #tpu.memory_space<vmem>> -> memref<1x56xi32, #tpu.memory_space<vmem>>
        %dma_start3A_237 = tpu.memref_squeeze %dma_start3A_236 : memref<1x56xi32, #tpu.memory_space<vmem>> -> memref<56xi32, #tpu.memory_space<vmem>>
        %dma_start3A_238 = arith.constant 0 : i32
        %dma_start3A_239 = arith.constant 0 : i32
        %dma_start3A_240 = tpu.memref_slice %arg2[%dma_start3A_238, %dma_start3A_239] : memref<10000x128xbf16, #tpu.memory_space<hbm>> -> memref<10000x128xbf16, #tpu.memory_space<hbm>>
        tpu.enqueue_indirect_dma source(%dma_start3A_240 : memref<10000x128xbf16, #tpu.memory_space<hbm>>) target(%arg12 : memref<56x128xbf16, #tpu.memory_space<vmem>>) offsets(%dma_start3A_237 : memref<56xi32, #tpu.memory_space<vmem>>) semaphore(%arg19 : memref<!tpu.dma_semaphore, #tpu.memory_space<semaphore_mem>>)
      } else {
      }
      %add3A_124 = arith.constant 2 : i32
      %add3A_125 = arith.addi %mul3A_79, %add3A_124 : i32
      %dma_wait3A_126 = arith.constant 0 : i32
      %dma_wait3A_127 = tpu.memref_slice %arg6[%add3A_125, %dma_wait3A_126] : memref<180x56xi32, #tpu.memory_space<vmem>> -> memref<1x56xi32, #tpu.memory_space<vmem>>
      %dma_wait3A_128 = tpu.memref_squeeze %dma_wait3A_127 : memref<1x56xi32, #tpu.memory_space<vmem>> -> memref<56xi32, #tpu.memory_space<vmem>>
      %dma_wait3A_129 = arith.constant 0 : i32
      %dma_wait3A_130 = arith.constant 0 : i32
      %dma_wait3A_131 = tpu.memref_slice %arg2[%dma_wait3A_129, %dma_wait3A_130] : memref<10000x128xbf16, #tpu.memory_space<hbm>> -> memref<10000x128xbf16, #tpu.memory_space<hbm>>
      tpu.wait_indirect_dma semaphore(%arg17 : memref<!tpu.dma_semaphore, #tpu.memory_space<semaphore_mem>>) src(%dma_wait3A_131 : memref<10000x128xbf16, #tpu.memory_space<hbm>>) dst(%arg10 : memref<56x128xbf16, #tpu.memory_space<vmem>>)
      %dma_start3A_132 = arith.constant 0 : i32
      %dma_start3A_133 = tpu.memref_slice %arg7[%add3A_125, %dma_start3A_132] : memref<180x56xi32, #tpu.memory_space<vmem>> -> memref<1x56xi32, #tpu.memory_space<vmem>>
      %dma_start3A_134 = tpu.memref_squeeze %dma_start3A_133 : memref<1x56xi32, #tpu.memory_space<vmem>> -> memref<56xi32, #tpu.memory_space<vmem>>
      %dma_start3A_135 = arith.constant 0 : i32
      %dma_start3A_136 = arith.constant 0 : i32
      %dma_start3A_137 = tpu.memref_slice %arg14[%dma_start3A_135, %dma_start3A_136] : memref<20032x128xbf16, #tpu.memory_space<vmem_shared>> -> memref<20032x128xbf16, #tpu.memory_space<vmem_shared>>
      tpu.enqueue_indirect_dma source(%arg10 : memref<56x128xbf16, #tpu.memory_space<vmem>>) target(%dma_start3A_137 : memref<20032x128xbf16, #tpu.memory_space<vmem_shared>>) offsets(%dma_start3A_134 : memref<56xi32, #tpu.memory_space<vmem>>) semaphore(%arg23 : memref<!tpu.dma_semaphore, #tpu.memory_space<semaphore_mem>>) {add = true}
      %gt3A_138 = arith.constant 0 : i32
      %gt3A_139 = arith.cmpi sgt, %scan3A_77, %gt3A_138 : i32
      %convert_element_type3A_140 = arith.extui %gt3A_139 : i1 to i32
      %cond3A_141 = arith.constant 0 : i32
      %cond3A_142 = arith.cmpi ne, %convert_element_type3A_140, %cond3A_141 : i32
      scf.if %cond3A_142 {
        %sub3A_233 = arith.constant 3 : i32
        %sub3A_234 = arith.subi %add3A_125, %sub3A_233 : i32
        %dma_wait3A_235 = arith.constant 0 : i32
        %dma_wait3A_236 = tpu.memref_slice %arg7[%sub3A_234, %dma_wait3A_235] : memref<180x56xi32, #tpu.memory_space<vmem>> -> memref<1x56xi32, #tpu.memory_space<vmem>>
        %dma_wait3A_237 = tpu.memref_squeeze %dma_wait3A_236 : memref<1x56xi32, #tpu.memory_space<vmem>> -> memref<56xi32, #tpu.memory_space<vmem>>
        %dma_wait3A_238 = arith.constant 0 : i32
        %dma_wait3A_239 = arith.constant 0 : i32
        %dma_wait3A_240 = tpu.memref_slice %arg14[%dma_wait3A_238, %dma_wait3A_239] : memref<20032x128xbf16, #tpu.memory_space<vmem_shared>> -> memref<20032x128xbf16, #tpu.memory_space<vmem_shared>>
        tpu.wait_indirect_dma semaphore(%arg26 : memref<!tpu.dma_semaphore, #tpu.memory_space<semaphore_mem>>) src(%arg13 : memref<56x128xbf16, #tpu.memory_space<vmem>>) dst(%dma_wait3A_240 : memref<20032x128xbf16, #tpu.memory_space<vmem_shared>>)
        %add3A_241 = arith.constant 3 : i32
        %add3A_242 = arith.addi %add3A_125, %add3A_241 : i32
        %lt3A_243 = arith.constant 180 : i32
        %lt3A_244 = arith.cmpi slt, %add3A_242, %lt3A_243 : i32
        %convert_element_type3A_245 = arith.extui %lt3A_244 : i1 to i32
        %cond3A_246 = arith.constant 0 : i32
        %cond3A_247 = arith.cmpi ne, %convert_element_type3A_245, %cond3A_246 : i32
        scf.if %cond3A_247 {
          %add3A_248 = arith.constant 3 : i32
          %add3A_249 = arith.addi %add3A_125, %add3A_248 : i32
          %dma_start3A_250 = arith.constant 0 : i32
          %dma_start3A_251 = tpu.memref_slice %arg6[%add3A_249, %dma_start3A_250] : memref<180x56xi32, #tpu.memory_space<vmem>> -> memref<1x56xi32, #tpu.memory_space<vmem>>
          %dma_start3A_252 = tpu.memref_squeeze %dma_start3A_251 : memref<1x56xi32, #tpu.memory_space<vmem>> -> memref<56xi32, #tpu.memory_space<vmem>>
          %dma_start3A_253 = arith.constant 0 : i32
          %dma_start3A_254 = arith.constant 0 : i32
          %dma_start3A_255 = tpu.memref_slice %arg2[%dma_start3A_253, %dma_start3A_254] : memref<10000x128xbf16, #tpu.memory_space<hbm>> -> memref<10000x128xbf16, #tpu.memory_space<hbm>>
          tpu.enqueue_indirect_dma source(%dma_start3A_255 : memref<10000x128xbf16, #tpu.memory_space<hbm>>) target(%arg13 : memref<56x128xbf16, #tpu.memory_space<vmem>>) offsets(%dma_start3A_252 : memref<56xi32, #tpu.memory_space<vmem>>) semaphore(%arg20 : memref<!tpu.dma_semaphore, #tpu.memory_space<semaphore_mem>>)
        } else {
        }
      } else {
      }
      %eq3A_143 = arith.constant 0 : i32
      %eq3A_144 = arith.cmpi eq, %scan3A_77, %eq3A_143 : i32
      %convert_element_type3A_145 = arith.extui %eq3A_144 : i1 to i32
      %cond3A_146 = arith.constant 0 : i32
      %cond3A_147 = arith.cmpi ne, %convert_element_type3A_145, %cond3A_146 : i32
      scf.if %cond3A_147 {
        %add3A_233 = arith.constant 3 : i32
        %add3A_234 = arith.addi %add3A_125, %add3A_233 : i32
        %dma_start3A_235 = arith.constant 0 : i32
        %dma_start3A_236 = tpu.memref_slice %arg6[%add3A_234, %dma_start3A_235] : memref<180x56xi32, #tpu.memory_space<vmem>> -> memref<1x56xi32, #tpu.memory_space<vmem>>
        %dma_start3A_237 = tpu.memref_squeeze %dma_start3A_236 : memref<1x56xi32, #tpu.memory_space<vmem>> -> memref<56xi32, #tpu.memory_space<vmem>>
        %dma_start3A_238 = arith.constant 0 : i32
        %dma_start3A_239 = arith.constant 0 : i32
        %dma_start3A_240 = tpu.memref_slice %arg2[%dma_start3A_238, %dma_start3A_239] : memref<10000x128xbf16, #tpu.memory_space<hbm>> -> memref<10000x128xbf16, #tpu.memory_space<hbm>>
        tpu.enqueue_indirect_dma source(%dma_start3A_240 : memref<10000x128xbf16, #tpu.memory_space<hbm>>) target(%arg13 : memref<56x128xbf16, #tpu.memory_space<vmem>>) offsets(%dma_start3A_237 : memref<56xi32, #tpu.memory_space<vmem>>) semaphore(%arg20 : memref<!tpu.dma_semaphore, #tpu.memory_space<semaphore_mem>>)
      } else {
      }
      %add3A_148 = arith.constant 3 : i32
      %add3A_149 = arith.addi %mul3A_79, %add3A_148 : i32
      %dma_wait3A_150 = arith.constant 0 : i32
      %dma_wait3A_151 = tpu.memref_slice %arg6[%add3A_149, %dma_wait3A_150] : memref<180x56xi32, #tpu.memory_space<vmem>> -> memref<1x56xi32, #tpu.memory_space<vmem>>
      %dma_wait3A_152 = tpu.memref_squeeze %dma_wait3A_151 : memref<1x56xi32, #tpu.memory_space<vmem>> -> memref<56xi32, #tpu.memory_space<vmem>>
      %dma_wait3A_153 = arith.constant 0 : i32
      %dma_wait3A_154 = arith.constant 0 : i32
      %dma_wait3A_155 = tpu.memref_slice %arg2[%dma_wait3A_153, %dma_wait3A_154] : memref<10000x128xbf16, #tpu.memory_space<hbm>> -> memref<10000x128xbf16, #tpu.memory_space<hbm>>
      tpu.wait_indirect_dma semaphore(%arg18 : memref<!tpu.dma_semaphore, #tpu.memory_space<semaphore_mem>>) src(%dma_wait3A_155 : memref<10000x128xbf16, #tpu.memory_space<hbm>>) dst(%arg11 : memref<56x128xbf16, #tpu.memory_space<vmem>>)
      %dma_start3A_156 = arith.constant 0 : i32
      %dma_start3A_157 = tpu.memref_slice %arg7[%add3A_149, %dma_start3A_156] : memref<180x56xi32, #tpu.memory_space<vmem>> -> memref<1x56xi32, #tpu.memory_space<vmem>>
      %dma_start3A_158 = tpu.memref_squeeze %dma_start3A_157 : memref<1x56xi32, #tpu.memory_space<vmem>> -> memref<56xi32, #tpu.memory_space<vmem>>
      %dma_start3A_159 = arith.constant 0 : i32
      %dma_start3A_160 = arith.constant 0 : i32
      %dma_start3A_161 = tpu.memref_slice %arg14[%dma_start3A_159, %dma_start3A_160] : memref<20032x128xbf16, #tpu.memory_space<vmem_shared>> -> memref<20032x128xbf16, #tpu.memory_space<vmem_shared>>
      tpu.enqueue_indirect_dma source(%arg11 : memref<56x128xbf16, #tpu.memory_space<vmem>>) target(%dma_start3A_161 : memref<20032x128xbf16, #tpu.memory_space<vmem_shared>>) offsets(%dma_start3A_158 : memref<56xi32, #tpu.memory_space<vmem>>) semaphore(%arg24 : memref<!tpu.dma_semaphore, #tpu.memory_space<semaphore_mem>>) {add = true}
      %sub3A = arith.constant 3 : i32
      %sub3A_162 = arith.subi %add3A_149, %sub3A : i32
      %dma_wait3A_163 = arith.constant 0 : i32
      %dma_wait3A_164 = tpu.memref_slice %arg7[%sub3A_162, %dma_wait3A_163] : memref<180x56xi32, #tpu.memory_space<vmem>> -> memref<1x56xi32, #tpu.memory_space<vmem>>
      %dma_wait3A_165 = tpu.memref_squeeze %dma_wait3A_164 : memref<1x56xi32, #tpu.memory_space<vmem>> -> memref<56xi32, #tpu.memory_space<vmem>>
      %dma_wait3A_166 = arith.constant 0 : i32
      %dma_wait3A_167 = arith.constant 0 : i32
      %dma_wait3A_168 = tpu.memref_slice %arg14[%dma_wait3A_166, %dma_wait3A_167] : memref<20032x128xbf16, #tpu.memory_space<vmem_shared>> -> memref<20032x128xbf16, #tpu.memory_space<vmem_shared>>
      tpu.wait_indirect_dma semaphore(%arg21 : memref<!tpu.dma_semaphore, #tpu.memory_space<semaphore_mem>>) src(%arg8 : memref<56x128xbf16, #tpu.memory_space<vmem>>) dst(%dma_wait3A_168 : memref<20032x128xbf16, #tpu.memory_space<vmem_shared>>)
      %add3A_169 = arith.constant 3 : i32
      %add3A_170 = arith.addi %add3A_149, %add3A_169 : i32
      %lt3A = arith.constant 180 : i32
      %lt3A_171 = arith.cmpi slt, %add3A_170, %lt3A : i32
      %convert_element_type3A_172 = arith.extui %lt3A_171 : i1 to i32
      %cond3A_173 = arith.constant 0 : i32
      %cond3A_174 = arith.cmpi ne, %convert_element_type3A_172, %cond3A_173 : i32
      scf.if %cond3A_174 {
        %add3A_233 = arith.constant 3 : i32
        %add3A_234 = arith.addi %add3A_149, %add3A_233 : i32
        %dma_start3A_235 = arith.constant 0 : i32
        %dma_start3A_236 = tpu.memref_slice %arg6[%add3A_234, %dma_start3A_235] : memref<180x56xi32, #tpu.memory_space<vmem>> -> memref<1x56xi32, #tpu.memory_space<vmem>>
        %dma_start3A_237 = tpu.memref_squeeze %dma_start3A_236 : memref<1x56xi32, #tpu.memory_space<vmem>> -> memref<56xi32, #tpu.memory_space<vmem>>
        %dma_start3A_238 = arith.constant 0 : i32
        %dma_start3A_239 = arith.constant 0 : i32
        %dma_start3A_240 = tpu.memref_slice %arg2[%dma_start3A_238, %dma_start3A_239] : memref<10000x128xbf16, #tpu.memory_space<hbm>> -> memref<10000x128xbf16, #tpu.memory_space<hbm>>
        tpu.enqueue_indirect_dma source(%dma_start3A_240 : memref<10000x128xbf16, #tpu.memory_space<hbm>>) target(%arg8 : memref<56x128xbf16, #tpu.memory_space<vmem>>) offsets(%dma_start3A_237 : memref<56xi32, #tpu.memory_space<vmem>>) semaphore(%arg15 : memref<!tpu.dma_semaphore, #tpu.memory_space<semaphore_mem>>)
      } else {
      }
      %add3A_175 = arith.constant 4 : i32
      %add3A_176 = arith.addi %mul3A_79, %add3A_175 : i32
      %dma_wait3A_177 = arith.constant 0 : i32
      %dma_wait3A_178 = tpu.memref_slice %arg6[%add3A_176, %dma_wait3A_177] : memref<180x56xi32, #tpu.memory_space<vmem>> -> memref<1x56xi32, #tpu.memory_space<vmem>>
      %dma_wait3A_179 = tpu.memref_squeeze %dma_wait3A_178 : memref<1x56xi32, #tpu.memory_space<vmem>> -> memref<56xi32, #tpu.memory_space<vmem>>
      %dma_wait3A_180 = arith.constant 0 : i32
      %dma_wait3A_181 = arith.constant 0 : i32
      %dma_wait3A_182 = tpu.memref_slice %arg2[%dma_wait3A_180, %dma_wait3A_181] : memref<10000x128xbf16, #tpu.memory_space<hbm>> -> memref<10000x128xbf16, #tpu.memory_space<hbm>>
      tpu.wait_indirect_dma semaphore(%arg19 : memref<!tpu.dma_semaphore, #tpu.memory_space<semaphore_mem>>) src(%dma_wait3A_182 : memref<10000x128xbf16, #tpu.memory_space<hbm>>) dst(%arg12 : memref<56x128xbf16, #tpu.memory_space<vmem>>)
      %dma_start3A_183 = arith.constant 0 : i32
      %dma_start3A_184 = tpu.memref_slice %arg7[%add3A_176, %dma_start3A_183] : memref<180x56xi32, #tpu.memory_space<vmem>> -> memref<1x56xi32, #tpu.memory_space<vmem>>
      %dma_start3A_185 = tpu.memref_squeeze %dma_start3A_184 : memref<1x56xi32, #tpu.memory_space<vmem>> -> memref<56xi32, #tpu.memory_space<vmem>>
      %dma_start3A_186 = arith.constant 0 : i32
      %dma_start3A_187 = arith.constant 0 : i32
      %dma_start3A_188 = tpu.memref_slice %arg14[%dma_start3A_186, %dma_start3A_187] : memref<20032x128xbf16, #tpu.memory_space<vmem_shared>> -> memref<20032x128xbf16, #tpu.memory_space<vmem_shared>>
      tpu.enqueue_indirect_dma source(%arg12 : memref<56x128xbf16, #tpu.memory_space<vmem>>) target(%dma_start3A_188 : memref<20032x128xbf16, #tpu.memory_space<vmem_shared>>) offsets(%dma_start3A_185 : memref<56xi32, #tpu.memory_space<vmem>>) semaphore(%arg25 : memref<!tpu.dma_semaphore, #tpu.memory_space<semaphore_mem>>) {add = true}
      %sub3A_189 = arith.constant 3 : i32
      %sub3A_190 = arith.subi %add3A_176, %sub3A_189 : i32
      %dma_wait3A_191 = arith.constant 0 : i32
      %dma_wait3A_192 = tpu.memref_slice %arg7[%sub3A_190, %dma_wait3A_191] : memref<180x56xi32, #tpu.memory_space<vmem>> -> memref<1x56xi32, #tpu.memory_space<vmem>>
      %dma_wait3A_193 = tpu.memref_squeeze %dma_wait3A_192 : memref<1x56xi32, #tpu.memory_space<vmem>> -> memref<56xi32, #tpu.memory_space<vmem>>
      %dma_wait3A_194 = arith.constant 0 : i32
      %dma_wait3A_195 = arith.constant 0 : i32
      %dma_wait3A_196 = tpu.memref_slice %arg14[%dma_wait3A_194, %dma_wait3A_195] : memref<20032x128xbf16, #tpu.memory_space<vmem_shared>> -> memref<20032x128xbf16, #tpu.memory_space<vmem_shared>>
      tpu.wait_indirect_dma semaphore(%arg22 : memref<!tpu.dma_semaphore, #tpu.memory_space<semaphore_mem>>) src(%arg9 : memref<56x128xbf16, #tpu.memory_space<vmem>>) dst(%dma_wait3A_196 : memref<20032x128xbf16, #tpu.memory_space<vmem_shared>>)
      %add3A_197 = arith.constant 3 : i32
      %add3A_198 = arith.addi %add3A_176, %add3A_197 : i32
      %lt3A_199 = arith.constant 180 : i32
      %lt3A_200 = arith.cmpi slt, %add3A_198, %lt3A_199 : i32
      %convert_element_type3A_201 = arith.extui %lt3A_200 : i1 to i32
      %cond3A_202 = arith.constant 0 : i32
      %cond3A_203 = arith.cmpi ne, %convert_element_type3A_201, %cond3A_202 : i32
      scf.if %cond3A_203 {
        %add3A_233 = arith.constant 3 : i32
        %add3A_234 = arith.addi %add3A_176, %add3A_233 : i32
        %dma_start3A_235 = arith.constant 0 : i32
        %dma_start3A_236 = tpu.memref_slice %arg6[%add3A_234, %dma_start3A_235] : memref<180x56xi32, #tpu.memory_space<vmem>> -> memref<1x56xi32, #tpu.memory_space<vmem>>
        %dma_start3A_237 = tpu.memref_squeeze %dma_start3A_236 : memref<1x56xi32, #tpu.memory_space<vmem>> -> memref<56xi32, #tpu.memory_space<vmem>>
        %dma_start3A_238 = arith.constant 0 : i32
        %dma_start3A_239 = arith.constant 0 : i32
        %dma_start3A_240 = tpu.memref_slice %arg2[%dma_start3A_238, %dma_start3A_239] : memref<10000x128xbf16, #tpu.memory_space<hbm>> -> memref<10000x128xbf16, #tpu.memory_space<hbm>>
        tpu.enqueue_indirect_dma source(%dma_start3A_240 : memref<10000x128xbf16, #tpu.memory_space<hbm>>) target(%arg9 : memref<56x128xbf16, #tpu.memory_space<vmem>>) offsets(%dma_start3A_237 : memref<56xi32, #tpu.memory_space<vmem>>) semaphore(%arg16 : memref<!tpu.dma_semaphore, #tpu.memory_space<semaphore_mem>>)
      } else {
      }
      %add3A_204 = arith.constant 5 : i32
      %add3A_205 = arith.addi %mul3A_79, %add3A_204 : i32
      %dma_wait3A_206 = arith.constant 0 : i32
      %dma_wait3A_207 = tpu.memref_slice %arg6[%add3A_205, %dma_wait3A_206] : memref<180x56xi32, #tpu.memory_space<vmem>> -> memref<1x56xi32, #tpu.memory_space<vmem>>
      %dma_wait3A_208 = tpu.memref_squeeze %dma_wait3A_207 : memref<1x56xi32, #tpu.memory_space<vmem>> -> memref<56xi32, #tpu.memory_space<vmem>>
      %dma_wait3A_209 = arith.constant 0 : i32
      %dma_wait3A_210 = arith.constant 0 : i32
      %dma_wait3A_211 = tpu.memref_slice %arg2[%dma_wait3A_209, %dma_wait3A_210] : memref<10000x128xbf16, #tpu.memory_space<hbm>> -> memref<10000x128xbf16, #tpu.memory_space<hbm>>
      tpu.wait_indirect_dma semaphore(%arg20 : memref<!tpu.dma_semaphore, #tpu.memory_space<semaphore_mem>>) src(%dma_wait3A_211 : memref<10000x128xbf16, #tpu.memory_space<hbm>>) dst(%arg13 : memref<56x128xbf16, #tpu.memory_space<vmem>>)
      %dma_start3A_212 = arith.constant 0 : i32
      %dma_start3A_213 = tpu.memref_slice %arg7[%add3A_205, %dma_start3A_212] : memref<180x56xi32, #tpu.memory_space<vmem>> -> memref<1x56xi32, #tpu.memory_space<vmem>>
      %dma_start3A_214 = tpu.memref_squeeze %dma_start3A_213 : memref<1x56xi32, #tpu.memory_space<vmem>> -> memref<56xi32, #tpu.memory_space<vmem>>
      %dma_start3A_215 = arith.constant 0 : i32
      %dma_start3A_216 = arith.constant 0 : i32
      %dma_start3A_217 = tpu.memref_slice %arg14[%dma_start3A_215, %dma_start3A_216] : memref<20032x128xbf16, #tpu.memory_space<vmem_shared>> -> memref<20032x128xbf16, #tpu.memory_space<vmem_shared>>
      tpu.enqueue_indirect_dma source(%arg13 : memref<56x128xbf16, #tpu.memory_space<vmem>>) target(%dma_start3A_217 : memref<20032x128xbf16, #tpu.memory_space<vmem_shared>>) offsets(%dma_start3A_214 : memref<56xi32, #tpu.memory_space<vmem>>) semaphore(%arg26 : memref<!tpu.dma_semaphore, #tpu.memory_space<semaphore_mem>>) {add = true}
      %sub3A_218 = arith.constant 3 : i32
      %sub3A_219 = arith.subi %add3A_205, %sub3A_218 : i32
      %dma_wait3A_220 = arith.constant 0 : i32
      %dma_wait3A_221 = tpu.memref_slice %arg7[%sub3A_219, %dma_wait3A_220] : memref<180x56xi32, #tpu.memory_space<vmem>> -> memref<1x56xi32, #tpu.memory_space<vmem>>
      %dma_wait3A_222 = tpu.memref_squeeze %dma_wait3A_221 : memref<1x56xi32, #tpu.memory_space<vmem>> -> memref<56xi32, #tpu.memory_space<vmem>>
      %dma_wait3A_223 = arith.constant 0 : i32
      %dma_wait3A_224 = arith.constant 0 : i32
      %dma_wait3A_225 = tpu.memref_slice %arg14[%dma_wait3A_223, %dma_wait3A_224] : memref<20032x128xbf16, #tpu.memory_space<vmem_shared>> -> memref<20032x128xbf16, #tpu.memory_space<vmem_shared>>
      tpu.wait_indirect_dma semaphore(%arg23 : memref<!tpu.dma_semaphore, #tpu.memory_space<semaphore_mem>>) src(%arg10 : memref<56x128xbf16, #tpu.memory_space<vmem>>) dst(%dma_wait3A_225 : memref<20032x128xbf16, #tpu.memory_space<vmem_shared>>)
      %add3A_226 = arith.constant 3 : i32
      %add3A_227 = arith.addi %add3A_205, %add3A_226 : i32
      %lt3A_228 = arith.constant 180 : i32
      %lt3A_229 = arith.cmpi slt, %add3A_227, %lt3A_228 : i32
      %convert_element_type3A_230 = arith.extui %lt3A_229 : i1 to i32
      %cond3A_231 = arith.constant 0 : i32
      %cond3A_232 = arith.cmpi ne, %convert_element_type3A_230, %cond3A_231 : i32
      scf.if %cond3A_232 {
        %add3A_233 = arith.constant 3 : i32
        %add3A_234 = arith.addi %add3A_205, %add3A_233 : i32
        %dma_start3A_235 = arith.constant 0 : i32
        %dma_start3A_236 = tpu.memref_slice %arg6[%add3A_234, %dma_start3A_235] : memref<180x56xi32, #tpu.memory_space<vmem>> -> memref<1x56xi32, #tpu.memory_space<vmem>>
        %dma_start3A_237 = tpu.memref_squeeze %dma_start3A_236 : memref<1x56xi32, #tpu.memory_space<vmem>> -> memref<56xi32, #tpu.memory_space<vmem>>
        %dma_start3A_238 = arith.constant 0 : i32
        %dma_start3A_239 = arith.constant 0 : i32
        %dma_start3A_240 = tpu.memref_slice %arg2[%dma_start3A_238, %dma_start3A_239] : memref<10000x128xbf16, #tpu.memory_space<hbm>> -> memref<10000x128xbf16, #tpu.memory_space<hbm>>
        tpu.enqueue_indirect_dma source(%dma_start3A_240 : memref<10000x128xbf16, #tpu.memory_space<hbm>>) target(%arg10 : memref<56x128xbf16, #tpu.memory_space<vmem>>) offsets(%dma_start3A_237 : memref<56xi32, #tpu.memory_space<vmem>>) semaphore(%arg17 : memref<!tpu.dma_semaphore, #tpu.memory_space<semaphore_mem>>)
      } else {
      }
    }
    %scan3A_42 = arith.constant 30 : i32
    %dma_wait3A = arith.constant 177 : i32
    %dma_wait3A_43 = arith.constant 0 : i32
    %dma_wait3A_44 = tpu.memref_slice %arg7[%dma_wait3A, %dma_wait3A_43] : memref<180x56xi32, #tpu.memory_space<vmem>> -> memref<1x56xi32, #tpu.memory_space<vmem>>
    %dma_wait3A_45 = tpu.memref_squeeze %dma_wait3A_44 : memref<1x56xi32, #tpu.memory_space<vmem>> -> memref<56xi32, #tpu.memory_space<vmem>>
    %dma_wait3A_46 = arith.constant 0 : i32
    %dma_wait3A_47 = arith.constant 0 : i32
    %dma_wait3A_48 = tpu.memref_slice %arg14[%dma_wait3A_46, %dma_wait3A_47] : memref<20032x128xbf16, #tpu.memory_space<vmem_shared>> -> memref<20032x128xbf16, #tpu.memory_space<vmem_shared>>
    tpu.wait_indirect_dma semaphore(%arg24 : memref<!tpu.dma_semaphore, #tpu.memory_space<semaphore_mem>>) src(%arg11 : memref<56x128xbf16, #tpu.memory_space<vmem>>) dst(%dma_wait3A_48 : memref<20032x128xbf16, #tpu.memory_space<vmem_shared>>)
    %dma_wait3A_49 = arith.constant 178 : i32
    %dma_wait3A_50 = arith.constant 0 : i32
    %dma_wait3A_51 = tpu.memref_slice %arg7[%dma_wait3A_49, %dma_wait3A_50] : memref<180x56xi32, #tpu.memory_space<vmem>> -> memref<1x56xi32, #tpu.memory_space<vmem>>
    %dma_wait3A_52 = tpu.memref_squeeze %dma_wait3A_51 : memref<1x56xi32, #tpu.memory_space<vmem>> -> memref<56xi32, #tpu.memory_space<vmem>>
    %dma_wait3A_53 = arith.constant 0 : i32
    %dma_wait3A_54 = arith.constant 0 : i32
    %dma_wait3A_55 = tpu.memref_slice %arg14[%dma_wait3A_53, %dma_wait3A_54] : memref<20032x128xbf16, #tpu.memory_space<vmem_shared>> -> memref<20032x128xbf16, #tpu.memory_space<vmem_shared>>
    tpu.wait_indirect_dma semaphore(%arg25 : memref<!tpu.dma_semaphore, #tpu.memory_space<semaphore_mem>>) src(%arg12 : memref<56x128xbf16, #tpu.memory_space<vmem>>) dst(%dma_wait3A_55 : memref<20032x128xbf16, #tpu.memory_space<vmem_shared>>)
    %dma_wait3A_56 = arith.constant 179 : i32
    %dma_wait3A_57 = arith.constant 0 : i32
    %dma_wait3A_58 = tpu.memref_slice %arg7[%dma_wait3A_56, %dma_wait3A_57] : memref<180x56xi32, #tpu.memory_space<vmem>> -> memref<1x56xi32, #tpu.memory_space<vmem>>
    %dma_wait3A_59 = tpu.memref_squeeze %dma_wait3A_58 : memref<1x56xi32, #tpu.memory_space<vmem>> -> memref<56xi32, #tpu.memory_space<vmem>>
    %dma_wait3A_60 = arith.constant 0 : i32
    %dma_wait3A_61 = arith.constant 0 : i32
    %dma_wait3A_62 = tpu.memref_slice %arg14[%dma_wait3A_60, %dma_wait3A_61] : memref<20032x128xbf16, #tpu.memory_space<vmem_shared>> -> memref<20032x128xbf16, #tpu.memory_space<vmem_shared>>
    tpu.wait_indirect_dma semaphore(%arg26 : memref<!tpu.dma_semaphore, #tpu.memory_space<semaphore_mem>>) src(%arg13 : memref<56x128xbf16, #tpu.memory_space<vmem>>) dst(%dma_wait3A_62 : memref<20032x128xbf16, #tpu.memory_space<vmem_shared>>)
    %barrier3A_63 = arith.constant 0 : index
    tpu.barrier barrier_id(%barrier3A_63)
    %mul3A_64 = arith.constant 625 : i32
    %mul3A_65 = arith.muli %arg1, %mul3A_64 : i32
    %add3A_66 = arith.constant 0 : i32
    %add3A_67 = arith.addi %add3A_66, %mul3A_65 : i32
    %mul3A_68 = arith.constant 625 : i32
    %mul3A_69 = arith.muli %arg1, %mul3A_68 : i32
    %run_scoped3A = arith.constant 0 : i32
    "tpu.region"() ({
      %run_scoped3A_77 = tpu.sem_alloc : memref<!tpu.dma_semaphore, #tpu.memory_space<semaphore_mem>>
      %dma_start3A_78 = arith.constant 0 : i32
      %dma_start3A_79 = tpu.memref_slice %arg5[%arg0, %run_scoped3A, %mul3A_69, %dma_start3A_78] : memref<2x2x10000x128xbf16, #tpu.memory_space<hbm>> -> memref<1x1x625x128xbf16, #tpu.memory_space<hbm>>
      %dma_start3A_80 = tpu.memref_squeeze %dma_start3A_79 : memref<1x1x625x128xbf16, #tpu.memory_space<hbm>> -> memref<625x128xbf16, #tpu.memory_space<hbm>>
      %dma_start3A_81 = arith.constant 0 : i32
      %dma_start3A_82 = tpu.memref_slice %arg14[%add3A_67, %dma_start3A_81] : memref<20032x128xbf16, #tpu.memory_space<vmem_shared>> -> memref<625x128xbf16, #tpu.memory_space<vmem_shared>>
      tpu.enqueue_dma source(%dma_start3A_82 : memref<625x128xbf16, #tpu.memory_space<vmem_shared>>) target(%dma_start3A_80 : memref<625x128xbf16, #tpu.memory_space<hbm>>) target_semaphore(%run_scoped3A_77 : memref<!tpu.dma_semaphore, #tpu.memory_space<semaphore_mem>>)
      %dma_wait3A_83 = arith.constant 0 : i32
      %dma_wait3A_84 = tpu.memref_slice %arg5[%arg0, %run_scoped3A, %mul3A_69, %dma_wait3A_83] : memref<2x2x10000x128xbf16, #tpu.memory_space<hbm>> -> memref<1x1x625x128xbf16, #tpu.memory_space<hbm>>
      %dma_wait3A_85 = tpu.memref_squeeze %dma_wait3A_84 : memref<1x1x625x128xbf16, #tpu.memory_space<hbm>> -> memref<625x128xbf16, #tpu.memory_space<hbm>>
      %dma_wait3A_86 = arith.constant 0 : i32
      %dma_wait3A_87 = tpu.memref_slice %arg14[%add3A_67, %dma_wait3A_86] : memref<20032x128xbf16, #tpu.memory_space<vmem_shared>> -> memref<625x128xbf16, #tpu.memory_space<vmem_shared>>
      tpu.wait_dma2 semaphore(%run_scoped3A_77 : memref<!tpu.dma_semaphore, #tpu.memory_space<semaphore_mem>>) src(%dma_wait3A_87 : memref<625x128xbf16, #tpu.memory_space<vmem_shared>>) dst(%dma_wait3A_85 : memref<625x128xbf16, #tpu.memory_space<hbm>>)
      tpu.yield
    }) : () -> ()
    %mul3A_70 = arith.constant 625 : i32
    %mul3A_71 = arith.muli %arg1, %mul3A_70 : i32
    %add3A_72 = arith.constant 10016 : i32
    %add3A_73 = arith.addi %add3A_72, %mul3A_71 : i32
    %mul3A_74 = arith.constant 625 : i32
    %mul3A_75 = arith.muli %arg1, %mul3A_74 : i32
    %run_scoped3A_76 = arith.constant 1 : i32
    "tpu.region"() ({
      %run_scoped3A_77 = tpu.sem_alloc : memref<!tpu.dma_semaphore, #tpu.memory_space<semaphore_mem>>
      %dma_start3A_78 = arith.constant 0 : i32
      %dma_start3A_79 = tpu.memref_slice %arg5[%arg0, %run_scoped3A_76, %mul3A_75, %dma_start3A_78] : memref<2x2x10000x128xbf16, #tpu.memory_space<hbm>> -> memref<1x1x625x128xbf16, #tpu.memory_space<hbm>>
      %dma_start3A_80 = tpu.memref_squeeze %dma_start3A_79 : memref<1x1x625x128xbf16, #tpu.memory_space<hbm>> -> memref<625x128xbf16, #tpu.memory_space<hbm>>
      %dma_start3A_81 = arith.constant 0 : i32
      %dma_start3A_82 = tpu.memref_slice %arg14[%add3A_73, %dma_start3A_81] : memref<20032x128xbf16, #tpu.memory_space<vmem_shared>> -> memref<625x128xbf16, #tpu.memory_space<vmem_shared>>
      tpu.enqueue_dma source(%dma_start3A_82 : memref<625x128xbf16, #tpu.memory_space<vmem_shared>>) target(%dma_start3A_80 : memref<625x128xbf16, #tpu.memory_space<hbm>>) target_semaphore(%run_scoped3A_77 : memref<!tpu.dma_semaphore, #tpu.memory_space<semaphore_mem>>)
      %dma_wait3A_83 = arith.constant 0 : i32
      %dma_wait3A_84 = tpu.memref_slice %arg5[%arg0, %run_scoped3A_76, %mul3A_75, %dma_wait3A_83] : memref<2x2x10000x128xbf16, #tpu.memory_space<hbm>> -> memref<1x1x625x128xbf16, #tpu.memory_space<hbm>>
      %dma_wait3A_85 = tpu.memref_squeeze %dma_wait3A_84 : memref<1x1x625x128xbf16, #tpu.memory_space<hbm>> -> memref<625x128xbf16, #tpu.memory_space<hbm>>
      %dma_wait3A_86 = arith.constant 0 : i32
      %dma_wait3A_87 = tpu.memref_slice %arg14[%add3A_73, %dma_wait3A_86] : memref<20032x128xbf16, #tpu.memory_space<vmem_shared>> -> memref<625x128xbf16, #tpu.memory_space<vmem_shared>>
      tpu.wait_dma2 semaphore(%run_scoped3A_77 : memref<!tpu.dma_semaphore, #tpu.memory_space<semaphore_mem>>) src(%dma_wait3A_87 : memref<625x128xbf16, #tpu.memory_space<vmem_shared>>) dst(%dma_wait3A_85 : memref<625x128xbf16, #tpu.memory_space<hbm>>)
      tpu.yield
    }) : () -> ()
    return
  }
}

#map = affine_map<(d0, d1) -> (0)>
#map1 = affine_map<(d0, d1) -> (0, 0)>
module attributes {stable_mosaic.version = 14 : i64} {
  func.func @_sc_degrees_body(%arg0: i32, %arg1: i32, %arg2: memref<320000xi32, #tpu.memory_space<hbm>>, %arg3: memref<320000xi32, #tpu.memory_space<hbm>>, %arg4: memref<32x10016xf32, #tpu.memory_space<hbm>>, %arg5: memref<32x10016xf32, #tpu.memory_space<hbm>>, %arg6: memref<10000xi32, #tpu.memory_space<vmem>>, %arg7: memref<10000xi32, #tpu.memory_space<vmem>>, %arg8: memref<10016xf32, #tpu.memory_space<vmem>>, %arg9: memref<10016xf32, #tpu.memory_space<vmem>>) attributes {dimension_semantics = [#tpu.dimension_semantics<core_parallel>, #tpu.dimension_semantics<subcore_parallel>], iteration_bounds = array<i64: 2, 16>, scalar_prefetch = 0 : i64, scratch_operands = 4 : i64, tpu.core_type = #tpu.core_type<sc_vector_subcore>, window_params = [{transform_indices = #map}, {transform_indices = #map}, {transform_indices = #map1}, {transform_indices = #map1}]} {
    %mul3A = arith.constant 16 : i32
    %mul3A_0 = arith.muli %arg0, %mul3A : i32
    %add3A = arith.addi %mul3A_0, %arg1 : i32
    %mul3A_1 = arith.constant 10000 : i32
    %mul3A_2 = arith.muli %add3A, %mul3A_1 : i32
    "tpu.region"() ({
      %run_scoped3A = tpu.sem_alloc : memref<!tpu.dma_semaphore, #tpu.memory_space<semaphore_mem>>
      %dma_start3A = tpu.memref_slice %arg2[%mul3A_2] : memref<320000xi32, #tpu.memory_space<hbm>> -> memref<10000xi32, #tpu.memory_space<hbm>>
      %dma_start3A_19 = tpu.memref_slice %arg2[%mul3A_2] : memref<320000xi32, #tpu.memory_space<hbm>> -> memref<10000xi32, #tpu.memory_space<hbm>>
      tpu.enqueue_dma source(%dma_start3A_19 : memref<10000xi32, #tpu.memory_space<hbm>>) target(%arg6 : memref<10000xi32, #tpu.memory_space<vmem>>) target_semaphore(%run_scoped3A : memref<!tpu.dma_semaphore, #tpu.memory_space<semaphore_mem>>)
      %dma_wait3A = tpu.memref_slice %arg2[%mul3A_2] : memref<320000xi32, #tpu.memory_space<hbm>> -> memref<10000xi32, #tpu.memory_space<hbm>>
      %dma_wait3A_20 = tpu.memref_slice %arg2[%mul3A_2] : memref<320000xi32, #tpu.memory_space<hbm>> -> memref<10000xi32, #tpu.memory_space<hbm>>
      tpu.wait_dma2 semaphore(%run_scoped3A : memref<!tpu.dma_semaphore, #tpu.memory_space<semaphore_mem>>) src(%dma_wait3A_20 : memref<10000xi32, #tpu.memory_space<hbm>>) dst(%arg6 : memref<10000xi32, #tpu.memory_space<vmem>>)
      tpu.yield
    }) : () -> ()
    %mul3A_3 = arith.constant 10000 : i32
    %mul3A_4 = arith.muli %add3A, %mul3A_3 : i32
    "tpu.region"() ({
      %run_scoped3A = tpu.sem_alloc : memref<!tpu.dma_semaphore, #tpu.memory_space<semaphore_mem>>
      %dma_start3A = tpu.memref_slice %arg3[%mul3A_4] : memref<320000xi32, #tpu.memory_space<hbm>> -> memref<10000xi32, #tpu.memory_space<hbm>>
      %dma_start3A_19 = tpu.memref_slice %arg3[%mul3A_4] : memref<320000xi32, #tpu.memory_space<hbm>> -> memref<10000xi32, #tpu.memory_space<hbm>>
      tpu.enqueue_dma source(%dma_start3A_19 : memref<10000xi32, #tpu.memory_space<hbm>>) target(%arg7 : memref<10000xi32, #tpu.memory_space<vmem>>) target_semaphore(%run_scoped3A : memref<!tpu.dma_semaphore, #tpu.memory_space<semaphore_mem>>)
      %dma_wait3A = tpu.memref_slice %arg3[%mul3A_4] : memref<320000xi32, #tpu.memory_space<hbm>> -> memref<10000xi32, #tpu.memory_space<hbm>>
      %dma_wait3A_20 = tpu.memref_slice %arg3[%mul3A_4] : memref<320000xi32, #tpu.memory_space<hbm>> -> memref<10000xi32, #tpu.memory_space<hbm>>
      tpu.wait_dma2 semaphore(%run_scoped3A : memref<!tpu.dma_semaphore, #tpu.memory_space<semaphore_mem>>) src(%dma_wait3A_20 : memref<10000xi32, #tpu.memory_space<hbm>>) dst(%arg7 : memref<10000xi32, #tpu.memory_space<vmem>>)
      tpu.yield
    }) : () -> ()
    %broadcast_in_dim3A = arith.constant 0.000000e+00 : f32
    %broadcast_in_dim3A_5 = vector.broadcast %broadcast_in_dim3A : f32 to vector<16xf32>
    %scan3A = arith.constant 0 : i32
    %scan3A_6 = arith.constant 0 : i32
    %scan3A_7 = arith.constant 626 : i32
    %scan3A_8 = arith.addi %scan3A_6, %scan3A_7 : i32
    %scan3A_9 = arith.constant 1 : i32
    scf.for %scan3A_19 = %scan3A_6 to %scan3A_8 step %scan3A_9  : i32 {
      %mul3A_20 = arith.constant 16 : i32
      %mul3A_21 = arith.muli %scan3A_19, %mul3A_20 : i32
      %swap3A = arith.index_cast %mul3A_21 : i32 to index
      %swap3A_22 = tpu.vector_load %arg8[%swap3A] {strides = array<i32>} : memref<10016xf32, #tpu.memory_space<vmem>>, vector<16xf32>,
      tpu.vector_store %arg8[%swap3A], %broadcast_in_dim3A_5 {strides = array<i32>} : memref<10016xf32, #tpu.memory_space<vmem>>, vector<16xf32>,
      %mul3A_23 = arith.constant 16 : i32
      %mul3A_24 = arith.muli %scan3A_19, %mul3A_23 : i32
      %swap3A_25 = arith.index_cast %mul3A_24 : i32 to index
      %swap3A_26 = tpu.vector_load %arg9[%swap3A_25] {strides = array<i32>} : memref<10016xf32, #tpu.memory_space<vmem>>, vector<16xf32>,
      tpu.vector_store %arg9[%swap3A_25], %broadcast_in_dim3A_5 {strides = array<i32>} : memref<10016xf32, #tpu.memory_space<vmem>>, vector<16xf32>,
    }
    %scan3A_10 = arith.constant 626 : i32
    %broadcast_in_dim3A_11 = arith.constant 1.000000e+00 : f32
    %broadcast_in_dim3A_12 = vector.broadcast %broadcast_in_dim3A_11 : f32 to vector<16xf32>
    %scan3A_13 = arith.constant 0 : i32
    %scan3A_14 = arith.constant 0 : i32
    %scan3A_15 = arith.constant 625 : i32
    %scan3A_16 = arith.addi %scan3A_14, %scan3A_15 : i32
    %scan3A_17 = arith.constant 1 : i32
    scf.for %scan3A_19 = %scan3A_14 to %scan3A_16 step %scan3A_17  : i32 {
      %mul3A_20 = arith.constant 16 : i32
      %mul3A_21 = arith.muli %scan3A_19, %mul3A_20 : i32
      %get3A = arith.index_cast %mul3A_21 : i32 to index
      %get3A_22 = tpu.vector_load %arg6[%get3A] {strides = array<i32>} : memref<10000xi32, #tpu.memory_space<vmem>>, vector<16xi32>,
      %mul3A_23 = arith.constant 16 : i32
      %mul3A_24 = arith.muli %scan3A_19, %mul3A_23 : i32
      %get3A_25 = arith.index_cast %mul3A_24 : i32 to index
      %get3A_26 = tpu.vector_load %arg7[%get3A_25] {strides = array<i32>} : memref<10000xi32, #tpu.memory_space<vmem>>, vector<16xi32>,
      tpu.vector_store_idx %arg8[%get3A_22], %broadcast_in_dim3A_12 {add = true} : memref<10016xf32, #tpu.memory_space<vmem>>[vector<16xi32>], vector<16xf32>,
      tpu.vector_store_idx %arg9[%get3A_26], %broadcast_in_dim3A_12 {add = true} : memref<10016xf32, #tpu.memory_space<vmem>>[vector<16xi32>], vector<16xf32>,
    }
    %scan3A_18 = arith.constant 625 : i32
    "tpu.region"() ({
      %run_scoped3A = tpu.sem_alloc : memref<!tpu.dma_semaphore, #tpu.memory_space<semaphore_mem>>
      %dma_start3A = arith.constant 0 : i32
      %dma_start3A_19 = tpu.memref_slice %arg4[%add3A, %dma_start3A] : memref<32x10016xf32, #tpu.memory_space<hbm>> -> memref<1x10016xf32, #tpu.memory_space<hbm>>
      %dma_start3A_20 = tpu.memref_squeeze %dma_start3A_19 : memref<1x10016xf32, #tpu.memory_space<hbm>> -> memref<10016xf32, #tpu.memory_space<hbm>>
      %dma_start3A_21 = arith.constant 0 : i32
      %dma_start3A_22 = tpu.memref_slice %arg4[%add3A, %dma_start3A_21] : memref<32x10016xf32, #tpu.memory_space<hbm>> -> memref<1x10016xf32, #tpu.memory_space<hbm>>
      %dma_start3A_23 = tpu.memref_squeeze %dma_start3A_22 : memref<1x10016xf32, #tpu.memory_space<hbm>> -> memref<10016xf32, #tpu.memory_space<hbm>>
      tpu.enqueue_dma source(%arg8 : memref<10016xf32, #tpu.memory_space<vmem>>) target(%dma_start3A_23 : memref<10016xf32, #tpu.memory_space<hbm>>) target_semaphore(%run_scoped3A : memref<!tpu.dma_semaphore, #tpu.memory_space<semaphore_mem>>)
      %dma_wait3A = arith.constant 0 : i32
      %dma_wait3A_24 = tpu.memref_slice %arg4[%add3A, %dma_wait3A] : memref<32x10016xf32, #tpu.memory_space<hbm>> -> memref<1x10016xf32, #tpu.memory_space<hbm>>
      %dma_wait3A_25 = tpu.memref_squeeze %dma_wait3A_24 : memref<1x10016xf32, #tpu.memory_space<hbm>> -> memref<10016xf32, #tpu.memory_space<hbm>>
      %dma_wait3A_26 = arith.constant 0 : i32
      %dma_wait3A_27 = tpu.memref_slice %arg4[%add3A, %dma_wait3A_26] : memref<32x10016xf32, #tpu.memory_space<hbm>> -> memref<1x10016xf32, #tpu.memory_space<hbm>>
      %dma_wait3A_28 = tpu.memref_squeeze %dma_wait3A_27 : memref<1x10016xf32, #tpu.memory_space<hbm>> -> memref<10016xf32, #tpu.memory_space<hbm>>
      tpu.wait_dma2 semaphore(%run_scoped3A : memref<!tpu.dma_semaphore, #tpu.memory_space<semaphore_mem>>) src(%arg8 : memref<10016xf32, #tpu.memory_space<vmem>>) dst(%dma_wait3A_28 : memref<10016xf32, #tpu.memory_space<hbm>>)
      tpu.yield
    }) : () -> ()
    "tpu.region"() ({
      %run_scoped3A = tpu.sem_alloc : memref<!tpu.dma_semaphore, #tpu.memory_space<semaphore_mem>>
      %dma_start3A = arith.constant 0 : i32
      %dma_start3A_19 = tpu.memref_slice %arg5[%add3A, %dma_start3A] : memref<32x10016xf32, #tpu.memory_space<hbm>> -> memref<1x10016xf32, #tpu.memory_space<hbm>>
      %dma_start3A_20 = tpu.memref_squeeze %dma_start3A_19 : memref<1x10016xf32, #tpu.memory_space<hbm>> -> memref<10016xf32, #tpu.memory_space<hbm>>
      %dma_start3A_21 = arith.constant 0 : i32
      %dma_start3A_22 = tpu.memref_slice %arg5[%add3A, %dma_start3A_21] : memref<32x10016xf32, #tpu.memory_space<hbm>> -> memref<1x10016xf32, #tpu.memory_space<hbm>>
      %dma_start3A_23 = tpu.memref_squeeze %dma_start3A_22 : memref<1x10016xf32, #tpu.memory_space<hbm>> -> memref<10016xf32, #tpu.memory_space<hbm>>
      tpu.enqueue_dma source(%arg9 : memref<10016xf32, #tpu.memory_space<vmem>>) target(%dma_start3A_23 : memref<10016xf32, #tpu.memory_space<hbm>>) target_semaphore(%run_scoped3A : memref<!tpu.dma_semaphore, #tpu.memory_space<semaphore_mem>>)
      %dma_wait3A = arith.constant 0 : i32
      %dma_wait3A_24 = tpu.memref_slice %arg5[%add3A, %dma_wait3A] : memref<32x10016xf32, #tpu.memory_space<hbm>> -> memref<1x10016xf32, #tpu.memory_space<hbm>>
      %dma_wait3A_25 = tpu.memref_squeeze %dma_wait3A_24 : memref<1x10016xf32, #tpu.memory_space<hbm>> -> memref<10016xf32, #tpu.memory_space<hbm>>
      %dma_wait3A_26 = arith.constant 0 : i32
      %dma_wait3A_27 = tpu.memref_slice %arg5[%add3A, %dma_wait3A_26] : memref<32x10016xf32, #tpu.memory_space<hbm>> -> memref<1x10016xf32, #tpu.memory_space<hbm>>
      %dma_wait3A_28 = tpu.memref_squeeze %dma_wait3A_27 : memref<1x10016xf32, #tpu.memory_space<hbm>> -> memref<10016xf32, #tpu.memory_space<hbm>>
      tpu.wait_dma2 semaphore(%run_scoped3A : memref<!tpu.dma_semaphore, #tpu.memory_space<semaphore_mem>>) src(%arg9 : memref<10016xf32, #tpu.memory_space<vmem>>) dst(%dma_wait3A_28 : memref<10016xf32, #tpu.memory_space<hbm>>)
      tpu.yield
    }) : () -> ()
    return
  }
}

module attributes {stable_mosaic.version = 14 : i64} {
  func.func @_tc_norm_body(%arg0: memref<32x10016xf32, #tpu.memory_space<vmem>>, %arg1: memref<32x10016xf32, #tpu.memory_space<vmem>>, %arg2: memref<1x10016xf32, #tpu.memory_space<vmem>>, %arg3: memref<1x10016xf32, #tpu.memory_space<vmem>>) attributes {dimension_semantics = [], scalar_prefetch = 0 : i64, scratch_operands = 0 : i64, tpu.core_type = #tpu.core_type<tc>} {
    %get3A = arith.constant 0 : index
    %get3A_0 = arith.constant 0 : index
    %get3A_1 = vector.load %arg0[%get3A, %get3A_0] : memref<32x10016xf32, #tpu.memory_space<vmem>>, vector<32x10016xf32>
    %reduce_sum3A = arith.constant dense<0.000000e+00> : vector<10016xf32>
    %reduce_sum3A_2 = vector.multi_reduction <add>, %get3A_1, %reduce_sum3A [0] : vector<32x10016xf32> to vector<10016xf32>
    %broadcast_in_dim3A = vector.shape_cast %reduce_sum3A_2 : vector<10016xf32> to vector<1x10016xf32>
    %get3A_3 = arith.constant 0 : index
    %get3A_4 = arith.constant 0 : index
    %get3A_5 = vector.load %arg1[%get3A_3, %get3A_4] : memref<32x10016xf32, #tpu.memory_space<vmem>>, vector<32x10016xf32>
    %reduce_sum3A_6 = arith.constant dense<0.000000e+00> : vector<10016xf32>
    %reduce_sum3A_7 = vector.multi_reduction <add>, %get3A_5, %reduce_sum3A_6 [0] : vector<32x10016xf32> to vector<10016xf32>
    %broadcast_in_dim3A_8 = vector.shape_cast %reduce_sum3A_7 : vector<10016xf32> to vector<1x10016xf32>
    %gt3A = arith.constant 0.000000e+00 : f32
    %gt3A_9 = vector.broadcast %gt3A : f32 to vector<1x10016xf32>
    %gt3A_10 = arith.cmpf ogt, %broadcast_in_dim3A, %gt3A_9 : vector<1x10016xf32>
    %max3A = arith.constant 1.000000e+00 : f32
    %max3A_11 = vector.broadcast %max3A : f32 to vector<1x10016xf32>
    %max3A_12 = arith.maximumf %broadcast_in_dim3A, %max3A_11 : vector<1x10016xf32>
    %rsqrt3A = math.rsqrt %max3A_12 : vector<1x10016xf32>
    %jit3A = arith.constant 0.000000e+00 : f32
    %broadcast_in_dim3A_13 = vector.broadcast %jit3A : f32 to vector<1x10016xf32>
    %select_n3A = arith.select %gt3A_10, %rsqrt3A, %broadcast_in_dim3A_13 : vector<1x10016xi1>, vector<1x10016xf32>
    %swap3A = arith.constant 0 : index
    %swap3A_14 = arith.constant 0 : index
    %swap3A_15 = vector.load %arg2[%swap3A, %swap3A_14] : memref<1x10016xf32, #tpu.memory_space<vmem>>, vector<1x10016xf32>
    tpu.vector_store %arg2[%swap3A, %swap3A_14], %select_n3A {strides = array<i32>} : memref<1x10016xf32, #tpu.memory_space<vmem>>, vector<1x10016xf32>,
    %gt3A_16 = arith.constant 0.000000e+00 : f32
    %gt3A_17 = vector.broadcast %gt3A_16 : f32 to vector<1x10016xf32>
    %gt3A_18 = arith.cmpf ogt, %broadcast_in_dim3A_8, %gt3A_17 : vector<1x10016xf32>
    %max3A_19 = arith.constant 1.000000e+00 : f32
    %max3A_20 = vector.broadcast %max3A_19 : f32 to vector<1x10016xf32>
    %max3A_21 = arith.maximumf %broadcast_in_dim3A_8, %max3A_20 : vector<1x10016xf32>
    %rsqrt3A_22 = math.rsqrt %max3A_21 : vector<1x10016xf32>
    %jit3A_23 = arith.constant 0.000000e+00 : f32
    %broadcast_in_dim3A_24 = vector.broadcast %jit3A_23 : f32 to vector<1x10016xf32>
    %select_n3A_25 = arith.select %gt3A_18, %rsqrt3A_22, %broadcast_in_dim3A_24 : vector<1x10016xi1>, vector<1x10016xf32>
    %swap3A_26 = arith.constant 0 : index
    %swap3A_27 = arith.constant 0 : index
    %swap3A_28 = vector.load %arg3[%swap3A_26, %swap3A_27] : memref<1x10016xf32, #tpu.memory_space<vmem>>, vector<1x10016xf32>
    tpu.vector_store %arg3[%swap3A_26, %swap3A_27], %select_n3A_25 {strides = array<i32>} : memref<1x10016xf32, #tpu.memory_space<vmem>>, vector<1x10016xf32>,
    return
  }
}

module attributes {stable_mosaic.version = 14 : i64} {
  func.func @_tc_scale_body(%arg0: memref<10000x128xf32, #tpu.memory_space<vmem>>, %arg1: memref<10000x1xf32, #tpu.memory_space<vmem>>, %arg2: memref<10000x128xbf16, #tpu.memory_space<vmem>>) attributes {dimension_semantics = [], scalar_prefetch = 0 : i64, scratch_operands = 0 : i64, tpu.core_type = #tpu.core_type<tc>} {
    %get3A = arith.constant 0 : index
    %get3A_0 = arith.constant 0 : index
    %get3A_1 = vector.load %arg0[%get3A, %get3A_0] : memref<10000x128xf32, #tpu.memory_space<vmem>>, vector<10000x128xf32>
    %get3A_2 = arith.constant 0 : index
    %get3A_3 = arith.constant 0 : index
    %get3A_4 = vector.load %arg1[%get3A_2, %get3A_3] : memref<10000x1xf32, #tpu.memory_space<vmem>>, vector<10000x1xf32>
    %mul3A = vector.broadcast %get3A_4 : vector<10000x1xf32> to vector<10000x128xf32>
    %mul3A_5 = arith.mulf %get3A_1, %mul3A : vector<10000x128xf32>
    %convert_element_type3A = arith.truncf %mul3A_5 : vector<10000x128xf32> to vector<10000x128xbf16>
    %swap3A = arith.constant 0 : index
    %swap3A_6 = arith.constant 0 : index
    %swap3A_7 = vector.load %arg2[%swap3A, %swap3A_6] : memref<10000x128xbf16, #tpu.memory_space<vmem>>, vector<10000x128xbf16>
    tpu.vector_store %arg2[%swap3A, %swap3A_6], %convert_element_type3A {strides = array<i32>} : memref<10000x128xbf16, #tpu.memory_space<vmem>>, vector<10000x128xbf16>,
    return
  }
}

module attributes {stable_mosaic.version = 14 : i64} {
  func.func @_tc_mid_body(%arg0: memref<2x2x10000x128xbf16, #tpu.memory_space<vmem>>, %arg1: memref<10000x1xf32, #tpu.memory_space<vmem>>, %arg2: memref<10000x1xf32, #tpu.memory_space<vmem>>, %arg3: memref<128x128xf32, #tpu.memory_space<vmem>>, %arg4: memref<1x128xf32, #tpu.memory_space<vmem>>, %arg5: memref<10000x128xbf16, #tpu.memory_space<vmem>>) attributes {dimension_semantics = [], scalar_prefetch = 0 : i64, scratch_operands = 0 : i64, tpu.core_type = #tpu.core_type<tc>} {
    %get3A = arith.constant 0 : index
    %get3A_0 = arith.constant 0 : index
    %get3A_1 = arith.constant 0 : index
    %get3A_2 = arith.constant 0 : index
    %get3A_3 = vector.load %arg0[%get3A, %get3A_0, %get3A_1, %get3A_2] : memref<2x2x10000x128xbf16, #tpu.memory_space<vmem>>, vector<1x1x10000x128xbf16>
    %get3A_4 = vector.shape_cast %get3A_3 : vector<1x1x10000x128xbf16> to vector<10000x128xbf16>
    %convert_element_type3A = arith.extf %get3A_4 : vector<10000x128xbf16> to vector<10000x128xf32>
    %get3A_5 = arith.constant 0 : index
    %get3A_6 = arith.constant 1 : index
    %get3A_7 = arith.constant 0 : index
    %get3A_8 = arith.constant 0 : index
    %get3A_9 = vector.load %arg0[%get3A_5, %get3A_6, %get3A_7, %get3A_8] : memref<2x2x10000x128xbf16, #tpu.memory_space<vmem>>, vector<1x1x10000x128xbf16>
    %get3A_10 = vector.shape_cast %get3A_9 : vector<1x1x10000x128xbf16> to vector<10000x128xbf16>
    %convert_element_type3A_11 = arith.extf %get3A_10 : vector<10000x128xbf16> to vector<10000x128xf32>
    %add3A = arith.addf %convert_element_type3A, %convert_element_type3A_11 : vector<10000x128xf32>
    %get3A_12 = arith.constant 1 : index
    %get3A_13 = arith.constant 0 : index
    %get3A_14 = arith.constant 0 : index
    %get3A_15 = arith.constant 0 : index
    %get3A_16 = vector.load %arg0[%get3A_12, %get3A_13, %get3A_14, %get3A_15] : memref<2x2x10000x128xbf16, #tpu.memory_space<vmem>>, vector<1x1x10000x128xbf16>
    %get3A_17 = vector.shape_cast %get3A_16 : vector<1x1x10000x128xbf16> to vector<10000x128xbf16>
    %convert_element_type3A_18 = arith.extf %get3A_17 : vector<10000x128xbf16> to vector<10000x128xf32>
    %add3A_19 = arith.addf %add3A, %convert_element_type3A_18 : vector<10000x128xf32>
    %get3A_20 = arith.constant 1 : index
    %get3A_21 = arith.constant 1 : index
    %get3A_22 = arith.constant 0 : index
    %get3A_23 = arith.constant 0 : index
    %get3A_24 = vector.load %arg0[%get3A_20, %get3A_21, %get3A_22, %get3A_23] : memref<2x2x10000x128xbf16, #tpu.memory_space<vmem>>, vector<1x1x10000x128xbf16>
    %get3A_25 = vector.shape_cast %get3A_24 : vector<1x1x10000x128xbf16> to vector<10000x128xbf16>
    %convert_element_type3A_26 = arith.extf %get3A_25 : vector<10000x128xbf16> to vector<10000x128xf32>
    %add3A_27 = arith.addf %add3A_19, %convert_element_type3A_26 : vector<10000x128xf32>
    %get3A_28 = arith.constant 0 : index
    %get3A_29 = arith.constant 0 : index
    %get3A_30 = vector.load %arg1[%get3A_28, %get3A_29] : memref<10000x1xf32, #tpu.memory_space<vmem>>, vector<10000x1xf32>
    %mul3A = vector.broadcast %get3A_30 : vector<10000x1xf32> to vector<10000x128xf32>
    %mul3A_31 = arith.mulf %add3A_27, %mul3A : vector<10000x128xf32>
    %get3A_32 = arith.constant 0 : index
    %get3A_33 = arith.constant 0 : index
    %get3A_34 = vector.load %arg3[%get3A_32, %get3A_33] : memref<128x128xf32, #tpu.memory_space<vmem>>, vector<128x128xf32>
    %dot_general3A = arith.constant dense<0.000000e+00> : vector<10000x128xf32>
    %dot_general3A_35 = tpu.matmul %mul3A_31, %get3A_34, %dot_general3A {dimension_numbers = #tpu.dot_dimension_numbers<[1], [0], [0], [1], [0, 0, 1, 1], [], []>, transpose_lhs_hint = false} : vector<10000x128xf32>, vector<128x128xf32>, vector<10000x128xf32> -> vector<10000x128xf32>
    %get3A_36 = arith.constant 0 : index
    %get3A_37 = arith.constant 0 : index
    %get3A_38 = vector.load %arg4[%get3A_36, %get3A_37] : memref<1x128xf32, #tpu.memory_space<vmem>>, vector<1x128xf32>
    %add3A_39 = vector.broadcast %get3A_38 : vector<1x128xf32> to vector<10000x128xf32>
    %add3A_40 = arith.addf %dot_general3A_35, %add3A_39 : vector<10000x128xf32>
    %get3A_41 = arith.constant 0 : index
    %get3A_42 = arith.constant 0 : index
    %get3A_43 = vector.load %arg2[%get3A_41, %get3A_42] : memref<10000x1xf32, #tpu.memory_space<vmem>>, vector<10000x1xf32>
    %mul3A_44 = vector.broadcast %get3A_43 : vector<10000x1xf32> to vector<10000x128xf32>
    %mul3A_45 = arith.mulf %add3A_40, %mul3A_44 : vector<10000x128xf32>
    %convert_element_type3A_46 = arith.truncf %mul3A_45 : vector<10000x128xf32> to vector<10000x128xbf16>
    %swap3A = arith.constant 0 : index
    %swap3A_47 = arith.constant 0 : index
    %swap3A_48 = vector.load %arg5[%swap3A, %swap3A_47] : memref<10000x128xbf16, #tpu.memory_space<vmem>>, vector<10000x128xbf16>
    tpu.vector_store %arg5[%swap3A, %swap3A_47], %convert_element_type3A_46 {strides = array<i32>} : memref<10000x128xbf16, #tpu.memory_space<vmem>>, vector<10000x128xbf16>,
    return
  }
}

module attributes {stable_mosaic.version = 14 : i64} {
  func.func @_tc_final_body(%arg0: memref<2x2x10000x128xbf16, #tpu.memory_space<vmem>>, %arg1: memref<10000x1xf32, #tpu.memory_space<vmem>>, %arg2: memref<128x128xf32, #tpu.memory_space<vmem>>, %arg3: memref<1x128xf32, #tpu.memory_space<vmem>>, %arg4: memref<128x128xf32, #tpu.memory_space<vmem>>, %arg5: memref<1x128xf32, #tpu.memory_space<vmem>>, %arg6: memref<10000x128xf32, #tpu.memory_space<vmem>>, %arg7: memref<10000x128xf32, #tpu.memory_space<vmem>>) attributes {dimension_semantics = [], scalar_prefetch = 0 : i64, scratch_operands = 0 : i64, tpu.core_type = #tpu.core_type<tc>} {
    %get3A = arith.constant 0 : index
    %get3A_0 = arith.constant 0 : index
    %get3A_1 = arith.constant 0 : index
    %get3A_2 = arith.constant 0 : index
    %get3A_3 = vector.load %arg0[%get3A, %get3A_0, %get3A_1, %get3A_2] : memref<2x2x10000x128xbf16, #tpu.memory_space<vmem>>, vector<1x1x10000x128xbf16>
    %get3A_4 = vector.shape_cast %get3A_3 : vector<1x1x10000x128xbf16> to vector<10000x128xbf16>
    %convert_element_type3A = arith.extf %get3A_4 : vector<10000x128xbf16> to vector<10000x128xf32>
    %get3A_5 = arith.constant 0 : index
    %get3A_6 = arith.constant 1 : index
    %get3A_7 = arith.constant 0 : index
    %get3A_8 = arith.constant 0 : index
    %get3A_9 = vector.load %arg0[%get3A_5, %get3A_6, %get3A_7, %get3A_8] : memref<2x2x10000x128xbf16, #tpu.memory_space<vmem>>, vector<1x1x10000x128xbf16>
    %get3A_10 = vector.shape_cast %get3A_9 : vector<1x1x10000x128xbf16> to vector<10000x128xbf16>
    %convert_element_type3A_11 = arith.extf %get3A_10 : vector<10000x128xbf16> to vector<10000x128xf32>
    %add3A = arith.addf %convert_element_type3A, %convert_element_type3A_11 : vector<10000x128xf32>
    %get3A_12 = arith.constant 1 : index
    %get3A_13 = arith.constant 0 : index
    %get3A_14 = arith.constant 0 : index
    %get3A_15 = arith.constant 0 : index
    %get3A_16 = vector.load %arg0[%get3A_12, %get3A_13, %get3A_14, %get3A_15] : memref<2x2x10000x128xbf16, #tpu.memory_space<vmem>>, vector<1x1x10000x128xbf16>
    %get3A_17 = vector.shape_cast %get3A_16 : vector<1x1x10000x128xbf16> to vector<10000x128xbf16>
    %convert_element_type3A_18 = arith.extf %get3A_17 : vector<10000x128xbf16> to vector<10000x128xf32>
    %add3A_19 = arith.addf %add3A, %convert_element_type3A_18 : vector<10000x128xf32>
    %get3A_20 = arith.constant 1 : index
    %get3A_21 = arith.constant 1 : index
    %get3A_22 = arith.constant 0 : index
    %get3A_23 = arith.constant 0 : index
    %get3A_24 = vector.load %arg0[%get3A_20, %get3A_21, %get3A_22, %get3A_23] : memref<2x2x10000x128xbf16, #tpu.memory_space<vmem>>, vector<1x1x10000x128xbf16>
    %get3A_25 = vector.shape_cast %get3A_24 : vector<1x1x10000x128xbf16> to vector<10000x128xbf16>
    %convert_element_type3A_26 = arith.extf %get3A_25 : vector<10000x128xbf16> to vector<10000x128xf32>
    %add3A_27 = arith.addf %add3A_19, %convert_element_type3A_26 : vector<10000x128xf32>
    %get3A_28 = arith.constant 0 : index
    %get3A_29 = arith.constant 0 : index
    %get3A_30 = vector.load %arg1[%get3A_28, %get3A_29] : memref<10000x1xf32, #tpu.memory_space<vmem>>, vector<10000x1xf32>
    %mul3A = vector.broadcast %get3A_30 : vector<10000x1xf32> to vector<10000x128xf32>
    %mul3A_31 = arith.mulf %add3A_27, %mul3A : vector<10000x128xf32>
    %get3A_32 = arith.constant 0 : index
    %get3A_33 = arith.constant 0 : index
    %get3A_34 = vector.load %arg2[%get3A_32, %get3A_33] : memref<128x128xf32, #tpu.memory_space<vmem>>, vector<128x128xf32>
    %dot_general3A = arith.constant dense<0.000000e+00> : vector<10000x128xf32>
    %dot_general3A_35 = tpu.matmul %mul3A_31, %get3A_34, %dot_general3A {dimension_numbers = #tpu.dot_dimension_numbers<[1], [0], [0], [1], [0, 0, 1, 1], [], []>, transpose_lhs_hint = false} : vector<10000x128xf32>, vector<128x128xf32>, vector<10000x128xf32> -> vector<10000x128xf32>
    %get3A_36 = arith.constant 0 : index
    %get3A_37 = arith.constant 0 : index
    %get3A_38 = vector.load %arg3[%get3A_36, %get3A_37] : memref<1x128xf32, #tpu.memory_space<vmem>>, vector<1x128xf32>
    %add3A_39 = vector.broadcast %get3A_38 : vector<1x128xf32> to vector<10000x128xf32>
    %add3A_40 = arith.addf %dot_general3A_35, %add3A_39 : vector<10000x128xf32>
    %get3A_41 = arith.constant 0 : index
    %get3A_42 = arith.constant 0 : index
    %get3A_43 = vector.load %arg4[%get3A_41, %get3A_42] : memref<128x128xf32, #tpu.memory_space<vmem>>, vector<128x128xf32>
    %dot_general3A_44 = arith.constant dense<0.000000e+00> : vector<10000x128xf32>
    %dot_general3A_45 = tpu.matmul %mul3A_31, %get3A_43, %dot_general3A_44 {dimension_numbers = #tpu.dot_dimension_numbers<[1], [0], [0], [1], [0, 0, 1, 1], [], []>, transpose_lhs_hint = false} : vector<10000x128xf32>, vector<128x128xf32>, vector<10000x128xf32> -> vector<10000x128xf32>
    %get3A_46 = arith.constant 0 : index
    %get3A_47 = arith.constant 0 : index
    %get3A_48 = vector.load %arg5[%get3A_46, %get3A_47] : memref<1x128xf32, #tpu.memory_space<vmem>>, vector<1x128xf32>
    %add3A_49 = vector.broadcast %get3A_48 : vector<1x128xf32> to vector<10000x128xf32>
    %add3A_50 = arith.addf %dot_general3A_45, %add3A_49 : vector<10000x128xf32>
    %get3A_51 = arith.constant 0 : index
    %get3A_52 = arith.constant 0 : index
    %get3A_53 = vector.load %arg6[%get3A_51, %get3A_52] : memref<10000x128xf32, #tpu.memory_space<vmem>>, vector<10000x128xf32>
    %exp3A = math.exp %add3A_50 : vector<10000x128xf32>
    %mul3A_54 = arith.mulf %get3A_53, %exp3A : vector<10000x128xf32>
    %add3A_55 = arith.addf %mul3A_54, %add3A_40 : vector<10000x128xf32>
    %swap3A = arith.constant 0 : index
    %swap3A_56 = arith.constant 0 : index
    %swap3A_57 = vector.load %arg7[%swap3A, %swap3A_56] : memref<10000x128xf32, #tpu.memory_space<vmem>>, vector<10000x128xf32>
    tpu.vector_store %arg7[%swap3A, %swap3A_56], %add3A_55 {strides = array<i32>} : memref<10000x128xf32, #tpu.memory_space<vmem>>, vector<10000x128xf32>,
    return
  }
}

</mosaic_0001>

<sc_bundles>
// kernel: kernel.12.cloned.1.call-start
scs
__scs_entry_jumppad:
0x0: {  	(pc) =	sbr.rel $0x88, $3  }
0x1: {  	(tag) =	ssettag $0x0;
	lr =	simm.s32 $0x1  }
0x2: {  	[smem:$0x3F99] =	sst lr;
	_ =	strace $0xD0000000  }
0x3: {  	_ = 	snop  }
0x4: {  	_ = 	snop  }
0x5: {  	_ = 	snop  }
0x6: {  	_ = 	snop  }
0x7: {  	_ = 	snop  }
__scs_overlays_trampoline_lowered:
0x8: {  	[smem:$0x3FA8] =	sst s0  }
0x9: {  	[smem:$0x3FA9] =	sst s1  }
0xa: {  	[smem:$0x3FAA] =	sst s2  }
0xb: {  	[smem:$0x3FAB] =	sst s3  }
0xc: {  	[smem:$0x3FAC] =	sst s4  }
0xd: {  	[smem:$0x3FAD] =	sst s5  }
0xe: {  	[smem:$0x3FAE] =	sst s6  }
0xf: {  	[smem:$0x3FAF] =	sst s7  }
0x10: {  	[smem:$0x3FB0] =	sst s8  }
0x11: {  	[smem:$0x3FB1] =	sst s9;
	s0 =	simm.s32 @!p0 $0x0  }
0x12: {  	s1 =	sld [smem:$0x3F97];
	s0 =	simm.s32 @p0 $0x1  }
0x13: {  	[smem:$0x3FB2] =	sst s0;
	s0 =	simm.s32 @!p1 $0x0  }
0x14: {  	s2 =	sld [smem:$0x3F96];
	s0 =	simm.s32 @p1 $0x1  }
0x15: {  	[smem:$0x3FB3] =	sst s0;
	s0 =	simm.s32 @!p2 $0x0  }
0x16: {  	s3 =	sld [smem:$0x3FDB];
	s0 =	simm.s32 @p2 $0x1  }
0x17: {  	s4 =	simm.s32 $0x1BF5;
	[smem:$0x3FB5] =	sst s0  }
0x18: {  	s0 =	sld [smem:$0x3F98];
	_ =	swait.ge [sflag:s4], $0x0  }
0x19: {  	s7 =	sld [smem:$0x3F99]  }
0x1a: {  	s8 =	sadd.s32 $0xFFFFE003, lr  }
0x1b: {  	s9 =	sadd.s32 $0xFFFFFEF7, lr;
	s5 =	simm.s32 $0xFFFFFFFF;
	p2 =	slt.u32 s8, $0xFFFFF086  }
0x1c: {  	p1 =	slt.u32 s9, $0xF7A;
	s5 =	simm.s32 @!p2 $0x0  }
0x1d: {  	s5 =	simm.s32 @p1 $0x1;
	p0 =	seq.s32 s7, s2  }
0x1e: {  	s7 =	smul.u32 @!p0 $0xF7A, s2;
	p2 =	seq.s32 @!p0 s5, $0x0  }
0x1f: {  	s9 =	smul.u32 $0xF7A, s1;
	s8 =	simm.s32 @!p0 $0x1BF5;
	p2 =	por !p2, p0  }
0x20: {  	[sflag:s8] =	ssyncset.s32 @!p0 $0xFFFFF086;
	s6 =	sadd.s32 @!p0 s3, s7;
	s7 =	simm.s32 @!p0 $0x108  }
0x21: {  	s3 =	sadd.s32 s3, s9;
	s6 =	sadd.s32 @!p0 $0x88, s6;
	s7 =	simm.s32 @p2 $0x1082  }
0x22: {  	[simem:s7], [sflag:s8] =	dma.local @!p0 [hbm:s6], $0xF7A  }
0x23: {  	s9 =	sor.u32 $0xD0000000, s2;
	s6 =	simm.s32 $0x108;
	_ =	swait.ge @!p0 [sflag:s8], $0x0  }
0x24: {  	s3 =	sadd.s32 $0x88, s3;
	s6 =	simm.s32 @!p1 $0x1082;
	[sflag:s4] =	ssyncset.s32 $0xFFFFF086  }
0x25: {  	[simem:s6], [sflag:s4] =	dma.local [hbm:s3], $0xF7A  }
0x26: {  	[smem:$0x3F99] =	sst s1;
	(tag) =	ssettag s2;
	_ =	strace s9  }
0x27: {  	s1 =	sld [smem:$0x3FA9]  }
0x28: {  	s2 =	sld [smem:$0x3FAA]  }
0x29: {  	s4 =	sld [smem:$0x3FAC]  }
0x2a: {  	p0 =	seq.s32 s5, $0x0;
	s5 =	sld [smem:$0x3FAD]  }
0x2b: {  	s6 =	sld [smem:$0x3FAE]  }
0x2c: {  	s7 =	sld [smem:$0x3FAF]  }
0x2d: {  	s3 =	simm.s32 $0x108;
	s8 =	sld [smem:$0x3FB0]  }
0x2e: {  	s3 =	simm.s32 @!p0 $0x1082;
	s9 =	sld [smem:$0x3FB1]  }
0x2f: {  	lr =	sadd.s32 s0, s3;
	s0 =	sld [smem:$0x3FA8]  }
0x30: {  	s3 =	sld [smem:$0x3FAB]  }
0x31: {  	[smem:$0x3FB4] =	sst s10  }
0x32: {  	s10 =	sld [smem:$0x3FB2];
	_ =	sdelay $0x3  }
0x33: {  	p0 =	seq.s32 s10, $0x1;
	s10 =	sld [smem:$0x3FB4];
	_ =	sdelay $0x3  }
0x34: {  	[smem:$0x3FB4] =	sst s10  }
0x35: {  	s10 =	sld [smem:$0x3FB3];
	_ =	sdelay $0x3  }
0x36: {  	p1 =	seq.s32 s10, $0x1;
	s10 =	sld [smem:$0x3FB4];
	_ =	sdelay $0x3  }
0x37: {  	[smem:$0x3FB4] =	sst s10  }
0x38: {  	s10 =	sld [smem:$0x3FB5]  }
0x39: {  	_ = 	snop;
	(pc) =	sbr.ind lr, $3  }
0x3a: {  	_ = 	snop  }
0x3b: {  	_ = 	snop  }
0x3c: {  	p2 =	seq.s32 s10, $0x1;
	s10 =	sld [smem:$0x3FB4]  }
0x3d: {  	_ =	shalt  }
0x3e: {  	_ =	shalt  }
0x3f: {  	_ =	shalt  }
0x40: {  	_ =	shalt  }
0x41: {  	_ =	shalt  }
0x42: {  	_ =	shalt  }
0x43: {  	_ =	shalt  }
0x44: {  	_ =	shalt  }
0x45: {  	_ =	shalt  }
0x46: {  	_ =	shalt  }
0x47: {  	_ =	shalt  }
0x48: {  	_ =	shalt  }
0x49: {  	_ =	shalt  }
0x4a: {  	_ =	shalt  }
0x4b: {  	_ =	shalt  }
0x4c: {  	_ =	shalt  }
0x4d: {  	_ =	shalt  }
0x4e: {  	_ =	shalt  }
0x4f: {  	_ =	shalt  }
0x50: {  	_ =	shalt  }
0x51: {  	_ =	shalt  }
0x52: {  	_ =	shalt  }
0x53: {  	_ =	shalt  }
0x54: {  	_ =	shalt  }
0x55: {  	_ =	shalt  }
0x56: {  	_ =	shalt  }
0x57: {  	_ =	shalt  }
0x58: {  	_ =	shalt  }
0x59: {  	_ =	shalt  }
0x5a: {  	_ =	shalt  }
0x5b: {  	_ =	shalt  }
0x5c: {  	_ =	shalt  }
0x5d: {  	_ =	shalt  }
0x5e: {  	_ =	shalt  }
0x5f: {  	_ =	shalt  }
0x60: {  	_ =	shalt  }
0x61: {  	_ =	shalt  }
0x62: {  	_ =	shalt  }
0x63: {  	_ =	shalt  }
0x64: {  	_ =	shalt  }
0x65: {  	_ =	shalt  }
0x66: {  	_ =	shalt  }
0x67: {  	_ =	shalt  }
0x68: {  	_ =	shalt  }
0x69: {  	_ =	shalt  }
0x6a: {  	_ =	shalt  }
0x6b: {  	_ =	shalt  }
0x6c: {  	_ =	shalt  }
0x6d: {  	_ =	shalt  }
0x6e: {  	_ =	shalt  }
0x6f: {  	_ =	shalt  }
0x70: {  	_ =	shalt  }
0x71: {  	_ =	shalt  }
0x72: {  	_ =	shalt  }
0x73: {  	_ =	shalt  }
0x74: {  	_ =	shalt  }
0x75: {  	_ =	shalt  }
0x76: {  	_ =	shalt  }
0x77: {  	_ =	shalt  }
0x78: {  	_ =	shalt  }
0x79: {  	_ =	shalt  }
0x7a: {  	_ =	shalt  }
0x7b: {  	_ =	shalt  }
0x7c: {  	_ =	shalt  }
0x7d: {  	_ =	shalt  }
0x7e: {  	_ =	shalt  }
0x7f: {  	_ =	shalt  }
0x80: {  	_ =	shalt  }
0x81: {  	_ =	shalt  }
0x82: {  	_ =	shalt  }
0x83: {  	_ =	shalt  }
0x84: {  	_ =	shalt  }
0x85: {  	_ =	shalt  }
0x86: {  	_ =	shalt  }
0x87: {  	_ =	shalt  }
.Lfunc_end0:
.L_simem_size_0:
called_computation.1_lowered:
.L_overlay_start_0:
0x88: {  	s2 =	sld [smem:$0x3FD9]  }
0x89: {  	s3 =	sld [smem:$0x3FFE];
	_ =	sdelay $0x1  }
0x8a: {  	s1 =	srdreg.scid  }
0x8b: {  	s0 =	sand.u32 $0x1, s1  }
0x8c: {  	s17 =	sshll.u32 s0, $0xA;
	s2 =	sadd.s32 s3, s2  }
0x8d: {  	s2 =	sadd.s32 s2, s17  }
0x8e: {  	[smem:$0x3FC0] =	sst s2  }
0x8f: {  	_ = 	snop  }
0x90: {  	s2 =	sld [smem:$0x3FD0];
	(tm) =	ssettm $0x1  }
0x91: {  	s18 =	sld [smem:$0x3FFB];
	_ =	sdelay $0x3  }
0x92: {  	_ =	strace s18  }
0x93: {  	s3 =	sld [smem:$0x3FFC];
	_ =	sdelay $0x3  }
0x94: {  	_ =	strace s3  }
0x95: {  	s3 =	sld [smem:$0x3FFD];
	_ =	sdelay $0x3  }
0x96: {  	_ =	strace s3  }
0x97: {  	_ =	strace $0x8FFFFFFF  }
0x98: {  	s19 =	sld [smem:$0x3FDB];
	_ =	sdelay $0x1  }
0x99: {  	s4 =	simm.s32 $_scs_section_size  }
0x9a: {  	s5 =	simm.s32 $_size__tile_overlayer_lowered;
	s6 =	simm.s32 $_tile_overlayer_lowered  }
0x9b: {  	s22 =	simm.s32 $0x1BFF;
	s21 =	sshll.u32 s6, $0x1;
	s3 =	sadd.s32 s4, s19  }
0x9c: {  	s7 =	simm.s32 $0x0;
	s20 =	sshll.u32 s5, $0x1;
	s5 =	sadd.s32 s21, s3  }
0x9d: {  	[timem:s7], [sflag:s22] =	dma.local [hbm:s5], s20  }
0x9e: {  	_ =	swait.ge [sflag:s22], s20  }
0x9f: {  	s4 =	ssub.s32 $0x0, s20;
	[sflag:s22] =	ssyncset.done $0x0  }
0xa0: {  	[sflag:s22] =	ssyncadd.s32 s4;
	_ =	sdelay $0x1  }
0xa1: {  	s23 =	simm.s32 $0x1B8B  }
0xa2: {  	_ =	swait.ge [sflag:s23], $0x1  }
0xa3: {  	[sflag:s23] =	ssyncset.done $0x0  }
0xa4: {  	s25 =	simm.s32 $0x1B8E;
	s24 =	sld [smem:$0x3FFE];
	[sflag:s23] =	ssyncadd.s32 $0xFFFFFFFF  }
0xa5: {  	s26 =	simm.s32 $execute0_lowered;
	[smem:$0x3FD2] =	sst s25  }
0xa6: {  	s5 =	sshll.u32 s26, $0x1;
	_ =	strace $0x80000049;
	[dreg:$0x1] =	wrdreg $0xFFFFFFFF  }
0xa7: {  	s28 =	simm.s32 $_size_execute0_lowered;
	s3 =	sadd.s32 s3, s5;
	[dreg:$0x0] =	wrdreg $0x0  }
0xa8: {  	s5 =	sshll.u32 s28, $0x1;
	[dreg:$0x2] =	wrdreg s3  }
0xa9: {  	[dreg:$0x3] =	wrdreg s5  }
0xaa: {  	[dreg:$0x4] =	wrdreg $0xC0  }
0xab: {  	_ =	task [dreg:s7], $0x5FFFF  }
0xac: {  	[dreg:$0x1] =	wrdreg $0xFFFFFFFF  }
0xad: {  	[dreg:$0x0] =	wrdreg $0x60  }
0xae: {  	[dreg:$0x2] =	wrdreg s2  }
0xaf: {  	[dreg:$0x3] =	wrdreg s24  }
0xb0: {  	[dreg:$0x4] =	wrdreg $0xA2C00  }
0xb1: {  	[dreg:$0x5] =	wrdreg $0x9  }
0xb2: {  	_ =	task.clear_ibuf [dreg:s7], $0x6FFFF;
	_ =	strace $0x90000049  }
0xb3: {  	s29 =	simm.s32 $0x9;
	_ =	strace $0x8000004B  }
0xb4: {  	_ =	swait.ge [sflag:s29], $0x1  }
0xb5: {  	[sflag:s29] =	ssyncadd.s32 $0xFFFFFFFF  }
0xb6: {  	_ =	strace $0x9000004B  }
0xb7: {  	_ =	sfence  }
0xb8: {  	s30 =	sld [smem:$0x0];
	_ =	sdelay $0x2  }
0xb9: {  	s31 =	sshll.u32 s1, $0xD;
	s1 =	sshrl.u32 s1, $0x2  }
0xba: {  	s3 =	sand.u32 $0x4000, s31;
	s1 =	sadd.s32 s1, s30  }
0xbb: {  	s0 =	sor.u32 s3, s0;
	s1 =	sshll.u32 s1, $0x11  }
0xbc: {  	s0 =	sor.u32 s1, s0  }
0xbd: {  	s0 =	sadd.s32 $0x8F2B, s0  }
0xbe: {  	[sflag:s0] =	ssyncadd.remote.s32 $0x1  }
0xbf: {  	_ =	sfence.sel $0xFFFF  }
0xc0: {  	[dreg:$0x0] =	wrdreg $0xFFFFFFFF;
	(pc) =	sbr.abs _section_cstart, $3  }
0xc1: {  	[dreg:$0x1] =	wrdreg $0xFFFFFFFF  }
0xc2: {  	_ =	task.clear_ibuf [dreg:s7], $0x2FFFF;
	_ =	strace $0x9FFFFFFF  }
0xc3: {  	(tm) =	ssettm $0x7FFFFFFF  }
tec
execute0_lowered:
.L_overlay_start_1:
0x0: {  	(tag) =	ssettag $0x1  }
0x1: {  	s1 =	rddreg [dreg:$0x0]  }
0x2: {  	s0 =	rddreg [dreg:$0x1]  }
0x3: {  	s3 =	rddreg [dreg:$0x2]  }
0x4: {  	s2 =	srdreg.scid;
	s8 =	stileid.u32  }
0x5: {  	s7 =	simm.s32 $0x0;
	s12 =	simm.s32 $0xD;
	s11 =	simm.s32 $0x2760  }
0x6: {  	s14 =	simm.s32 $0x4EC0;
	s15 =	simm.s32 $0x38;
	s16 =	simm.s32 $0x5CC0  }
0x7: {  	s28 =	simm.s32 $0x86C0;
	s29 =	simm.s32 $0x3;
	s17 =	simm.s32 $0x4  }
0x8: {  	s31 =	simm.s32 $0x8;
	s30 =	simm.s32 $0xA;
	s6 =	smul.u32 $0x13880, s8  }
0x9: {  	s2 =	sand.u32 $0x1, s2;
	[smem:$0x7FF] =	sst s7;
	s18 =	smul.u32 $0x4E400, s8  }
0xa: {  	s4 =	smul.u32 $0x271000, s2;
	s5 =	sshll.u32 s2, $0x4;
	s2 =	ssub.s32 $0x2, s2  }
0xb: {  	_ =	strace $0x8000004A;
	s5 =	sor.u32 s8, s5;
	s19 =	sshrl.u32 s2, $0x1  }
0xc: {  	s20 =	sshrl.u32 s18, $0x2;
	s8 =	smul.u32 $0x27100, s8;
	s22 =	sshrl.u32 s6, $0x1  }
0xd: {  	s18 =	simm.s32 $0x6AC0;
	s5 =	smul.u32 $0x4EC, s5;
	s4 =	sadd.s32 s6, s4  }
0xe: {  	s2 =	ssub.s32 s2, s19;
	s7 =	sadd.s32 s20, s3;
	s19 =	simm.s32 $0x1  }
0xf: {  	s20 =	simm.s32 $0x7;
	s6 =	simm.s32 $0x0;
	s4 =	sshrl.u32 s4, $0x4  }
0x10: {  	s23 =	sshrl.u32 s8, $0x2;
	s2 =	smax.u32 s2, $0x1;
	s5 =	sadd.s32 s5, s0  }
0x11: {  	s0 =	sadd.s32 s4, s0;
	s4 =	sadd.s32 $0x13400, s7;
	[dreg:$0x9] =	wrdreg s2  }
0x12: {  	s2 =	simm.s32 $0x9;
	s21 =	sadd.s32 $0x2A200, s5;
	[dreg:$0x6] =	wrdreg s4  }
0x13: {  	s5 =	sadd.s32 $0x20400, s5;
	s24 =	sadd.s32 $0x34000, s0;
	[dreg:$0x4] =	wrdreg s21  }
0x14: {  	s4 =	sadd.s32 s22, s3;
	s0 =	sadd.s32 $0x47880, s0;
	[dreg:$0x5] =	wrdreg s5  }
.Ltmp0:
0x15: {  	s22 =	simm.s32 $0x2;
	[dreg:$0x7] =	wrdreg s24;
	(pc) =	sbr.rel .LBB2_1-.Ltmp0, $4  }
0x16: {  	s5 =	sadd.s32 s23, s3;
	[dreg:$0x8] =	wrdreg s0;
	s21 =	simm.s32 $0x78C0  }
0x17: {  	s26 =	sshrl.u32 s4, $0x3;
	s0 =	simm.s32 $0x94C0;
	s23 =	simm.s32 $0x6  }
0x18: {  	s4 =	simm.s32 $0xB;
	s25 =	sadd.s32 $0x9C800, s5;
	[dreg:$0xa] =	wrdreg s26  }
0x19: {  	v0 =	vimm.bf16 $0.0e+00;
	s26 =	simm.s32 $0x5;
	s5 =	simm.s32 $0xC;
	s25 =	sshrl.u32 s25, $0x3  }
.LBB2_8:
0x1a: {  	_ =	swait.ge [sflag:s30], $0xE00  }
0x1b: {  	[sflag:s30] =	ssyncset.done $0x0  }
0x1c: {  	[sflag:s30] =	ssyncadd.s32 $0xFFFFF200  }
0x1d: {  	_ =	swait.ge [sflag:s4], $0xE00  }
0x1e: {  	[sflag:s4] =	ssyncset.done $0x0  }
0x1f: {  	[sflag:s4] =	ssyncadd.s32 $0xFFFFF200  }
0x20: {  	_ =	swait.ge [sflag:s5], $0xE00  }
0x21: {  	[sflag:s5] =	ssyncset.done $0x0  }
0x22: {  	[sflag:s5] =	ssyncadd.s32 $0xFFFFF200  }
0x23: {  	s8 =	stileid.u32;
	[bflag:$0x0] =	sbarrier.arrive $0xFFFF  }
0x24: {  	s8 =	sshll.u32 s8, $0x6;
	s9 =	rddreg [dreg:$0x7]  }
0x25: {  	s8 =	sor.u32 $0x1C0D, s8;
	s10 =	rddreg [dreg:$0xa]  }
0x26: {  	[hbm:s9], [sflag:s8] =	dma.local [spmem:s10], $0x1388  }
0x27: {  	_ =	swait.ge [sflag:s12], $0x1388  }
0x28: {  	[sflag:s12] =	ssyncset.done $0x0  }
0x29: {  	s13 =	rddreg [dreg:$0x8];
	[sflag:s12] =	ssyncadd.s32 $0xFFFFEC78  }
0x2a: {  	[hbm:s13], [sflag:s8] =	dma.local [spmem:s25], $0x1388  }
0x2b: {  	_ =	swait.ge [sflag:s12], $0x1388  }
0x2c: {  	s6 =	sadd.s32 $0x1, s6;
	s24 =	rddreg [dreg:$0x9]  }
0x2d: {  	p0 =	sne.s32 s6, s24  }
.Ltmp1:
0x2e: {  	_ = 	snop;
	(pc) =	sbr.rel @!p0 .LBB2_9-.Ltmp1, $3  }
0x2f: {  	_ =	sdelay $0x1  }
0x30: {  	[sflag:s12] =	ssyncset.done $0x0  }
0x31: {  	s11 =	simm.s32 $0x2760;
	[sflag:s12] =	ssyncadd.s32 $0xFFFFEC78  }
.LBB2_1:
0x32: {  	s8 =	simm.s32 $0x0;
	s9 =	rddreg [dreg:$0x4]  }
0x33: {  	[tilespmem:s8], [sflag:$0xD] =	stream.linear.gather [hbm4b:s9+s8], $0x2760, $0x38;
	[tilespmem:$0x1DBC0] =	vst v63  }
0x34: {  	_ =	swait.ge [sflag:s12], $0x2760  }
0x35: {  	[sflag:s12] =	ssyncset.done $0x0  }
0x36: {  	s24 =	rddreg [dreg:$0x5];
	[sflag:s12] =	ssyncadd.s32 $0xFFFFD8A0  }
0x37: {  	[tilespmem:s11], [sflag:$0xD] =	stream.linear.gather [hbm4b:s24+s8], $0x2760, $0x38;
	[tilespmem:$0x1DBC0] =	vst v63  }
0x38: {  	_ =	swait.ge [sflag:s12], $0x2760  }
0x39: {  	[sflag:s12] =	ssyncset.done $0x0  }
0x3a: {  	s9 =	simm.s32 $0x0;
	s8 =	simm.s32 $0x0;
	[sflag:s12] =	ssyncadd.s32 $0xFFFFD8A0  }
.LBB2_2:
0x3b: {  	p0 =	sne.s32 s9, $0x37C0  }
.Ltmp2:
0x3c: {  	_ = 	snop;
	(pc) =	sbr.rel @p0 .LBB2_2-.Ltmp2, $4  }
0x3d: {  	s13 =	sand.u32 $0x60, s8;
	s10 =	sand.u32 $0x3F00, s9  }
0x3e: {  	s10 =	sshrl.u32 s10, $0x2;
	s13 =	sshrl.u32 s13, $0x1  }
0x3f: {  	s10 =	sor.u32 s13, s10  }
0x40: {  	s8 =	sadd.s32 $0x20, s8;
	s9 =	sadd.s32 $0x40, s9;
	[tilespmem:s10+$0x4EC0] =	vst v0  }
0x41: {  	s8 =	sadd.s32 $0x0, s7  }
0x42: {  	[spmem:s8] =	stream.linear.scatter [tilespmem:s14], [sflag:$0xD], $0xE00, $0x38;
	[tilespmem:$0x1DBC0] =	vst v63  }
0x43: {  	s8 =	simm.s32 $0x3800;
	_ =	swait.ge [sflag:s12], $0xE00  }
.LBB2_4:
0x44: {  	s9 =	sshra.s32 s8, $0x2;
	[sflag:s12] =	ssyncset.done $0x0;
	p0 =	sne.s32 s8, $0x49800  }
.Ltmp3:
0x45: {  	s9 =	sadd.s32 s9, s7;
	[sflag:s12] =	ssyncadd.s32 $0xFFFFF200;
	(pc) =	sbr.rel @p0 .LBB2_4-.Ltmp3, $3  }
0x46: {  	[spmem:s9] =	stream.linear.scatter [tilespmem:s14], [sflag:$0xD], $0xE00, $0x38;
	[tilespmem:$0x1DBC0] =	vst v63  }
0x47: {  	s8 =	sadd.s32 $0x3800, s8;
	_ =	sdelay $0x1  }
0x48: {  	_ =	swait.ge [sflag:s12], $0xE00  }
0x49: {  	[sflag:s12] =	ssyncset.done $0x0  }
0x4a: {  	s8 =	rddreg [dreg:$0x6];
	[sflag:s12] =	ssyncadd.s32 $0xFFFFF200  }
0x4b: {  	[spmem:s8] =	stream.linear.scatter [tilespmem:s14], [sflag:$0xD], $0x500, $0x38;
	[tilespmem:$0x1DBC0] =	vst v63  }
0x4c: {  	_ =	swait.ge [sflag:s12], $0x500  }
0x4d: {  	[sflag:s12] =	ssyncset.done $0x0  }
0x4e: {  	[sflag:s12] =	ssyncadd.s32 $0xFFFFFB00  }
0x4f: {  	s8 =	simm.s32 $0x0;
	[bflag:$0x0] =	sbarrier.arrive $0xFFFF  }
0x50: {  	[tilespmem:s14], [sflag:$0x1] =	stream.indirect.gather [hbm4b:s1+s15], $0x40, s8, s15, $0xb8;
	[tilespmem:$0x1DBC0] =	vst v63  }
0x51: {  	_ = 	snop  }
0x52: {  	[tilespmem:s16], [sflag:$0x2] =	stream.indirect.gather [hbm4b:s1+s15], $0x40, s15, s15, $0xb8;
	[tilespmem:$0x1DBC0] =	vst v63  }
0x53: {  	s9 =	simm.s32 $0x70  }
0x54: {  	[tilespmem:s18], [sflag:$0x3] =	stream.indirect.gather [hbm4b:s1+s15], $0x40, s9, s15, $0xb8;
	[tilespmem:$0x1DBC0] =	vst v63  }
0x55: {  	_ =	swait.ge [sflag:s19], $0xE00  }
0x56: {  	[sflag:s19] =	ssyncset.done $0x0  }
0x57: {  	[sflag:s19] =	ssyncadd.s32 $0xFFFFF200  }
0x58: {  	[spmem:s3] =	stream.indirect.scatter.add.bf16 [tilespmem:s14], [sflag:$0x7], $0x40, s11, s15, $0xb8;
	[tilespmem:$0x1DBC0] =	vst v63  }
0x59: {  	s11 =	simm.s32 $0xA8  }
0x5a: {  	[tilespmem:s21], [sflag:$0x4] =	stream.indirect.gather [hbm4b:s1+s15], $0x40, s11, s15, $0xb8;
	[tilespmem:$0x1DBC0] =	vst v63  }
0x5b: {  	_ =	swait.ge [sflag:s22], $0xE00  }
0x5c: {  	[sflag:s22] =	ssyncset.done $0x0  }
0x5d: {  	s13 =	simm.s32 $0x2798;
	[sflag:s22] =	ssyncadd.s32 $0xFFFFF200  }
0x5e: {  	[spmem:s3] =	stream.indirect.scatter.add.bf16 [tilespmem:s16], [sflag:$0x8], $0x40, s13, s15, $0xb8;
	[tilespmem:$0x1DBC0] =	vst v63  }
0x5f: {  	s24 =	simm.s32 $0xE0  }
0x60: {  	[tilespmem:s28], [sflag:$0x5] =	stream.indirect.gather [hbm4b:s1+s15], $0x40, s24, s15, $0xb8;
	[tilespmem:$0x1DBC0] =	vst v63  }
0x61: {  	_ =	swait.ge [sflag:s29], $0xE00  }
0x62: {  	[sflag:s29] =	ssyncset.done $0x0  }
0x63: {  	s10 =	simm.s32 $0x27D0;
	[sflag:s29] =	ssyncadd.s32 $0xFFFFF200  }
0x64: {  	[spmem:s3] =	stream.indirect.scatter.add.bf16 [tilespmem:s18], [sflag:$0x9], $0x40, s10, s15, $0xb8;
	[tilespmem:$0x1DBC0] =	vst v63  }
0x65: {  	s11 =	simm.s32 $0x118  }
0x66: {  	[tilespmem:s0], [sflag:$0x6] =	stream.indirect.gather [hbm4b:s1+s15], $0x40, s11, s15, $0xb8;
	[tilespmem:$0x1DBC0] =	vst v63  }
0x67: {  	_ =	swait.ge [sflag:s17], $0xE00  }
0x68: {  	[sflag:s17] =	ssyncset.done $0x0  }
0x69: {  	s13 =	simm.s32 $0x2808;
	[sflag:s17] =	ssyncadd.s32 $0xFFFFF200  }
0x6a: {  	[spmem:s3] =	stream.indirect.scatter.add.bf16 [tilespmem:s21], [sflag:$0xA], $0x40, s13, s15, $0xb8;
	[tilespmem:$0x1DBC0] =	vst v63  }
0x6b: {  	_ =	swait.ge [sflag:s20], $0xE00  }
0x6c: {  	[sflag:s20] =	ssyncset.done $0x0  }
0x6d: {  	s24 =	simm.s32 $0x150;
	[sflag:s20] =	ssyncadd.s32 $0xFFFFF200  }
0x6e: {  	[tilespmem:s14], [sflag:$0x1] =	stream.indirect.gather [hbm4b:s1+s15], $0x40, s24, s15, $0xb8;
	[tilespmem:$0x1DBC0] =	vst v63  }
0x6f: {  	_ =	swait.ge [sflag:s26], $0xE00  }
0x70: {  	[sflag:s26] =	ssyncset.done $0x0  }
0x71: {  	s10 =	simm.s32 $0x2840;
	[sflag:s26] =	ssyncadd.s32 $0xFFFFF200  }
0x72: {  	[spmem:s3] =	stream.indirect.scatter.add.bf16 [tilespmem:s28], [sflag:$0xB], $0x40, s10, s15, $0xb8;
	[tilespmem:$0x1DBC0] =	vst v63  }
0x73: {  	_ =	swait.ge [sflag:s31], $0xE00  }
0x74: {  	[sflag:s31] =	ssyncset.done $0x0  }
0x75: {  	s11 =	simm.s32 $0x188;
	[sflag:s31] =	ssyncadd.s32 $0xFFFFF200  }
0x76: {  	[tilespmem:s16], [sflag:$0x2] =	stream.indirect.gather [hbm4b:s1+s15], $0x40, s11, s15, $0xb8;
	[tilespmem:$0x1DBC0] =	vst v63  }
0x77: {  	_ =	swait.ge [sflag:s23], $0xE00  }
0x78: {  	[sflag:s23] =	ssyncset.done $0x0  }
0x79: {  	s13 =	simm.s32 $0x2878;
	[sflag:s23] =	ssyncadd.s32 $0xFFFFF200  }
0x7a: {  	[spmem:s3] =	stream.indirect.scatter.add.bf16 [tilespmem:s0], [sflag:$0xC], $0x40, s13, s15, $0xb8;
	[tilespmem:$0x1DBC0] =	vst v63  }
0x7b: {  	_ =	swait.ge [sflag:s2], $0xE00  }
0x7c: {  	[sflag:s2] =	ssyncset.done $0x0  }
0x7d: {  	s24 =	simm.s32 $0x1C0;
	[sflag:s2] =	ssyncadd.s32 $0xFFFFF200  }
0x7e: {  	[tilespmem:s18], [sflag:$0x3] =	stream.indirect.gather [hbm4b:s1+s15], $0x40, s24, s15, $0xb8;
	[tilespmem:$0x1DBC0] =	vst v63  }
.LBB2_6:
0x7f: {  	_ =	swait.ge [sflag:s19], $0xE00  }
0x80: {  	s9 =	sshra.s32 s8, $0x2;
	[sflag:s19] =	ssyncset.done $0x0  }
0x81: {  	s10 =	sadd.s32 $0x28B0, s9;
	[sflag:s19] =	ssyncadd.s32 $0xFFFFF200  }
0x82: {  	[spmem:s3] =	stream.indirect.scatter.add.bf16 [tilespmem:s14], [sflag:$0x7], $0x40, s10, s15, $0xb8;
	[tilespmem:$0x1DBC0] =	vst v63  }
0x83: {  	_ =	swait.ge [sflag:s30], $0xE00  }
0x84: {  	[sflag:s30] =	ssyncset.done $0x0  }
0x85: {  	s24 =	sadd.s32 $0x1F8, s9;
	[sflag:s30] =	ssyncadd.s32 $0xFFFFF200  }
0x86: {  	[tilespmem:s21], [sflag:$0x4] =	stream.indirect.gather [hbm4b:s1+s15], $0x40, s24, s15, $0xb8;
	[tilespmem:$0x1DBC0] =	vst v63  }
0x87: {  	_ =	swait.ge [sflag:s22], $0xE00  }
0x88: {  	[sflag:s22] =	ssyncset.done $0x0  }
0x89: {  	s11 =	sadd.s32 $0x28E8, s9;
	[sflag:s22] =	ssyncadd.s32 $0xFFFFF200  }
0x8a: {  	[spmem:s3] =	stream.indirect.scatter.add.bf16 [tilespmem:s16], [sflag:$0x8], $0x40, s11, s15, $0xb8;
	[tilespmem:$0x1DBC0] =	vst v63  }
0x8b: {  	_ =	swait.ge [sflag:s4], $0xE00  }
0x8c: {  	[sflag:s4] =	ssyncset.done $0x0  }
0x8d: {  	s13 =	sadd.s32 $0x230, s9;
	[sflag:s4] =	ssyncadd.s32 $0xFFFFF200  }
0x8e: {  	[tilespmem:s28], [sflag:$0x5] =	stream.indirect.gather [hbm4b:s1+s15], $0x40, s13, s15, $0xb8;
	[tilespmem:$0x1DBC0] =	vst v63  }
0x8f: {  	_ =	swait.ge [sflag:s29], $0xE00  }
0x90: {  	[sflag:s29] =	ssyncset.done $0x0  }
0x91: {  	s24 =	sadd.s32 $0x2920, s9;
	[sflag:s29] =	ssyncadd.s32 $0xFFFFF200  }
0x92: {  	[spmem:s3] =	stream.indirect.scatter.add.bf16 [tilespmem:s18], [sflag:$0x9], $0x40, s24, s15, $0xb8;
	[tilespmem:$0x1DBC0] =	vst v63  }
0x93: {  	_ =	swait.ge [sflag:s5], $0xE00  }
0x94: {  	[sflag:s5] =	ssyncset.done $0x0  }
0x95: {  	s11 =	sadd.s32 $0x268, s9;
	[sflag:s5] =	ssyncadd.s32 $0xFFFFF200  }
0x96: {  	[tilespmem:s0], [sflag:$0x6] =	stream.indirect.gather [hbm4b:s1+s15], $0x40, s11, s15, $0xb8;
	[tilespmem:$0x1DBC0] =	vst v63  }
0x97: {  	_ =	swait.ge [sflag:s17], $0xE00  }
0x98: {  	[sflag:s17] =	ssyncset.done $0x0  }
0x99: {  	s13 =	sadd.s32 $0x2958, s9;
	[sflag:s17] =	ssyncadd.s32 $0xFFFFF200  }
0x9a: {  	[spmem:s3] =	stream.indirect.scatter.add.bf16 [tilespmem:s21], [sflag:$0xA], $0x40, s13, s15, $0xb8;
	[tilespmem:$0x1DBC0] =	vst v63  }
0x9b: {  	_ =	swait.ge [sflag:s20], $0xE00  }
0x9c: {  	p0 =	seq.s32 s8, $0x9300;
	[sflag:s20] =	ssyncset.done $0x0  }
0x9d: {  	s10 =	simm.s32 @p0 $0x5;
	[sflag:s20] =	ssyncadd.s32 $0xFFFFF200  }
0x9e: {  	_ =	swait.ge @p0 [sflag:s10], $0xE00  }
0x9f: {  	[sflag:s10] =	ssyncset.done @p0 $0x0  }
0xa0: {  	[sflag:s10] =	ssyncadd.s32 @p0 $0xFFFFF200;
	s10 =	sshra.s32 @p0 s8, $0x2  }
0xa1: {  	s11 =	simm.s32 @p0 $0x86C0;
	s13 =	simm.s32 @p0 $0x38;
	s10 =	sadd.s32 @p0 $0x2990, s10  }
0xa2: {  	[spmem:s3] =	stream.indirect.scatter.add.bf16 @p0 [tilespmem:s11], [sflag:$0xB], $0x40, s10, s13, $0xb8;
	[tilespmem:$0x1DBC0] =	vst v63  }
0xa3: {  	s10 =	simm.s32 @p0 $0x8  }
0xa4: {  	_ =	swait.ge @p0 [sflag:s10], $0xE00  }
0xa5: {  	[sflag:s10] =	ssyncset.done @p0 $0x0  }
0xa6: {  	[sflag:s10] =	ssyncadd.s32 @p0 $0xFFFFF200;
	s10 =	sshra.s32 @!p0 s8, $0x2  }
0xa7: {  	s24 =	simm.s32 @!p0 $0x4EC0;
	s13 =	simm.s32 @!p0 $0x38;
	s11 =	sadd.s32 @!p0 $0x2A0, s10  }
0xa8: {  	[tilespmem:s24], [sflag:$0x1] =	stream.indirect.gather @!p0 [hbm4b:s1+s13], $0x40, s11, s13, $0xb8;
	[tilespmem:$0x1DBC0] =	vst v63  }
0xa9: {  	s11 =	simm.s32 @!p0 $0x5  }
0xaa: {  	_ =	swait.ge @!p0 [sflag:s11], $0xE00  }
0xab: {  	[sflag:s11] =	ssyncset.done @!p0 $0x0  }
0xac: {  	s24 =	simm.s32 @!p0 $0x86C0;
	[sflag:s11] =	ssyncadd.s32 @!p0 $0xFFFFF200;
	s11 =	sadd.s32 @!p0 $0x2990, s10  }
0xad: {  	[spmem:s3] =	stream.indirect.scatter.add.bf16 @!p0 [tilespmem:s24], [sflag:$0xB], $0x40, s11, s13, $0xb8;
	[tilespmem:$0x1DBC0] =	vst v63  }
0xae: {  	s11 =	simm.s32 @!p0 $0x8  }
0xaf: {  	_ =	swait.ge @!p0 [sflag:s11], $0xE00  }
0xb0: {  	[sflag:s11] =	ssyncset.done @!p0 $0x0  }
0xb1: {  	s10 =	sadd.s32 @!p0 $0x2D8, s10;
	[sflag:s11] =	ssyncadd.s32 @!p0 $0xFFFFF200;
	s11 =	simm.s32 @!p0 $0x5CC0  }
0xb2: {  	[tilespmem:s11], [sflag:$0x2] =	stream.indirect.gather @!p0 [hbm4b:s1+s13], $0x40, s10, s13, $0xb8;
	[tilespmem:$0x1DBC0] =	vst v63  }
0xb3: {  	_ =	swait.ge [sflag:s23], $0xE00  }
0xb4: {  	[sflag:s23] =	ssyncset.done $0x0  }
.Ltmp4:
0xb5: {  	s24 =	sadd.s32 $0x29C8, s9;
	[sflag:s23] =	ssyncadd.s32 $0xFFFFF200;
	(pc) =	sbr.rel @p0 .LBB2_8-.Ltmp4, $4  }
0xb6: {  	[spmem:s3] =	stream.indirect.scatter.add.bf16 [tilespmem:s0], [sflag:$0xC], $0x40, s24, s15, $0xb8;
	[tilespmem:$0x1DBC0] =	vst v63  }
0xb7: {  	_ =	swait.ge [sflag:s2], $0xE00  }
0xb8: {  	[sflag:s2] =	ssyncset.done $0x0  }
0xb9: {  	[sflag:s2] =	ssyncadd.s32 $0xFFFFF200  }
.Ltmp5:
0xba: {  	(pc) =	sbr.rel .LBB2_6-.Ltmp5, $3  }
0xbb: {  	_ =	sdelay $0x1  }
0xbc: {  	s9 =	sadd.s32 $0x310, s9;
	s8 =	sadd.s32 $0x540, s8  }
0xbd: {  	[tilespmem:s18], [sflag:$0x3] =	stream.indirect.gather [hbm4b:s1+s15], $0x40, s9, s15, $0xb8;
	[tilespmem:$0x1DBC0] =	vst v63  }
.LBB2_9:
0xbe: {  	_ =	sfence.sel $0x180000  }
0xbf: {  	[bflag:$0x0] =	sbarrier.arrive $0xFFFF  }
0xc0: {  	_ =	strace $0x9000004A  }
0xc1: {  	s0 =	stileid.u32;
	[bflag:$0x2] =	sbarrier.arrive $0xFFFF  }
0xc2: {  	p0 =	sne.s32 s0, $0x0;
	s0 =	rddreg [dreg:$0x3]  }
0xc3: {  	s0 =	sadd.s32 @!p0 $0x100000, s0  }
0xc4: {  	[sflag:s0] =	ssyncadd.tile.s32 @!p0 $0x1;
	_ =	shalt  }
.Lfunc_end2:
_tile_overlayer_lowered:
.L_overlay_start_2:
0xc5: {  	(tag) =	ssettag $0x2  }
0xc6: {  	s0 =	rddreg [dreg:$0x0];
	s2 =	stileid.u32  }
0xc7: {  	s1 =	rddreg [dreg:$0x1];
	p0 =	sne.s32 s2, $0x0  }
0xc8: {  	s3 =	rddreg [dreg:$0x2];
	[bflag:$0x3] =	sbarrier.arrive $0xFFFF;
	s2 =	simm.s32 @!p0 $0x1C0D  }
0xc9: {  	[timem:s3], [sflag:s2] =	dma.local @!p0 [hbm:s0], s1  }
0xca: {  	s0 =	simm.s32 @!p0 $0xD  }
0xcb: {  	_ =	swait.ge @!p0 [sflag:s0], s1  }
0xcc: {  	s1 =	ssub.s32 @!p0 $0x0, s1;
	[sflag:s0] =	ssyncset.done @!p0 $0x0  }
0xcd: {  	[sflag:s0] =	ssyncadd.s32 @!p0 s1  }
0xce: {  	[bflag:$0x3] =	sbarrier.arrive $0xFFFF  }
0xcf: {  	_ =	shalt  }

// kernel: kernel.15.cloned.1.call-start
scs
__scs_entry_jumppad:
0x0: {  	(pc) =	sbr.rel $0x88, $3  }
0x1: {  	(tag) =	ssettag $0x0;
	lr =	simm.s32 $0x1  }
0x2: {  	[smem:$0x3F99] =	sst lr;
	_ =	strace $0xD0000000  }
0x3: {  	_ = 	snop  }
0x4: {  	_ = 	snop  }
0x5: {  	_ = 	snop  }
0x6: {  	_ = 	snop  }
0x7: {  	_ = 	snop  }
__scs_overlays_trampoline_lowered:
0x8: {  	[smem:$0x3FA8] =	sst s0  }
0x9: {  	[smem:$0x3FA9] =	sst s1  }
0xa: {  	[smem:$0x3FAA] =	sst s2  }
0xb: {  	[smem:$0x3FAB] =	sst s3  }
0xc: {  	[smem:$0x3FAC] =	sst s4  }
0xd: {  	[smem:$0x3FAD] =	sst s5  }
0xe: {  	[smem:$0x3FAE] =	sst s6  }
0xf: {  	[smem:$0x3FAF] =	sst s7  }
0x10: {  	[smem:$0x3FB0] =	sst s8  }
0x11: {  	[smem:$0x3FB1] =	sst s9;
	s0 =	simm.s32 @!p0 $0x0  }
0x12: {  	s1 =	sld [smem:$0x3F97];
	s0 =	simm.s32 @p0 $0x1  }
0x13: {  	[smem:$0x3FB2] =	sst s0;
	s0 =	simm.s32 @!p1 $0x0  }
0x14: {  	s2 =	sld [smem:$0x3F96];
	s0 =	simm.s32 @p1 $0x1  }
0x15: {  	[smem:$0x3FB3] =	sst s0;
	s0 =	simm.s32 @!p2 $0x0  }
0x16: {  	s3 =	sld [smem:$0x3FDB];
	s0 =	simm.s32 @p2 $0x1  }
0x17: {  	s4 =	simm.s32 $0x1BF5;
	[smem:$0x3FB5] =	sst s0  }
0x18: {  	s0 =	sld [smem:$0x3F98];
	_ =	swait.ge [sflag:s4], $0x0  }
0x19: {  	s7 =	sld [smem:$0x3F99]  }
0x1a: {  	s8 =	sadd.s32 $0xFFFFE003, lr  }
0x1b: {  	s9 =	sadd.s32 $0xFFFFFEF7, lr;
	s5 =	simm.s32 $0xFFFFFFFF;
	p2 =	slt.u32 s8, $0xFFFFF086  }
0x1c: {  	p1 =	slt.u32 s9, $0xF7A;
	s5 =	simm.s32 @!p2 $0x0  }
0x1d: {  	s5 =	simm.s32 @p1 $0x1;
	p0 =	seq.s32 s7, s2  }
0x1e: {  	s7 =	smul.u32 @!p0 $0xF7A, s2;
	p2 =	seq.s32 @!p0 s5, $0x0  }
0x1f: {  	s9 =	smul.u32 $0xF7A, s1;
	s8 =	simm.s32 @!p0 $0x1BF5;
	p2 =	por !p2, p0  }
0x20: {  	[sflag:s8] =	ssyncset.s32 @!p0 $0xFFFFF086;
	s6 =	sadd.s32 @!p0 s3, s7;
	s7 =	simm.s32 @!p0 $0x108  }
0x21: {  	s3 =	sadd.s32 s3, s9;
	s6 =	sadd.s32 @!p0 $0x88, s6;
	s7 =	simm.s32 @p2 $0x1082  }
0x22: {  	[simem:s7], [sflag:s8] =	dma.local @!p0 [hbm:s6], $0xF7A  }
0x23: {  	s9 =	sor.u32 $0xD0000000, s2;
	s6 =	simm.s32 $0x108;
	_ =	swait.ge @!p0 [sflag:s8], $0x0  }
0x24: {  	s3 =	sadd.s32 $0x88, s3;
	s6 =	simm.s32 @!p1 $0x1082;
	[sflag:s4] =	ssyncset.s32 $0xFFFFF086  }
0x25: {  	[simem:s6], [sflag:s4] =	dma.local [hbm:s3], $0xF7A  }
0x26: {  	[smem:$0x3F99] =	sst s1;
	(tag) =	ssettag s2;
	_ =	strace s9  }
0x27: {  	s1 =	sld [smem:$0x3FA9]  }
0x28: {  	s2 =	sld [smem:$0x3FAA]  }
0x29: {  	s4 =	sld [smem:$0x3FAC]  }
0x2a: {  	p0 =	seq.s32 s5, $0x0;
	s5 =	sld [smem:$0x3FAD]  }
0x2b: {  	s6 =	sld [smem:$0x3FAE]  }
0x2c: {  	s7 =	sld [smem:$0x3FAF]  }
0x2d: {  	s3 =	simm.s32 $0x108;
	s8 =	sld [smem:$0x3FB0]  }
0x2e: {  	s3 =	simm.s32 @!p0 $0x1082;
	s9 =	sld [smem:$0x3FB1]  }
0x2f: {  	lr =	sadd.s32 s0, s3;
	s0 =	sld [smem:$0x3FA8]  }
0x30: {  	s3 =	sld [smem:$0x3FAB]  }
0x31: {  	[smem:$0x3FB4] =	sst s10  }
0x32: {  	s10 =	sld [smem:$0x3FB2];
	_ =	sdelay $0x3  }
0x33: {  	p0 =	seq.s32 s10, $0x1;
	s10 =	sld [smem:$0x3FB4];
	_ =	sdelay $0x3  }
0x34: {  	[smem:$0x3FB4] =	sst s10  }
0x35: {  	s10 =	sld [smem:$0x3FB3];
	_ =	sdelay $0x3  }
0x36: {  	p1 =	seq.s32 s10, $0x1;
	s10 =	sld [smem:$0x3FB4];
	_ =	sdelay $0x3  }
0x37: {  	[smem:$0x3FB4] =	sst s10  }
0x38: {  	s10 =	sld [smem:$0x3FB5]  }
0x39: {  	_ = 	snop;
	(pc) =	sbr.ind lr, $3  }
0x3a: {  	_ = 	snop  }
0x3b: {  	_ = 	snop  }
0x3c: {  	p2 =	seq.s32 s10, $0x1;
	s10 =	sld [smem:$0x3FB4]  }
0x3d: {  	_ =	shalt  }
0x3e: {  	_ =	shalt  }
0x3f: {  	_ =	shalt  }
0x40: {  	_ =	shalt  }
0x41: {  	_ =	shalt  }
0x42: {  	_ =	shalt  }
0x43: {  	_ =	shalt  }
0x44: {  	_ =	shalt  }
0x45: {  	_ =	shalt  }
0x46: {  	_ =	shalt  }
0x47: {  	_ =	shalt  }
0x48: {  	_ =	shalt  }
0x49: {  	_ =	shalt  }
0x4a: {  	_ =	shalt  }
0x4b: {  	_ =	shalt  }
0x4c: {  	_ =	shalt  }
0x4d: {  	_ =	shalt  }
0x4e: {  	_ =	shalt  }
0x4f: {  	_ =	shalt  }
0x50: {  	_ =	shalt  }
0x51: {  	_ =	shalt  }
0x52: {  	_ =	shalt  }
0x53: {  	_ =	shalt  }
0x54: {  	_ =	shalt  }
0x55: {  	_ =	shalt  }
0x56: {  	_ =	shalt  }
0x57: {  	_ =	shalt  }
0x58: {  	_ =	shalt  }
0x59: {  	_ =	shalt  }
0x5a: {  	_ =	shalt  }
0x5b: {  	_ =	shalt  }
0x5c: {  	_ =	shalt  }
0x5d: {  	_ =	shalt  }
0x5e: {  	_ =	shalt  }
0x5f: {  	_ =	shalt  }
0x60: {  	_ =	shalt  }
0x61: {  	_ =	shalt  }
0x62: {  	_ =	shalt  }
0x63: {  	_ =	shalt  }
0x64: {  	_ =	shalt  }
0x65: {  	_ =	shalt  }
0x66: {  	_ =	shalt  }
0x67: {  	_ =	shalt  }
0x68: {  	_ =	shalt  }
0x69: {  	_ =	shalt  }
0x6a: {  	_ =	shalt  }
0x6b: {  	_ =	shalt  }
0x6c: {  	_ =	shalt  }
0x6d: {  	_ =	shalt  }
0x6e: {  	_ =	shalt  }
0x6f: {  	_ =	shalt  }
0x70: {  	_ =	shalt  }
0x71: {  	_ =	shalt  }
0x72: {  	_ =	shalt  }
0x73: {  	_ =	shalt  }
0x74: {  	_ =	shalt  }
0x75: {  	_ =	shalt  }
0x76: {  	_ =	shalt  }
0x77: {  	_ =	shalt  }
0x78: {  	_ =	shalt  }
0x79: {  	_ =	shalt  }
0x7a: {  	_ =	shalt  }
0x7b: {  	_ =	shalt  }
0x7c: {  	_ =	shalt  }
0x7d: {  	_ =	shalt  }
0x7e: {  	_ =	shalt  }
0x7f: {  	_ =	shalt  }
0x80: {  	_ =	shalt  }
0x81: {  	_ =	shalt  }
0x82: {  	_ =	shalt  }
0x83: {  	_ =	shalt  }
0x84: {  	_ =	shalt  }
0x85: {  	_ =	shalt  }
0x86: {  	_ =	shalt  }
0x87: {  	_ =	shalt  }
.Lfunc_end0:
.L_simem_size_0:
called_computation.2_lowered:
.L_overlay_start_0:
0x88: {  	s2 =	sld [smem:$0x3FD9]  }
0x89: {  	s3 =	sld [smem:$0x3FFE];
	_ =	sdelay $0x1  }
0x8a: {  	s1 =	srdreg.scid  }
0x8b: {  	s0 =	sand.u32 $0x1, s1  }
0x8c: {  	s17 =	sshll.u32 s0, $0xA;
	s2 =	sadd.s32 s3, s2  }
0x8d: {  	s2 =	sadd.s32 s2, s17  }
0x8e: {  	[smem:$0x3FC0] =	sst s2  }
0x8f: {  	_ = 	snop  }
0x90: {  	s2 =	sld [smem:$0x3FD0];
	(tm) =	ssettm $0x1  }
0x91: {  	s18 =	sld [smem:$0x3FFB];
	_ =	sdelay $0x3  }
0x92: {  	_ =	strace s18  }
0x93: {  	s3 =	sld [smem:$0x3FFC];
	_ =	sdelay $0x3  }
0x94: {  	_ =	strace s3  }
0x95: {  	s3 =	sld [smem:$0x3FFD];
	_ =	sdelay $0x3  }
0x96: {  	_ =	strace s3  }
0x97: {  	_ =	strace $0x8FFFFFFF  }
0x98: {  	s19 =	sld [smem:$0x3FDB];
	_ =	sdelay $0x1  }
0x99: {  	s4 =	simm.s32 $_scs_section_size  }
0x9a: {  	s5 =	simm.s32 $_size__tile_overlayer_lowered;
	s6 =	simm.s32 $_tile_overlayer_lowered  }
0x9b: {  	s22 =	simm.s32 $0x1BFF;
	s21 =	sshll.u32 s6, $0x1;
	s3 =	sadd.s32 s4, s19  }
0x9c: {  	s7 =	simm.s32 $0x0;
	s20 =	sshll.u32 s5, $0x1;
	s5 =	sadd.s32 s21, s3  }
0x9d: {  	[timem:s7], [sflag:s22] =	dma.local [hbm:s5], s20  }
0x9e: {  	_ =	swait.ge [sflag:s22], s20  }
0x9f: {  	s4 =	ssub.s32 $0x0, s20;
	[sflag:s22] =	ssyncset.done $0x0  }
0xa0: {  	[sflag:s22] =	ssyncadd.s32 s4;
	_ =	sdelay $0x1  }
0xa1: {  	s23 =	simm.s32 $0x1B8B  }
0xa2: {  	_ =	swait.ge [sflag:s23], $0x1  }
0xa3: {  	[sflag:s23] =	ssyncset.done $0x0  }
0xa4: {  	s25 =	simm.s32 $0x1B8E;
	s24 =	sld [smem:$0x3FFE];
	[sflag:s23] =	ssyncadd.s32 $0xFFFFFFFF  }
0xa5: {  	s26 =	simm.s32 $execute0_lowered;
	[smem:$0x3FD2] =	sst s25  }
0xa6: {  	s5 =	sshll.u32 s26, $0x1;
	_ =	strace $0x8000004C;
	[dreg:$0x1] =	wrdreg $0xFFFFFFFF  }
0xa7: {  	s28 =	simm.s32 $_size_execute0_lowered;
	s3 =	sadd.s32 s3, s5;
	[dreg:$0x0] =	wrdreg $0x0  }
0xa8: {  	s5 =	sshll.u32 s28, $0x1;
	[dreg:$0x2] =	wrdreg s3  }
0xa9: {  	[dreg:$0x3] =	wrdreg s5  }
0xaa: {  	[dreg:$0x4] =	wrdreg $0xC0  }
0xab: {  	_ =	task [dreg:s7], $0x5FFFF  }
0xac: {  	[dreg:$0x1] =	wrdreg $0xFFFFFFFF  }
0xad: {  	[dreg:$0x0] =	wrdreg $0x60  }
0xae: {  	[dreg:$0x2] =	wrdreg s2  }
0xaf: {  	[dreg:$0x3] =	wrdreg s24  }
0xb0: {  	[dreg:$0x4] =	wrdreg $0xA2C00  }
0xb1: {  	[dreg:$0x5] =	wrdreg $0x9  }
0xb2: {  	_ =	task.clear_ibuf [dreg:s7], $0x6FFFF;
	_ =	strace $0x9000004C  }
0xb3: {  	s29 =	simm.s32 $0x9;
	_ =	strace $0x8000004E  }
0xb4: {  	_ =	swait.ge [sflag:s29], $0x1  }
0xb5: {  	[sflag:s29] =	ssyncadd.s32 $0xFFFFFFFF  }
0xb6: {  	_ =	strace $0x9000004E  }
0xb7: {  	_ =	sfence  }
0xb8: {  	s30 =	sld [smem:$0x0];
	_ =	sdelay $0x2  }
0xb9: {  	s31 =	sshll.u32 s1, $0xD;
	s1 =	sshrl.u32 s1, $0x2  }
0xba: {  	s3 =	sand.u32 $0x4000, s31;
	s1 =	sadd.s32 s1, s30  }
0xbb: {  	s0 =	sor.u32 s3, s0;
	s1 =	sshll.u32 s1, $0x11  }
0xbc: {  	s0 =	sor.u32 s1, s0  }
0xbd: {  	s0 =	sadd.s32 $0x8F2B, s0  }
0xbe: {  	[sflag:s0] =	ssyncadd.remote.s32 $0x1  }
0xbf: {  	_ =	sfence.sel $0xFFFF  }
0xc0: {  	[dreg:$0x0] =	wrdreg $0xFFFFFFFF;
	(pc) =	sbr.abs _section_cstart, $3  }
0xc1: {  	[dreg:$0x1] =	wrdreg $0xFFFFFFFF  }
0xc2: {  	_ =	task.clear_ibuf [dreg:s7], $0x2FFFF;
	_ =	strace $0x9FFFFFFF  }
0xc3: {  	(tm) =	ssettm $0x7FFFFFFF  }
tec
execute0_lowered:
.L_overlay_start_1:
0x0: {  	(tag) =	ssettag $0x1  }
0x1: {  	s1 =	rddreg [dreg:$0x0]  }
0x2: {  	s0 =	rddreg [dreg:$0x1]  }
0x3: {  	s3 =	rddreg [dreg:$0x2]  }
0x4: {  	s2 =	srdreg.scid;
	s8 =	stileid.u32  }
0x5: {  	s7 =	simm.s32 $0x0;
	s12 =	simm.s32 $0xD;
	s11 =	simm.s32 $0x2760  }
0x6: {  	s14 =	simm.s32 $0x4EC0;
	s15 =	simm.s32 $0x38;
	s16 =	simm.s32 $0x5CC0  }
0x7: {  	s28 =	simm.s32 $0x86C0;
	s29 =	simm.s32 $0x3;
	s17 =	simm.s32 $0x4  }
0x8: {  	s31 =	simm.s32 $0x8;
	s30 =	simm.s32 $0xA;
	s6 =	smul.u32 $0x13880, s8  }
0x9: {  	s2 =	sand.u32 $0x1, s2;
	[smem:$0x7FF] =	sst s7;
	s18 =	smul.u32 $0x4E400, s8  }
0xa: {  	s4 =	smul.u32 $0x271000, s2;
	s5 =	sshll.u32 s2, $0x4;
	s2 =	ssub.s32 $0x2, s2  }
0xb: {  	_ =	strace $0x8000004D;
	s5 =	sor.u32 s8, s5;
	s19 =	sshrl.u32 s2, $0x1  }
0xc: {  	s20 =	sshrl.u32 s18, $0x2;
	s8 =	smul.u32 $0x27100, s8;
	s22 =	sshrl.u32 s6, $0x1  }
0xd: {  	s18 =	simm.s32 $0x6AC0;
	s5 =	smul.u32 $0x4EC, s5;
	s4 =	sadd.s32 s6, s4  }
0xe: {  	s2 =	ssub.s32 s2, s19;
	s7 =	sadd.s32 s20, s3;
	s19 =	simm.s32 $0x1  }
0xf: {  	s20 =	simm.s32 $0x7;
	s6 =	simm.s32 $0x0;
	s4 =	sshrl.u32 s4, $0x4  }
0x10: {  	s23 =	sshrl.u32 s8, $0x2;
	s2 =	smax.u32 s2, $0x1;
	s5 =	sadd.s32 s5, s0  }
0x11: {  	s0 =	sadd.s32 s4, s0;
	s4 =	sadd.s32 $0x13400, s7;
	[dreg:$0x9] =	wrdreg s2  }
0x12: {  	s2 =	simm.s32 $0x9;
	s21 =	sadd.s32 $0x2A200, s5;
	[dreg:$0x6] =	wrdreg s4  }
0x13: {  	s5 =	sadd.s32 $0x20400, s5;
	s24 =	sadd.s32 $0x34000, s0;
	[dreg:$0x4] =	wrdreg s21  }
0x14: {  	s4 =	sadd.s32 s22, s3;
	s0 =	sadd.s32 $0x47880, s0;
	[dreg:$0x5] =	wrdreg s5  }
.Ltmp0:
0x15: {  	s22 =	simm.s32 $0x2;
	[dreg:$0x7] =	wrdreg s24;
	(pc) =	sbr.rel .LBB2_1-.Ltmp0, $4  }
0x16: {  	s5 =	sadd.s32 s23, s3;
	[dreg:$0x8] =	wrdreg s0;
	s21 =	simm.s32 $0x78C0  }
0x17: {  	s26 =	sshrl.u32 s4, $0x3;
	s0 =	simm.s32 $0x94C0;
	s23 =	simm.s32 $0x6  }
0x18: {  	s4 =	simm.s32 $0xB;
	s25 =	sadd.s32 $0x9C800, s5;
	[dreg:$0xa] =	wrdreg s26  }
0x19: {  	v0 =	vimm.bf16 $0.0e+00;
	s26 =	simm.s32 $0x5;
	s5 =	simm.s32 $0xC;
	s25 =	sshrl.u32 s25, $0x3  }
.LBB2_8:
0x1a: {  	_ =	swait.ge [sflag:s30], $0xE00  }
0x1b: {  	[sflag:s30] =	ssyncset.done $0x0  }
0x1c: {  	[sflag:s30] =	ssyncadd.s32 $0xFFFFF200  }
0x1d: {  	_ =	swait.ge [sflag:s4], $0xE00  }
0x1e: {  	[sflag:s4] =	ssyncset.done $0x0  }
0x1f: {  	[sflag:s4] =	ssyncadd.s32 $0xFFFFF200  }
0x20: {  	_ =	swait.ge [sflag:s5], $0xE00  }
0x21: {  	[sflag:s5] =	ssyncset.done $0x0  }
0x22: {  	[sflag:s5] =	ssyncadd.s32 $0xFFFFF200  }
0x23: {  	s8 =	stileid.u32;
	[bflag:$0x0] =	sbarrier.arrive $0xFFFF  }
0x24: {  	s8 =	sshll.u32 s8, $0x6;
	s9 =	rddreg [dreg:$0x7]  }
0x25: {  	s8 =	sor.u32 $0x1C0D, s8;
	s10 =	rddreg [dreg:$0xa]  }
0x26: {  	[hbm:s9], [sflag:s8] =	dma.local [spmem:s10], $0x1388  }
0x27: {  	_ =	swait.ge [sflag:s12], $0x1388  }
0x28: {  	[sflag:s12] =	ssyncset.done $0x0  }
0x29: {  	s13 =	rddreg [dreg:$0x8];
	[sflag:s12] =	ssyncadd.s32 $0xFFFFEC78  }
0x2a: {  	[hbm:s13], [sflag:s8] =	dma.local [spmem:s25], $0x1388  }
0x2b: {  	_ =	swait.ge [sflag:s12], $0x1388  }
0x2c: {  	s6 =	sadd.s32 $0x1, s6;
	s24 =	rddreg [dreg:$0x9]  }
0x2d: {  	p0 =	sne.s32 s6, s24  }
.Ltmp1:
0x2e: {  	_ = 	snop;
	(pc) =	sbr.rel @!p0 .LBB2_9-.Ltmp1, $3  }
0x2f: {  	_ =	sdelay $0x1  }
0x30: {  	[sflag:s12] =	ssyncset.done $0x0  }
0x31: {  	s11 =	simm.s32 $0x2760;
	[sflag:s12] =	ssyncadd.s32 $0xFFFFEC78  }
.LBB2_1:
0x32: {  	s8 =	simm.s32 $0x0;
	s9 =	rddreg [dreg:$0x4]  }
0x33: {  	[tilespmem:s8], [sflag:$0xD] =	stream.linear.gather [hbm4b:s9+s8], $0x2760, $0x38;
	[tilespmem:$0x1DBC0] =	vst v63  }
0x34: {  	_ =	swait.ge [sflag:s12], $0x2760  }
0x35: {  	[sflag:s12] =	ssyncset.done $0x0  }
0x36: {  	s24 =	rddreg [dreg:$0x5];
	[sflag:s12] =	ssyncadd.s32 $0xFFFFD8A0  }
0x37: {  	[tilespmem:s11], [sflag:$0xD] =	stream.linear.gather [hbm4b:s24+s8], $0x2760, $0x38;
	[tilespmem:$0x1DBC0] =	vst v63  }
0x38: {  	_ =	swait.ge [sflag:s12], $0x2760  }
0x39: {  	[sflag:s12] =	ssyncset.done $0x0  }
0x3a: {  	s9 =	simm.s32 $0x0;
	s8 =	simm.s32 $0x0;
	[sflag:s12] =	ssyncadd.s32 $0xFFFFD8A0  }
.LBB2_2:
0x3b: {  	p0 =	sne.s32 s9, $0x37C0  }
.Ltmp2:
0x3c: {  	_ = 	snop;
	(pc) =	sbr.rel @p0 .LBB2_2-.Ltmp2, $4  }
0x3d: {  	s13 =	sand.u32 $0x60, s8;
	s10 =	sand.u32 $0x3F00, s9  }
0x3e: {  	s10 =	sshrl.u32 s10, $0x2;
	s13 =	sshrl.u32 s13, $0x1  }
0x3f: {  	s10 =	sor.u32 s13, s10  }
0x40: {  	s8 =	sadd.s32 $0x20, s8;
	s9 =	sadd.s32 $0x40, s9;
	[tilespmem:s10+$0x4EC0] =	vst v0  }
0x41: {  	s8 =	sadd.s32 $0x0, s7  }
0x42: {  	[spmem:s8] =	stream.linear.scatter [tilespmem:s14], [sflag:$0xD], $0xE00, $0x38;
	[tilespmem:$0x1DBC0] =	vst v63  }
0x43: {  	s8 =	simm.s32 $0x3800;
	_ =	swait.ge [sflag:s12], $0xE00  }
.LBB2_4:
0x44: {  	s9 =	sshra.s32 s8, $0x2;
	[sflag:s12] =	ssyncset.done $0x0;
	p0 =	sne.s32 s8, $0x49800  }
.Ltmp3:
0x45: {  	s9 =	sadd.s32 s9, s7;
	[sflag:s12] =	ssyncadd.s32 $0xFFFFF200;
	(pc) =	sbr.rel @p0 .LBB2_4-.Ltmp3, $3  }
0x46: {  	[spmem:s9] =	stream.linear.scatter [tilespmem:s14], [sflag:$0xD], $0xE00, $0x38;
	[tilespmem:$0x1DBC0] =	vst v63  }
0x47: {  	s8 =	sadd.s32 $0x3800, s8;
	_ =	sdelay $0x1  }
0x48: {  	_ =	swait.ge [sflag:s12], $0xE00  }
0x49: {  	[sflag:s12] =	ssyncset.done $0x0  }
0x4a: {  	s8 =	rddreg [dreg:$0x6];
	[sflag:s12] =	ssyncadd.s32 $0xFFFFF200  }
0x4b: {  	[spmem:s8] =	stream.linear.scatter [tilespmem:s14], [sflag:$0xD], $0x500, $0x38;
	[tilespmem:$0x1DBC0] =	vst v63  }
0x4c: {  	_ =	swait.ge [sflag:s12], $0x500  }
0x4d: {  	[sflag:s12] =	ssyncset.done $0x0  }
0x4e: {  	[sflag:s12] =	ssyncadd.s32 $0xFFFFFB00  }
0x4f: {  	s8 =	simm.s32 $0x0;
	[bflag:$0x0] =	sbarrier.arrive $0xFFFF  }
0x50: {  	[tilespmem:s14], [sflag:$0x1] =	stream.indirect.gather [hbm4b:s1+s15], $0x40, s8, s15, $0xb8;
	[tilespmem:$0x1DBC0] =	vst v63  }
0x51: {  	_ = 	snop  }
0x52: {  	[tilespmem:s16], [sflag:$0x2] =	stream.indirect.gather [hbm4b:s1+s15], $0x40, s15, s15, $0xb8;
	[tilespmem:$0x1DBC0] =	vst v63  }
0x53: {  	s9 =	simm.s32 $0x70  }
0x54: {  	[tilespmem:s18], [sflag:$0x3] =	stream.indirect.gather [hbm4b:s1+s15], $0x40, s9, s15, $0xb8;
	[tilespmem:$0x1DBC0] =	vst v63  }
0x55: {  	_ =	swait.ge [sflag:s19], $0xE00  }
0x56: {  	[sflag:s19] =	ssyncset.done $0x0  }
0x57: {  	[sflag:s19] =	ssyncadd.s32 $0xFFFFF200  }
0x58: {  	[spmem:s3] =	stream.indirect.scatter.add.bf16 [tilespmem:s14], [sflag:$0x7], $0x40, s11, s15, $0xb8;
	[tilespmem:$0x1DBC0] =	vst v63  }
0x59: {  	s11 =	simm.s32 $0xA8  }
0x5a: {  	[tilespmem:s21], [sflag:$0x4] =	stream.indirect.gather [hbm4b:s1+s15], $0x40, s11, s15, $0xb8;
	[tilespmem:$0x1DBC0] =	vst v63  }
0x5b: {  	_ =	swait.ge [sflag:s22], $0xE00  }
0x5c: {  	[sflag:s22] =	ssyncset.done $0x0  }
0x5d: {  	s13 =	simm.s32 $0x2798;
	[sflag:s22] =	ssyncadd.s32 $0xFFFFF200  }
0x5e: {  	[spmem:s3] =	stream.indirect.scatter.add.bf16 [tilespmem:s16], [sflag:$0x8], $0x40, s13, s15, $0xb8;
	[tilespmem:$0x1DBC0] =	vst v63  }
0x5f: {  	s24 =	simm.s32 $0xE0  }
0x60: {  	[tilespmem:s28], [sflag:$0x5] =	stream.indirect.gather [hbm4b:s1+s15], $0x40, s24, s15, $0xb8;
	[tilespmem:$0x1DBC0] =	vst v63  }
0x61: {  	_ =	swait.ge [sflag:s29], $0xE00  }
0x62: {  	[sflag:s29] =	ssyncset.done $0x0  }
0x63: {  	s10 =	simm.s32 $0x27D0;
	[sflag:s29] =	ssyncadd.s32 $0xFFFFF200  }
0x64: {  	[spmem:s3] =	stream.indirect.scatter.add.bf16 [tilespmem:s18], [sflag:$0x9], $0x40, s10, s15, $0xb8;
	[tilespmem:$0x1DBC0] =	vst v63  }
0x65: {  	s11 =	simm.s32 $0x118  }
0x66: {  	[tilespmem:s0], [sflag:$0x6] =	stream.indirect.gather [hbm4b:s1+s15], $0x40, s11, s15, $0xb8;
	[tilespmem:$0x1DBC0] =	vst v63  }
0x67: {  	_ =	swait.ge [sflag:s17], $0xE00  }
0x68: {  	[sflag:s17] =	ssyncset.done $0x0  }
0x69: {  	s13 =	simm.s32 $0x2808;
	[sflag:s17] =	ssyncadd.s32 $0xFFFFF200  }
0x6a: {  	[spmem:s3] =	stream.indirect.scatter.add.bf16 [tilespmem:s21], [sflag:$0xA], $0x40, s13, s15, $0xb8;
	[tilespmem:$0x1DBC0] =	vst v63  }
0x6b: {  	_ =	swait.ge [sflag:s20], $0xE00  }
0x6c: {  	[sflag:s20] =	ssyncset.done $0x0  }
0x6d: {  	s24 =	simm.s32 $0x150;
	[sflag:s20] =	ssyncadd.s32 $0xFFFFF200  }
0x6e: {  	[tilespmem:s14], [sflag:$0x1] =	stream.indirect.gather [hbm4b:s1+s15], $0x40, s24, s15, $0xb8;
	[tilespmem:$0x1DBC0] =	vst v63  }
0x6f: {  	_ =	swait.ge [sflag:s26], $0xE00  }
0x70: {  	[sflag:s26] =	ssyncset.done $0x0  }
0x71: {  	s10 =	simm.s32 $0x2840;
	[sflag:s26] =	ssyncadd.s32 $0xFFFFF200  }
0x72: {  	[spmem:s3] =	stream.indirect.scatter.add.bf16 [tilespmem:s28], [sflag:$0xB], $0x40, s10, s15, $0xb8;
	[tilespmem:$0x1DBC0] =	vst v63  }
0x73: {  	_ =	swait.ge [sflag:s31], $0xE00  }
0x74: {  	[sflag:s31] =	ssyncset.done $0x0  }
0x75: {  	s11 =	simm.s32 $0x188;
	[sflag:s31] =	ssyncadd.s32 $0xFFFFF200  }
0x76: {  	[tilespmem:s16], [sflag:$0x2] =	stream.indirect.gather [hbm4b:s1+s15], $0x40, s11, s15, $0xb8;
	[tilespmem:$0x1DBC0] =	vst v63  }
0x77: {  	_ =	swait.ge [sflag:s23], $0xE00  }
0x78: {  	[sflag:s23] =	ssyncset.done $0x0  }
0x79: {  	s13 =	simm.s32 $0x2878;
	[sflag:s23] =	ssyncadd.s32 $0xFFFFF200  }
0x7a: {  	[spmem:s3] =	stream.indirect.scatter.add.bf16 [tilespmem:s0], [sflag:$0xC], $0x40, s13, s15, $0xb8;
	[tilespmem:$0x1DBC0] =	vst v63  }
0x7b: {  	_ =	swait.ge [sflag:s2], $0xE00  }
0x7c: {  	[sflag:s2] =	ssyncset.done $0x0  }
0x7d: {  	s24 =	simm.s32 $0x1C0;
	[sflag:s2] =	ssyncadd.s32 $0xFFFFF200  }
0x7e: {  	[tilespmem:s18], [sflag:$0x3] =	stream.indirect.gather [hbm4b:s1+s15], $0x40, s24, s15, $0xb8;
	[tilespmem:$0x1DBC0] =	vst v63  }
.LBB2_6:
0x7f: {  	_ =	swait.ge [sflag:s19], $0xE00  }
0x80: {  	s9 =	sshra.s32 s8, $0x2;
	[sflag:s19] =	ssyncset.done $0x0  }
0x81: {  	s10 =	sadd.s32 $0x28B0, s9;
	[sflag:s19] =	ssyncadd.s32 $0xFFFFF200  }
0x82: {  	[spmem:s3] =	stream.indirect.scatter.add.bf16 [tilespmem:s14], [sflag:$0x7], $0x40, s10, s15, $0xb8;
	[tilespmem:$0x1DBC0] =	vst v63  }
0x83: {  	_ =	swait.ge [sflag:s30], $0xE00  }
0x84: {  	[sflag:s30] =	ssyncset.done $0x0  }
0x85: {  	s24 =	sadd.s32 $0x1F8, s9;
	[sflag:s30] =	ssyncadd.s32 $0xFFFFF200  }
0x86: {  	[tilespmem:s21], [sflag:$0x4] =	stream.indirect.gather [hbm4b:s1+s15], $0x40, s24, s15, $0xb8;
	[tilespmem:$0x1DBC0] =	vst v63  }
0x87: {  	_ =	swait.ge [sflag:s22], $0xE00  }
0x88: {  	[sflag:s22] =	ssyncset.done $0x0  }
0x89: {  	s11 =	sadd.s32 $0x28E8, s9;
	[sflag:s22] =	ssyncadd.s32 $0xFFFFF200  }
0x8a: {  	[spmem:s3] =	stream.indirect.scatter.add.bf16 [tilespmem:s16], [sflag:$0x8], $0x40, s11, s15, $0xb8;
	[tilespmem:$0x1DBC0] =	vst v63  }
0x8b: {  	_ =	swait.ge [sflag:s4], $0xE00  }
0x8c: {  	[sflag:s4] =	ssyncset.done $0x0  }
0x8d: {  	s13 =	sadd.s32 $0x230, s9;
	[sflag:s4] =	ssyncadd.s32 $0xFFFFF200  }
0x8e: {  	[tilespmem:s28], [sflag:$0x5] =	stream.indirect.gather [hbm4b:s1+s15], $0x40, s13, s15, $0xb8;
	[tilespmem:$0x1DBC0] =	vst v63  }
0x8f: {  	_ =	swait.ge [sflag:s29], $0xE00  }
0x90: {  	[sflag:s29] =	ssyncset.done $0x0  }
0x91: {  	s24 =	sadd.s32 $0x2920, s9;
	[sflag:s29] =	ssyncadd.s32 $0xFFFFF200  }
0x92: {  	[spmem:s3] =	stream.indirect.scatter.add.bf16 [tilespmem:s18], [sflag:$0x9], $0x40, s24, s15, $0xb8;
	[tilespmem:$0x1DBC0] =	vst v63  }
0x93: {  	_ =	swait.ge [sflag:s5], $0xE00  }
0x94: {  	[sflag:s5] =	ssyncset.done $0x0  }
0x95: {  	s11 =	sadd.s32 $0x268, s9;
	[sflag:s5] =	ssyncadd.s32 $0xFFFFF200  }
0x96: {  	[tilespmem:s0], [sflag:$0x6] =	stream.indirect.gather [hbm4b:s1+s15], $0x40, s11, s15, $0xb8;
	[tilespmem:$0x1DBC0] =	vst v63  }
0x97: {  	_ =	swait.ge [sflag:s17], $0xE00  }
0x98: {  	[sflag:s17] =	ssyncset.done $0x0  }
0x99: {  	s13 =	sadd.s32 $0x2958, s9;
	[sflag:s17] =	ssyncadd.s32 $0xFFFFF200  }
0x9a: {  	[spmem:s3] =	stream.indirect.scatter.add.bf16 [tilespmem:s21], [sflag:$0xA], $0x40, s13, s15, $0xb8;
	[tilespmem:$0x1DBC0] =	vst v63  }
0x9b: {  	_ =	swait.ge [sflag:s20], $0xE00  }
0x9c: {  	p0 =	seq.s32 s8, $0x9300;
	[sflag:s20] =	ssyncset.done $0x0  }
0x9d: {  	s10 =	simm.s32 @p0 $0x5;
	[sflag:s20] =	ssyncadd.s32 $0xFFFFF200  }
0x9e: {  	_ =	swait.ge @p0 [sflag:s10], $0xE00  }
0x9f: {  	[sflag:s10] =	ssyncset.done @p0 $0x0  }
0xa0: {  	[sflag:s10] =	ssyncadd.s32 @p0 $0xFFFFF200;
	s10 =	sshra.s32 @p0 s8, $0x2  }
0xa1: {  	s11 =	simm.s32 @p0 $0x86C0;
	s13 =	simm.s32 @p0 $0x38;
	s10 =	sadd.s32 @p0 $0x2990, s10  }
0xa2: {  	[spmem:s3] =	stream.indirect.scatter.add.bf16 @p0 [tilespmem:s11], [sflag:$0xB], $0x40, s10, s13, $0xb8;
	[tilespmem:$0x1DBC0] =	vst v63  }
0xa3: {  	s10 =	simm.s32 @p0 $0x8  }
0xa4: {  	_ =	swait.ge @p0 [sflag:s10], $0xE00  }
0xa5: {  	[sflag:s10] =	ssyncset.done @p0 $0x0  }
0xa6: {  	[sflag:s10] =	ssyncadd.s32 @p0 $0xFFFFF200;
	s10 =	sshra.s32 @!p0 s8, $0x2  }
0xa7: {  	s24 =	simm.s32 @!p0 $0x4EC0;
	s13 =	simm.s32 @!p0 $0x38;
	s11 =	sadd.s32 @!p0 $0x2A0, s10  }
0xa8: {  	[tilespmem:s24], [sflag:$0x1] =	stream.indirect.gather @!p0 [hbm4b:s1+s13], $0x40, s11, s13, $0xb8;
	[tilespmem:$0x1DBC0] =	vst v63  }
0xa9: {  	s11 =	simm.s32 @!p0 $0x5  }
0xaa: {  	_ =	swait.ge @!p0 [sflag:s11], $0xE00  }
0xab: {  	[sflag:s11] =	ssyncset.done @!p0 $0x0  }
0xac: {  	s24 =	simm.s32 @!p0 $0x86C0;
	[sflag:s11] =	ssyncadd.s32 @!p0 $0xFFFFF200;
	s11 =	sadd.s32 @!p0 $0x2990, s10  }
0xad: {  	[spmem:s3] =	stream.indirect.scatter.add.bf16 @!p0 [tilespmem:s24], [sflag:$0xB], $0x40, s11, s13, $0xb8;
	[tilespmem:$0x1DBC0] =	vst v63  }
0xae: {  	s11 =	simm.s32 @!p0 $0x8  }
0xaf: {  	_ =	swait.ge @!p0 [sflag:s11], $0xE00  }
0xb0: {  	[sflag:s11] =	ssyncset.done @!p0 $0x0  }
0xb1: {  	s10 =	sadd.s32 @!p0 $0x2D8, s10;
	[sflag:s11] =	ssyncadd.s32 @!p0 $0xFFFFF200;
	s11 =	simm.s32 @!p0 $0x5CC0  }
0xb2: {  	[tilespmem:s11], [sflag:$0x2] =	stream.indirect.gather @!p0 [hbm4b:s1+s13], $0x40, s10, s13, $0xb8;
	[tilespmem:$0x1DBC0] =	vst v63  }
0xb3: {  	_ =	swait.ge [sflag:s23], $0xE00  }
0xb4: {  	[sflag:s23] =	ssyncset.done $0x0  }
.Ltmp4:
0xb5: {  	s24 =	sadd.s32 $0x29C8, s9;
	[sflag:s23] =	ssyncadd.s32 $0xFFFFF200;
	(pc) =	sbr.rel @p0 .LBB2_8-.Ltmp4, $4  }
0xb6: {  	[spmem:s3] =	stream.indirect.scatter.add.bf16 [tilespmem:s0], [sflag:$0xC], $0x40, s24, s15, $0xb8;
	[tilespmem:$0x1DBC0] =	vst v63  }
0xb7: {  	_ =	swait.ge [sflag:s2], $0xE00  }
0xb8: {  	[sflag:s2] =	ssyncset.done $0x0  }
0xb9: {  	[sflag:s2] =	ssyncadd.s32 $0xFFFFF200  }
.Ltmp5:
0xba: {  	(pc) =	sbr.rel .LBB2_6-.Ltmp5, $3  }
0xbb: {  	_ =	sdelay $0x1  }
0xbc: {  	s9 =	sadd.s32 $0x310, s9;
	s8 =	sadd.s32 $0x540, s8  }
0xbd: {  	[tilespmem:s18], [sflag:$0x3] =	stream.indirect.gather [hbm4b:s1+s15], $0x40, s9, s15, $0xb8;
	[tilespmem:$0x1DBC0] =	vst v63  }
.LBB2_9:
0xbe: {  	_ =	sfence.sel $0x180000  }
0xbf: {  	[bflag:$0x0] =	sbarrier.arrive $0xFFFF  }
0xc0: {  	_ =	strace $0x9000004D  }
0xc1: {  	s0 =	stileid.u32;
	[bflag:$0x2] =	sbarrier.arrive $0xFFFF  }
0xc2: {  	p0 =	sne.s32 s0, $0x0;
	s0 =	rddreg [dreg:$0x3]  }
0xc3: {  	s0 =	sadd.s32 @!p0 $0x100000, s0  }
0xc4: {  	[sflag:s0] =	ssyncadd.tile.s32 @!p0 $0x1;
	_ =	shalt  }
.Lfunc_end2:
_tile_overlayer_lowered:
.L_overlay_start_2:
0xc5: {  	(tag) =	ssettag $0x2  }
0xc6: {  	s0 =	rddreg [dreg:$0x0];
	s2 =	stileid.u32  }
0xc7: {  	s1 =	rddreg [dreg:$0x1];
	p0 =	sne.s32 s2, $0x0  }
0xc8: {  	s3 =	rddreg [dreg:$0x2];
	[bflag:$0x3] =	sbarrier.arrive $0xFFFF;
	s2 =	simm.s32 @!p0 $0x1C0D  }
0xc9: {  	[timem:s3], [sflag:s2] =	dma.local @!p0 [hbm:s0], s1  }
0xca: {  	s0 =	simm.s32 @!p0 $0xD  }
0xcb: {  	_ =	swait.ge @!p0 [sflag:s0], s1  }
0xcc: {  	s1 =	ssub.s32 @!p0 $0x0, s1;
	[sflag:s0] =	ssyncset.done @!p0 $0x0  }
0xcd: {  	[sflag:s0] =	ssyncadd.s32 @!p0 s1  }
0xce: {  	[bflag:$0x3] =	sbarrier.arrive $0xFFFF  }
0xcf: {  	_ =	shalt  }

// kernel: kernel.9.cloned.1.call-start
scs
__scs_entry_jumppad:
0x0: {  	(pc) =	sbr.rel $0x88, $3  }
0x1: {  	(tag) =	ssettag $0x0;
	lr =	simm.s32 $0x1  }
0x2: {  	[smem:$0x3F99] =	sst lr;
	_ =	strace $0xD0000000  }
0x3: {  	_ = 	snop  }
0x4: {  	_ = 	snop  }
0x5: {  	_ = 	snop  }
0x6: {  	_ = 	snop  }
0x7: {  	_ = 	snop  }
__scs_overlays_trampoline_lowered:
0x8: {  	[smem:$0x3FA8] =	sst s0  }
0x9: {  	[smem:$0x3FA9] =	sst s1  }
0xa: {  	[smem:$0x3FAA] =	sst s2  }
0xb: {  	[smem:$0x3FAB] =	sst s3  }
0xc: {  	[smem:$0x3FAC] =	sst s4  }
0xd: {  	[smem:$0x3FAD] =	sst s5  }
0xe: {  	[smem:$0x3FAE] =	sst s6  }
0xf: {  	[smem:$0x3FAF] =	sst s7  }
0x10: {  	[smem:$0x3FB0] =	sst s8  }
0x11: {  	[smem:$0x3FB1] =	sst s9;
	s0 =	simm.s32 @!p0 $0x0  }
0x12: {  	s1 =	sld [smem:$0x3F97];
	s0 =	simm.s32 @p0 $0x1  }
0x13: {  	[smem:$0x3FB2] =	sst s0;
	s0 =	simm.s32 @!p1 $0x0  }
0x14: {  	s2 =	sld [smem:$0x3F96];
	s0 =	simm.s32 @p1 $0x1  }
0x15: {  	[smem:$0x3FB3] =	sst s0;
	s0 =	simm.s32 @!p2 $0x0  }
0x16: {  	s3 =	sld [smem:$0x3FDB];
	s0 =	simm.s32 @p2 $0x1  }
0x17: {  	s4 =	simm.s32 $0x1BF5;
	[smem:$0x3FB5] =	sst s0  }
0x18: {  	s0 =	sld [smem:$0x3F98];
	_ =	swait.ge [sflag:s4], $0x0  }
0x19: {  	s7 =	sld [smem:$0x3F99]  }
0x1a: {  	s8 =	sadd.s32 $0xFFFFE003, lr  }
0x1b: {  	s9 =	sadd.s32 $0xFFFFFEF7, lr;
	s5 =	simm.s32 $0xFFFFFFFF;
	p2 =	slt.u32 s8, $0xFFFFF086  }
0x1c: {  	p1 =	slt.u32 s9, $0xF7A;
	s5 =	simm.s32 @!p2 $0x0  }
0x1d: {  	s5 =	simm.s32 @p1 $0x1;
	p0 =	seq.s32 s7, s2  }
0x1e: {  	s7 =	smul.u32 @!p0 $0xF7A, s2;
	p2 =	seq.s32 @!p0 s5, $0x0  }
0x1f: {  	s9 =	smul.u32 $0xF7A, s1;
	s8 =	simm.s32 @!p0 $0x1BF5;
	p2 =	por !p2, p0  }
0x20: {  	[sflag:s8] =	ssyncset.s32 @!p0 $0xFFFFF086;
	s6 =	sadd.s32 @!p0 s3, s7;
	s7 =	simm.s32 @!p0 $0x108  }
0x21: {  	s3 =	sadd.s32 s3, s9;
	s6 =	sadd.s32 @!p0 $0x88, s6;
	s7 =	simm.s32 @p2 $0x1082  }
0x22: {  	[simem:s7], [sflag:s8] =	dma.local @!p0 [hbm:s6], $0xF7A  }
0x23: {  	s9 =	sor.u32 $0xD0000000, s2;
	s6 =	simm.s32 $0x108;
	_ =	swait.ge @!p0 [sflag:s8], $0x0  }
0x24: {  	s3 =	sadd.s32 $0x88, s3;
	s6 =	simm.s32 @!p1 $0x1082;
	[sflag:s4] =	ssyncset.s32 $0xFFFFF086  }
0x25: {  	[simem:s6], [sflag:s4] =	dma.local [hbm:s3], $0xF7A  }
0x26: {  	[smem:$0x3F99] =	sst s1;
	(tag) =	ssettag s2;
	_ =	strace s9  }
0x27: {  	s1 =	sld [smem:$0x3FA9]  }
0x28: {  	s2 =	sld [smem:$0x3FAA]  }
0x29: {  	s4 =	sld [smem:$0x3FAC]  }
0x2a: {  	p0 =	seq.s32 s5, $0x0;
	s5 =	sld [smem:$0x3FAD]  }
0x2b: {  	s6 =	sld [smem:$0x3FAE]  }
0x2c: {  	s7 =	sld [smem:$0x3FAF]  }
0x2d: {  	s3 =	simm.s32 $0x108;
	s8 =	sld [smem:$0x3FB0]  }
0x2e: {  	s3 =	simm.s32 @!p0 $0x1082;
	s9 =	sld [smem:$0x3FB1]  }
0x2f: {  	lr =	sadd.s32 s0, s3;
	s0 =	sld [smem:$0x3FA8]  }
0x30: {  	s3 =	sld [smem:$0x3FAB]  }
0x31: {  	[smem:$0x3FB4] =	sst s10  }
0x32: {  	s10 =	sld [smem:$0x3FB2];
	_ =	sdelay $0x3  }
0x33: {  	p0 =	seq.s32 s10, $0x1;
	s10 =	sld [smem:$0x3FB4];
	_ =	sdelay $0x3  }
0x34: {  	[smem:$0x3FB4] =	sst s10  }
0x35: {  	s10 =	sld [smem:$0x3FB3];
	_ =	sdelay $0x3  }
0x36: {  	p1 =	seq.s32 s10, $0x1;
	s10 =	sld [smem:$0x3FB4];
	_ =	sdelay $0x3  }
0x37: {  	[smem:$0x3FB4] =	sst s10  }
0x38: {  	s10 =	sld [smem:$0x3FB5]  }
0x39: {  	_ = 	snop;
	(pc) =	sbr.ind lr, $3  }
0x3a: {  	_ = 	snop  }
0x3b: {  	_ = 	snop  }
0x3c: {  	p2 =	seq.s32 s10, $0x1;
	s10 =	sld [smem:$0x3FB4]  }
0x3d: {  	_ =	shalt  }
0x3e: {  	_ =	shalt  }
0x3f: {  	_ =	shalt  }
0x40: {  	_ =	shalt  }
0x41: {  	_ =	shalt  }
0x42: {  	_ =	shalt  }
0x43: {  	_ =	shalt  }
0x44: {  	_ =	shalt  }
0x45: {  	_ =	shalt  }
0x46: {  	_ =	shalt  }
0x47: {  	_ =	shalt  }
0x48: {  	_ =	shalt  }
0x49: {  	_ =	shalt  }
0x4a: {  	_ =	shalt  }
0x4b: {  	_ =	shalt  }
0x4c: {  	_ =	shalt  }
0x4d: {  	_ =	shalt  }
0x4e: {  	_ =	shalt  }
0x4f: {  	_ =	shalt  }
0x50: {  	_ =	shalt  }
0x51: {  	_ =	shalt  }
0x52: {  	_ =	shalt  }
0x53: {  	_ =	shalt  }
0x54: {  	_ =	shalt  }
0x55: {  	_ =	shalt  }
0x56: {  	_ =	shalt  }
0x57: {  	_ =	shalt  }
0x58: {  	_ =	shalt  }
0x59: {  	_ =	shalt  }
0x5a: {  	_ =	shalt  }
0x5b: {  	_ =	shalt  }
0x5c: {  	_ =	shalt  }
0x5d: {  	_ =	shalt  }
0x5e: {  	_ =	shalt  }
0x5f: {  	_ =	shalt  }
0x60: {  	_ =	shalt  }
0x61: {  	_ =	shalt  }
0x62: {  	_ =	shalt  }
0x63: {  	_ =	shalt  }
0x64: {  	_ =	shalt  }
0x65: {  	_ =	shalt  }
0x66: {  	_ =	shalt  }
0x67: {  	_ =	shalt  }
0x68: {  	_ =	shalt  }
0x69: {  	_ =	shalt  }
0x6a: {  	_ =	shalt  }
0x6b: {  	_ =	shalt  }
0x6c: {  	_ =	shalt  }
0x6d: {  	_ =	shalt  }
0x6e: {  	_ =	shalt  }
0x6f: {  	_ =	shalt  }
0x70: {  	_ =	shalt  }
0x71: {  	_ =	shalt  }
0x72: {  	_ =	shalt  }
0x73: {  	_ =	shalt  }
0x74: {  	_ =	shalt  }
0x75: {  	_ =	shalt  }
0x76: {  	_ =	shalt  }
0x77: {  	_ =	shalt  }
0x78: {  	_ =	shalt  }
0x79: {  	_ =	shalt  }
0x7a: {  	_ =	shalt  }
0x7b: {  	_ =	shalt  }
0x7c: {  	_ =	shalt  }
0x7d: {  	_ =	shalt  }
0x7e: {  	_ =	shalt  }
0x7f: {  	_ =	shalt  }
0x80: {  	_ =	shalt  }
0x81: {  	_ =	shalt  }
0x82: {  	_ =	shalt  }
0x83: {  	_ =	shalt  }
0x84: {  	_ =	shalt  }
0x85: {  	_ =	shalt  }
0x86: {  	_ =	shalt  }
0x87: {  	_ =	shalt  }
.Lfunc_end0:
.L_simem_size_0:
called_computation_lowered:
.L_overlay_start_0:
0x88: {  	s2 =	sld [smem:$0x3FD9]  }
0x89: {  	s3 =	sld [smem:$0x3FFE];
	_ =	sdelay $0x1  }
0x8a: {  	s1 =	srdreg.scid  }
0x8b: {  	s0 =	sand.u32 $0x1, s1  }
0x8c: {  	s17 =	sshll.u32 s0, $0xA;
	s2 =	sadd.s32 s3, s2  }
0x8d: {  	s2 =	sadd.s32 s2, s17  }
0x8e: {  	[smem:$0x3FC0] =	sst s2  }
0x8f: {  	_ = 	snop  }
0x90: {  	s2 =	sld [smem:$0x3FD0];
	(tm) =	ssettm $0x1  }
0x91: {  	s18 =	sld [smem:$0x3FFB];
	_ =	sdelay $0x3  }
0x92: {  	_ =	strace s18  }
0x93: {  	s3 =	sld [smem:$0x3FFC];
	_ =	sdelay $0x3  }
0x94: {  	_ =	strace s3  }
0x95: {  	s3 =	sld [smem:$0x3FFD];
	_ =	sdelay $0x3  }
0x96: {  	_ =	strace s3  }
0x97: {  	_ =	strace $0x8FFFFFFF  }
0x98: {  	s19 =	sld [smem:$0x3FDB];
	_ =	sdelay $0x1  }
0x99: {  	s4 =	simm.s32 $_scs_section_size  }
0x9a: {  	s5 =	simm.s32 $_size__tile_overlayer_lowered;
	s6 =	simm.s32 $_tile_overlayer_lowered  }
0x9b: {  	s22 =	simm.s32 $0x1BFF;
	s21 =	sshll.u32 s6, $0x1;
	s3 =	sadd.s32 s4, s19  }
0x9c: {  	s7 =	simm.s32 $0x0;
	s20 =	sshll.u32 s5, $0x1;
	s5 =	sadd.s32 s21, s3  }
0x9d: {  	[timem:s7], [sflag:s22] =	dma.local [hbm:s5], s20  }
0x9e: {  	_ =	swait.ge [sflag:s22], s20  }
0x9f: {  	s4 =	ssub.s32 $0x0, s20;
	[sflag:s22] =	ssyncset.done $0x0  }
0xa0: {  	[sflag:s22] =	ssyncadd.s32 s4;
	_ =	sdelay $0x1  }
0xa1: {  	s23 =	simm.s32 $0x1B8B  }
0xa2: {  	_ =	swait.ge [sflag:s23], $0x1  }
0xa3: {  	[sflag:s23] =	ssyncset.done $0x0  }
0xa4: {  	s25 =	simm.s32 $0x1B8E;
	s24 =	sld [smem:$0x3FFE];
	[sflag:s23] =	ssyncadd.s32 $0xFFFFFFFF  }
0xa5: {  	s26 =	simm.s32 $execute0_lowered;
	[smem:$0x3FD2] =	sst s25  }
0xa6: {  	s5 =	sshll.u32 s26, $0x1;
	_ =	strace $0x80000046;
	[dreg:$0x1] =	wrdreg $0xFFFFFFFF  }
0xa7: {  	s28 =	simm.s32 $_size_execute0_lowered;
	s3 =	sadd.s32 s3, s5;
	[dreg:$0x0] =	wrdreg $0x0  }
0xa8: {  	s5 =	sshll.u32 s28, $0x1;
	[dreg:$0x2] =	wrdreg s3  }
0xa9: {  	[dreg:$0x3] =	wrdreg s5  }
0xaa: {  	[dreg:$0x4] =	wrdreg $0xC0  }
0xab: {  	_ =	task [dreg:s7], $0x5FFFF  }
0xac: {  	[dreg:$0x1] =	wrdreg $0xFFFFFFFF  }
0xad: {  	[dreg:$0x0] =	wrdreg $0x60  }
0xae: {  	[dreg:$0x2] =	wrdreg s24  }
0xaf: {  	[dreg:$0x3] =	wrdreg s2  }
0xb0: {  	[dreg:$0x4] =	wrdreg $0x9  }
0xb1: {  	_ =	task.clear_ibuf [dreg:s7], $0x5FFFF;
	_ =	strace $0x90000046  }
0xb2: {  	s29 =	simm.s32 $0x9;
	_ =	strace $0x80000048  }
0xb3: {  	_ =	swait.ge [sflag:s29], $0x1  }
0xb4: {  	[sflag:s29] =	ssyncadd.s32 $0xFFFFFFFF  }
0xb5: {  	_ =	strace $0x90000048  }
0xb6: {  	_ =	sfence  }
0xb7: {  	s30 =	sld [smem:$0x0];
	_ =	sdelay $0x2  }
0xb8: {  	s31 =	sshll.u32 s1, $0xD;
	s1 =	sshrl.u32 s1, $0x2  }
0xb9: {  	s3 =	sand.u32 $0x4000, s31;
	s1 =	sadd.s32 s1, s30  }
0xba: {  	s0 =	sor.u32 s3, s0;
	s1 =	sshll.u32 s1, $0x11  }
0xbb: {  	s0 =	sor.u32 s1, s0  }
0xbc: {  	s0 =	sadd.s32 $0x8F2B, s0  }
0xbd: {  	[sflag:s0] =	ssyncadd.remote.s32 $0x1  }
0xbe: {  	_ =	sfence.sel $0xFFFF  }
0xbf: {  	[dreg:$0x0] =	wrdreg $0xFFFFFFFF;
	(pc) =	sbr.abs _section_cstart, $3  }
0xc0: {  	[dreg:$0x1] =	wrdreg $0xFFFFFFFF  }
0xc1: {  	_ =	task.clear_ibuf [dreg:s7], $0x2FFFF;
	_ =	strace $0x9FFFFFFF  }
0xc2: {  	(tm) =	ssettm $0x7FFFFFFF  }
0xc3: {  	_ =	shalt  }
tec
execute0_lowered:
.L_overlay_start_1:
0x0: {  	(tag) =	ssettag $0x1  }
0x1: {  	s0 =	srdreg.scid;
	s4 =	rddreg [dreg:$0x0]  }
0x2: {  	s5 =	rddreg [dreg:$0x1];
	s2 =	simm.s32 $0x0;
	s3 =	sand.u32 $0x1, s0  }
0x3: {  	s10 =	simm.s32 $0x4F00;
	s0 =	stileid.u32;
	s1 =	sshll.u32 s3, $0x4  }
0x4: {  	s11 =	simm.s32 $0x7680;
	s12 =	simm.s32 $0x80;
	s6 =	sor.u32 s0, s1  }
0x5: {  	s13 =	simm.s32 $0x400;
	s14 =	simm.s32 $0x0;
	s7 =	sshrl.u32 s6, $0x3  }
0x6: {  	[smem:$0x7FF] =	sst s2;
	s8 =	sshll.u32 s0, $0x7;
	s7 =	smul.u32 $0x13C00, s7  }
0x7: {  	s3 =	ssub.s32 $0x2, s3;
	s8 =	sand.u32 $0x380, s8;
	s6 =	smul.u32 $0x4E2, s6  }
0x8: {  	s1 =	rddreg [dreg:$0x2];
	_ =	strace $0x80000047;
	s7 =	sor.u32 s8, s7  }
0x9: {  	s31 =	sshrl.u32 s3, $0x1;
	s6 =	sadd.s32 s6, s4;
	s7 =	sshrl.u32 s7, $0x3  }
0xa: {  	s8 =	ssub.s32 s3, s31;
	s3 =	sadd.s32 $0xC800, s6;
	s9 =	sadd.s32 s7, s4  }
0xb: {  	s4 =	sadd.s32 $0x2A00, s6;
	s5 =	sadd.s32 s5, s7;
	s7 =	smax.u32 s8, $0x1  }
0xc: {  	v0 =	vimm.f32 $0.0e+00;
	v1 =	vimm.f32 $1.000000000e+00;
	s8 =	simm.s32 $0x1;
	s6 =	sadd.s32 $0x16600, s9;
	s9 =	simm.s32 $0x2780  }
.LBB2_1:
0xd: {  	[tilespmem:s2], [sflag:$0x1] =	stream.linear.gather [hbm4b:s3+s2], $0x2710, $0x38;
	[tilespmem:$0x9E00] =	vst v63  }
0xe: {  	_ =	swait.ge [sflag:s8], $0x2710  }
0xf: {  	[sflag:s8] =	ssyncset.done $0x0  }
0x10: {  	[sflag:s8] =	ssyncadd.s32 $0xFFFFD8F0  }
0x11: {  	[tilespmem:s9], [sflag:$0x1] =	stream.linear.gather [hbm4b:s4+s2], $0x2710, $0x38;
	[tilespmem:$0x9E00] =	vst v63  }
0x12: {  	_ =	swait.ge [sflag:s8], $0x2710  }
0x13: {  	[sflag:s8] =	ssyncset.done $0x0  }
0x14: {  	s15 =	simm.s32 $0x0;
	[sflag:s8] =	ssyncadd.s32 $0xFFFFD8F0  }
.LBB2_2:
0x15: {  	p0 =	sne.s32 s15, $0x9C40  }
.Ltmp0:
0x16: {  	_ = 	snop;
	(pc) =	sbr.rel @p0 .LBB2_2-.Ltmp0, $4  }
0x17: {  	_ = 	snop  }
0x18: {  	s16 =	sshra.s32 s15, $0x2  }
0x19: {  	[tilespmem:s16+$0x4F00] =	vst v0  }
0x1a: {  	s15 =	sadd.s32 $0x40, s15;
	[tilespmem:s16+$0x7680] =	vst v0  }
0x1b: {  	s16 =	simm.s32 $0x0  }
0x1c: {  	s15 =	simm.s32 $0x40;
	v2 =	vld [tilespmem:s16+$0x0]  }
.LBB2_4:
0x1d: {  	p0 =	sne.s32 s15, $0x9C00;
	v3 =	vld [tilespmem:s16+$0x2780];
	_ =	sdelay $0x4  }
.Ltmp1:
0x1e: {  	(pc) =	sbr.rel @p0 .LBB2_4-.Ltmp1, $4  }
0x1f: {  	_ = 	snop  }
0x20: {  	[tilespmem:v2+s10+$0x0] =	vst.idx.add.f32.msk $0xffff, v1  }
0x21: {  	s16 =	sshra.s32 s15, $0x2;
	[tilespmem:v3+s11+$0x0] =	vst.idx.add.f32.msk $0xffff, v1  }
0x22: {  	s15 =	sadd.s32 $0x40, s15;
	v2 =	vld [tilespmem:s16+$0x0]  }
0x23: {  	_ = 	snop  }
0x24: {  	v3 =	vld [tilespmem:s16+$0x2780];
	_ =	sdelay $0x6  }
0x25: {  	[tilespmem:v2+s10+$0x0] =	vst.idx.add.f32.msk $0xffff, v1  }
0x26: {  	[tilespmem:v3+s11+$0x0] =	vst.idx.add.f32.msk $0xffff, v1  }
0x27: {  	[hbm4b:s5+s12] =	stream.strided.scatter [tilespmem:s10], [sflag:$0x1], $0x2780, s13, s12, $0x38;
	[tilespmem:$0x9E00] =	vst v63  }
0x28: {  	s14 =	sadd.s32 $0x1, s14;
	_ =	swait.ge [sflag:s8], $0x2780  }
0x29: {  	p0 =	sne.s32 s14, s7;
	[sflag:s8] =	ssyncset.done $0x0  }
.Ltmp2:
0x2a: {  	[sflag:s8] =	ssyncadd.s32 $0xFFFFD880;
	(pc) =	sbr.rel @p0 .LBB2_1-.Ltmp2, $4  }
0x2b: {  	[hbm4b:s6+s12] =	stream.strided.scatter [tilespmem:s11], [sflag:$0x1], $0x2780, s13, s12, $0x38;
	[tilespmem:$0x9E00] =	vst v63  }
0x2c: {  	_ =	swait.ge [sflag:s8], $0x2780  }
0x2d: {  	[sflag:s8] =	ssyncset.done $0x0  }
0x2e: {  	[sflag:s8] =	ssyncadd.s32 $0xFFFFD880  }
0x2f: {  	_ =	sfence.sel $0x180000  }
0x30: {  	[bflag:$0x0] =	sbarrier.arrive $0xFFFF  }
0x31: {  	p0 =	sne.s32 s0, $0x0;
	_ =	strace $0x90000047  }
0x32: {  	s0 =	sadd.s32 @!p0 $0x100000, s1;
	[bflag:$0x2] =	sbarrier.arrive $0xFFFF  }
0x33: {  	[sflag:s0] =	ssyncadd.tile.s32 @!p0 $0x1;
	_ =	shalt  }
.Lfunc_end2:
_tile_overlayer_lowered:
.L_overlay_start_2:
0x34: {  	(tag) =	ssettag $0x2  }
0x35: {  	s0 =	rddreg [dreg:$0x0];
	s2 =	stileid.u32  }
0x36: {  	s1 =	rddreg [dreg:$0x1];
	p0 =	sne.s32 s2, $0x0  }
0x37: {  	s3 =	rddreg [dreg:$0x2];
	[bflag:$0x3] =	sbarrier.arrive $0xFFFF;
	s2 =	simm.s32 @!p0 $0x1C01  }
0x38: {  	[timem:s3], [sflag:s2] =	dma.local @!p0 [hbm:s0], s1  }
0x39: {  	s0 =	simm.s32 @!p0 $0x1  }
0x3a: {  	_ =	swait.ge @!p0 [sflag:s0], s1  }
0x3b: {  	s1 =	ssub.s32 @!p0 $0x0, s1;
	[sflag:s0] =	ssyncset.done @!p0 $0x0  }
0x3c: {  	[sflag:s0] =	ssyncadd.s32 @!p0 s1  }
0x3d: {  	[bflag:$0x3] =	sbarrier.arrive $0xFFFF  }
0x3e: {  	_ =	shalt  }

</sc_bundles>
